<compile_context>
chip_gen: v7x
topology: tpu7x:2x2x1
jax: 0.10.2.dev20260603
libtpu: 0.0.44.dev20260713+nightly
codegen_flags: <defaults>
</compile_context>

<pallas_src>
import jax
import jax.numpy as jnp
from jax.experimental import pallas as pl
from jax.experimental.pallas import tpu as pltpu
from jax.experimental.pallas import tpu_sc as plsc

_B, _C, _H, _W = 2, 96, 224, 224
_E = 11
_K = 6
_HID = _C * 4
_HW = _H * _W
_TB = 1792
_NBLK = _HW // _TB
_GRID = _B * _NBLK
_N = _B * _HW
_HB = _TB // _W

_NWORK = 32
_CHUNK = 3200
_NP = _NWORK * _CHUNK
_NGRP = _CHUNK // 16
_SW = 128


def _logits_kernel(x_ref, wg_ref, logit_ref):
    xt = x_ref[0].reshape(_C, _TB)
    logit_ref[...] = jnp.dot(wg_ref[...], xt,
                             preferred_element_type=jnp.float32)


def _router_sc(logit_hbm, wts_hbm, psum_hbm, lsum_hbm,
               logit_v, wts_v, psum_v, lsum_v):
    nc = jax.lax.axis_size("c")
    wid = jax.lax.axis_index("s") * nc + jax.lax.axis_index("c")
    base = wid * _CHUNK
    pltpu.sync_copy(logit_hbm.at[:, pl.ds(base, _CHUNK)], logit_v)

    def body(i, carry):
        pacc, lacc = carry
        pix = jax.lax.iota(jnp.int32, 16) + (base + i * 16)
        valid = pix < _N
        lo = [logit_v[e, pl.ds(i * 16, 16)] for e in range(_E)]
        m = lo[0]
        for e in range(1, _E):
            m = jnp.maximum(m, lo[e])
        p = [jnp.exp(lo[e] - m) for e in range(_E)]
        s = p[0]
        for e in range(1, _E):
            s = s + p[e]
        probs = [p[e] / s for e in range(_E)]
        rank = [jnp.zeros((16,), jnp.int32) for _ in range(_E)]
        one = jnp.ones((16,), jnp.int32)
        zero = jnp.zeros((16,), jnp.int32)
        for e in range(_E):
            for f in range(e + 1, _E):
                a = probs[e] >= probs[f]
                rank[f] = rank[f] + jnp.where(a, one, zero)
                rank[e] = rank[e] + jnp.where(a, zero, one)
        sel = [rank[e] < _K for e in range(_E)]
        wsel = jnp.where(sel[0], probs[0], 0.0)
        for e in range(1, _E):
            wsel = wsel + jnp.where(sel[e], probs[e], 0.0)
        newp = list(pacc)
        newl = list(lacc)
        for e in range(_E):
            wts_v[e, pl.ds(i * 16, 16)] = jnp.where(
                sel[e], probs[e] / wsel, 0.0)
            newp[e] = pacc[e] + jnp.where(valid, probs[e], 0.0)
            newl[e] = lacc[e] + jnp.where(valid & sel[e], 1.0, 0.0)
        return tuple(newp), tuple(newl)

    z = tuple(jnp.zeros((16,), jnp.float32) for _ in range(_E))
    pacc, lacc = jax.lax.fori_loop(0, _NGRP, body, (z, z))
    pltpu.sync_copy(wts_v, wts_hbm.at[:, pl.ds(base, _CHUNK)])
    zv = jnp.zeros((16,), jnp.float32)
    for e in range(_E):
        psum_v[e, pl.ds(0, 16)] = pacc[e]
        lsum_v[e, pl.ds(0, 16)] = lacc[e]
        for j in range(1, _SW // 16):
            psum_v[e, pl.ds(j * 16, 16)] = zv
            lsum_v[e, pl.ds(j * 16, 16)] = zv
    pltpu.sync_copy(psum_v, psum_hbm.at[:, pl.ds(wid * _SW, _SW)])
    pltpu.sync_copy(lsum_v, lsum_hbm.at[:, pl.ds(wid * _SW, _SW)])


def _expert_kernel(x_ref, wts_ref, w1_ref, w2_ref, psum_ref, lsum_ref,
                   y_ref, aux_ref):
    g = pl.program_id(0)
    xt = x_ref[0].reshape(_C, _TB)
    wts = wts_ref[...]
    acc = xt
    xb = xt.astype(jnp.bfloat16)
    for i in range(_E):
        h = jnp.dot(w1_ref[i], xb,
                    preferred_element_type=jnp.float32).astype(jnp.bfloat16)
        hm = h * jnp.bfloat16(0.5)
        gl = hm + hm * jax.lax.erf(h * jnp.bfloat16(0.7071067811865476))
        outi = jnp.dot(w2_ref[i], gl, preferred_element_type=jnp.float32)
        acc = acc + wts[i:i + 1, :] * outi
    y_ref[0] = acc.reshape(_C, _HB, _W)

    @pl.when(g == _GRID - 1)
    def _fin():
        inv_n = 1.0 / _N
        a = jnp.sum(psum_ref[...], axis=1, keepdims=True) * inv_n
        b = jnp.sum(lsum_ref[...], axis=1, keepdims=True) * inv_n
        aux_ref[...] = _E * jnp.sum(a * b, keepdims=True)


def kernel(x, Wg, bg, W1, b1, W2, b2):
    del bg, b1, b2
    logits = pl.pallas_call(
        _logits_kernel,
        grid=(_GRID,),
        in_specs=[
            pl.BlockSpec((1, _C, _HB, _W),
                         lambda g: (g // _NBLK, 0, g % _NBLK, 0)),
            pl.BlockSpec((_E, _C), lambda g: (0, 0)),
        ],
        out_specs=pl.BlockSpec((_E, _TB), lambda g: (0, g)),
        out_shape=jax.ShapeDtypeStruct((_E, _NP), jnp.float32),
    )(x, Wg)

    router = pl.kernel(
        _router_sc,
        out_type=[
            jax.ShapeDtypeStruct((_E, _NP), jnp.float32),
            jax.ShapeDtypeStruct((_E, _NWORK * _SW), jnp.float32),
            jax.ShapeDtypeStruct((_E, _NWORK * _SW), jnp.float32),
        ],
        mesh=plsc.VectorSubcoreMesh(core_axis_name="c", subcore_axis_name="s"),
        scratch_types=[
            pltpu.VMEM((_E, _CHUNK), jnp.float32),
            pltpu.VMEM((_E, _CHUNK), jnp.float32),
            pltpu.VMEM((_E, _SW), jnp.float32),
            pltpu.VMEM((_E, _SW), jnp.float32),
        ],
    )
    wts, psum, lsum = router(logits)

    y, aux = pl.pallas_call(
        _expert_kernel,
        grid=(_GRID,),
        in_specs=[
            pl.BlockSpec((1, _C, _HB, _W),
                         lambda g: (g // _NBLK, 0, g % _NBLK, 0)),
            pl.BlockSpec((_E, _TB), lambda g: (0, g)),
            pl.BlockSpec((_E, _HID, _C), lambda g: (0, 0, 0)),
            pl.BlockSpec((_E, _C, _HID), lambda g: (0, 0, 0)),
            pl.BlockSpec((_E, _NWORK * _SW), lambda g: (0, 0)),
            pl.BlockSpec((_E, _NWORK * _SW), lambda g: (0, 0)),
        ],
        out_specs=[
            pl.BlockSpec((1, _C, _HB, _W),
                         lambda g: (g // _NBLK, 0, g % _NBLK, 0)),
            pl.BlockSpec((1, 1), lambda g: (0, 0)),
        ],
        out_shape=[
            jax.ShapeDtypeStruct((_B, _C, _H, _W), jnp.float32),
            jax.ShapeDtypeStruct((1, 1), jnp.float32),
        ],
    )(x, wts, W1.astype(jnp.bfloat16), W2.astype(jnp.bfloat16), psum, lsum)
    return y, aux[0, 0]

# --- scband reference (transcript-rebuilt; emitter-appended) ---
"""Pipeline reference for scband-sparse-mo-eblock-80118319939670 (READ-ONLY COPY).

The authoritative reference and input builder live on the scoring server;
editing this copy changes nothing except your own understanding.
"""

import jax, jax.numpy as jnp
import numpy as np

B, C, H, W = 2, 96, 224, 224
E = 11
K = 6
HID = C * 4


def setup_inputs(seed: int = 0) -> dict:
    key = jax.random.key(seed)
    ks = jax.random.split(key, 8)
    x = jax.random.normal(ks[0], (B, C, H, W), dtype=jnp.float32)
    Wg = jax.random.normal(ks[1], (E, C), dtype=jnp.float32) * 0.02
    bg = jnp.zeros((E,), dtype=jnp.float32)
    W1 = jax.random.normal(ks[2], (E, HID, C), dtype=jnp.float32) * 0.02
    b1 = jnp.zeros((E, HID), dtype=jnp.float32)
    W2 = jax.random.normal(ks[3], (E, C, HID), dtype=jnp.float32) * 0.02
    b2 = jnp.zeros((E, C), dtype=jnp.float32)
    return {"x": x, "Wg": Wg, "bg": bg, "W1": W1, "b1": b1, "W2": W2, "b2": b2}


def _forward(x, Wg, bg, W1, b1, W2, b2):
    e = Wg.shape[0]
    k = K
    # Router: 1x1 conv == per-pixel linear over channels
    logits = jnp.einsum('bchw,ec->bhwe', x, Wg) + bg  # (B,H,W,E)
    scores = jax.nn.softmax(logits, axis=-1)
    topk_probs, topk_idx = jax.lax.top_k(scores, k)  # (B,H,W,K)
    topk_probs = topk_probs / jnp.sum(topk_probs, axis=-1, keepdims=True)
    onehot = jax.nn.one_hot(topk_idx, e, dtype=x.dtype)  # (B,H,W,K,E)
    # scatter of topk_probs into expert mask (indices unique -> sum == scatter overwrite)
    expert_mask = jnp.sum(onehot * topk_probs[..., None], axis=3)  # (B,H,W,E)
    final = jnp.zeros_like(x)
    for i in range(e):
        h = jnp.einsum('bchw,fc->bfhw', x, W1[i]) + b1[i][None, :, None, None]
        h = jax.nn.gelu(h, approximate=False)
        out_i = jnp.einsum('bfhw,cf->bchw', h, W2[i]) + b2[i][None, :, None, None]
        w_i = expert_mask[..., i][:, None, :, :]  # (B,1,H,W)
        final = final + w_i * out_i
    mean_prob = jnp.mean(scores, axis=(0, 1, 2))  # (E,)
    one_hot_full = jnp.sum(onehot, axis=3)  # (B,H,W,E), values in {0,1}
    mean_load = jnp.mean(one_hot_full, axis=(0, 1, 2))  # (E,)
    aux_loss = e * jnp.sum(mean_prob * mean_load)
    return (x + final, aux_loss)


def reference(x, Wg, bg, W1, b1, W2, b2):
    return _forward(x, Wg, bg, W1, b1, W2, b2)

if __name__ == "__main__":
    import jax
    _d = setup_inputs()
    print(jax.jit(kernel)(*tuple(_d.values())))

</pallas_src>

<mosaic_0001>
#map = affine_map<(d0, d1) -> (0, 0)>
module attributes {stable_mosaic.version = 14 : i64} {
  func.func @_router_sc(%arg0: i32, %arg1: i32, %arg2: memref<11x102400xf32, #tpu.memory_space<hbm>>, %arg3: memref<11x102400xf32, #tpu.memory_space<hbm>>, %arg4: memref<11x4096xf32, #tpu.memory_space<hbm>>, %arg5: memref<11x4096xf32, #tpu.memory_space<hbm>>, %arg6: memref<11x3200xf32, #tpu.memory_space<vmem>>, %arg7: memref<11x3200xf32, #tpu.memory_space<vmem>>, %arg8: memref<11x128xf32, #tpu.memory_space<vmem>>, %arg9: memref<11x128xf32, #tpu.memory_space<vmem>>) attributes {dimension_semantics = [#tpu.dimension_semantics<core_parallel>, #tpu.dimension_semantics<subcore_parallel>], iteration_bounds = array<i64: 2, 16>, scalar_prefetch = 0 : i64, scratch_operands = 4 : i64, tpu.core_type = #tpu.core_type<sc_vector_subcore>, window_params = [{transform_indices = #map}, {transform_indices = #map}, {transform_indices = #map}, {transform_indices = #map}]} {
    %mul3A = arith.constant 2 : i32
    %mul3A_0 = arith.muli %arg1, %mul3A : i32
    %add3A = arith.addi %mul3A_0, %arg0 : i32
    %mul3A_1 = arith.constant 3200 : i32
    %mul3A_2 = arith.muli %add3A, %mul3A_1 : i32
    "tpu.region"() ({
      %run_scoped3A = tpu.sem_alloc : memref<!tpu.dma_semaphore, #tpu.memory_space<semaphore_mem>>
      %dma_start3A = arith.constant 0 : i32
      %dma_start3A_1090 = tpu.memref_slice %arg2[%dma_start3A, %mul3A_2] : memref<11x102400xf32, #tpu.memory_space<hbm>> -> memref<11x3200xf32, #tpu.memory_space<hbm>>
      %dma_start3A_1091 = arith.constant 0 : i32
      %dma_start3A_1092 = tpu.memref_slice %arg2[%dma_start3A_1091, %mul3A_2] : memref<11x102400xf32, #tpu.memory_space<hbm>> -> memref<11x3200xf32, #tpu.memory_space<hbm>>
      tpu.enqueue_dma source(%dma_start3A_1092 : memref<11x3200xf32, #tpu.memory_space<hbm>>) target(%arg6 : memref<11x3200xf32, #tpu.memory_space<vmem>>) target_semaphore(%run_scoped3A : memref<!tpu.dma_semaphore, #tpu.memory_space<semaphore_mem>>)
      %dma_wait3A = arith.constant 0 : i32
      %dma_wait3A_1093 = tpu.memref_slice %arg2[%dma_wait3A, %mul3A_2] : memref<11x102400xf32, #tpu.memory_space<hbm>> -> memref<11x3200xf32, #tpu.memory_space<hbm>>
      %dma_wait3A_1094 = arith.constant 0 : i32
      %dma_wait3A_1095 = tpu.memref_slice %arg2[%dma_wait3A_1094, %mul3A_2] : memref<11x102400xf32, #tpu.memory_space<hbm>> -> memref<11x3200xf32, #tpu.memory_space<hbm>>
      tpu.wait_dma2 semaphore(%run_scoped3A : memref<!tpu.dma_semaphore, #tpu.memory_space<semaphore_mem>>) src(%dma_wait3A_1095 : memref<11x3200xf32, #tpu.memory_space<hbm>>) dst(%arg6 : memref<11x3200xf32, #tpu.memory_space<vmem>>)
      tpu.yield
    }) : () -> ()
    %broadcast_in_dim3A = arith.constant 0.000000e+00 : f32
    %broadcast_in_dim3A_3 = vector.broadcast %broadcast_in_dim3A : f32 to vector<16xf32>
    %broadcast_in_dim3A_4 = arith.constant 0.000000e+00 : f32
    %broadcast_in_dim3A_5 = vector.broadcast %broadcast_in_dim3A_4 : f32 to vector<16xf32>
    %broadcast_in_dim3A_6 = arith.constant 0.000000e+00 : f32
    %broadcast_in_dim3A_7 = vector.broadcast %broadcast_in_dim3A_6 : f32 to vector<16xf32>
    %broadcast_in_dim3A_8 = arith.constant 0.000000e+00 : f32
    %broadcast_in_dim3A_9 = vector.broadcast %broadcast_in_dim3A_8 : f32 to vector<16xf32>
    %broadcast_in_dim3A_10 = arith.constant 0.000000e+00 : f32
    %broadcast_in_dim3A_11 = vector.broadcast %broadcast_in_dim3A_10 : f32 to vector<16xf32>
    %broadcast_in_dim3A_12 = arith.constant 0.000000e+00 : f32
    %broadcast_in_dim3A_13 = vector.broadcast %broadcast_in_dim3A_12 : f32 to vector<16xf32>
    %broadcast_in_dim3A_14 = arith.constant 0.000000e+00 : f32
    %broadcast_in_dim3A_15 = vector.broadcast %broadcast_in_dim3A_14 : f32 to vector<16xf32>
    %broadcast_in_dim3A_16 = arith.constant 0.000000e+00 : f32
    %broadcast_in_dim3A_17 = vector.broadcast %broadcast_in_dim3A_16 : f32 to vector<16xf32>
    %broadcast_in_dim3A_18 = arith.constant 0.000000e+00 : f32
    %broadcast_in_dim3A_19 = vector.broadcast %broadcast_in_dim3A_18 : f32 to vector<16xf32>
    %broadcast_in_dim3A_20 = arith.constant 0.000000e+00 : f32
    %broadcast_in_dim3A_21 = vector.broadcast %broadcast_in_dim3A_20 : f32 to vector<16xf32>
    %broadcast_in_dim3A_22 = arith.constant 0.000000e+00 : f32
    %broadcast_in_dim3A_23 = vector.broadcast %broadcast_in_dim3A_22 : f32 to vector<16xf32>
    %scan3A = arith.constant 0 : i32
    %scan3A_24 = arith.constant 200 : i32
    %scan3A_25 = arith.addi %scan3A, %scan3A_24 : i32
    %scan3A_26 = arith.constant 1 : i32
    %scan3A_27:22 = scf.for %scan3A_1090 = %scan3A to %scan3A_25 step %scan3A_26 iter_args(%scan3A_1091 = %broadcast_in_dim3A_3, %scan3A_1092 = %broadcast_in_dim3A_5, %scan3A_1093 = %broadcast_in_dim3A_7, %scan3A_1094 = %broadcast_in_dim3A_9, %scan3A_1095 = %broadcast_in_dim3A_11, %scan3A_1096 = %broadcast_in_dim3A_13, %scan3A_1097 = %broadcast_in_dim3A_15, %scan3A_1098 = %broadcast_in_dim3A_17, %scan3A_1099 = %broadcast_in_dim3A_19, %scan3A_1100 = %broadcast_in_dim3A_21, %scan3A_1101 = %broadcast_in_dim3A_23, %scan3A_1102 = %broadcast_in_dim3A_3, %scan3A_1103 = %broadcast_in_dim3A_5, %scan3A_1104 = %broadcast_in_dim3A_7, %scan3A_1105 = %broadcast_in_dim3A_9, %scan3A_1106 = %broadcast_in_dim3A_11, %scan3A_1107 = %broadcast_in_dim3A_13, %scan3A_1108 = %broadcast_in_dim3A_15, %scan3A_1109 = %broadcast_in_dim3A_17, %scan3A_1110 = %broadcast_in_dim3A_19, %scan3A_1111 = %broadcast_in_dim3A_21, %scan3A_1112 = %broadcast_in_dim3A_23) -> (vector<16xf32>, vector<16xf32>, vector<16xf32>, vector<16xf32>, vector<16xf32>, vector<16xf32>, vector<16xf32>, vector<16xf32>, vector<16xf32>, vector<16xf32>, vector<16xf32>, vector<16xf32>, vector<16xf32>, vector<16xf32>, vector<16xf32>, vector<16xf32>, vector<16xf32>, vector<16xf32>, vector<16xf32>, vector<16xf32>, vector<16xf32>, vector<16xf32>)  : i32 {
      %iota3A = tpu.iota {dimensions = array<i32: 0>} : vector<16xi32>
      %mul3A_1113 = arith.constant 16 : i32
      %mul3A_1114 = arith.muli %scan3A_1090, %mul3A_1113 : i32
      %add3A_1115 = arith.addi %mul3A_2, %mul3A_1114 : i32
      %add3A_1116 = vector.broadcast %add3A_1115 : i32 to vector<16xi32>
      %add3A_1117 = arith.addi %iota3A, %add3A_1116 : vector<16xi32>
      %lt3A = arith.constant 100352 : i32
      %lt3A_1118 = vector.broadcast %lt3A : i32 to vector<16xi32>
      %lt3A_1119 = arith.cmpi slt, %add3A_1117, %lt3A_1118 : vector<16xi32>
      %mul3A_1120 = arith.constant 16 : i32
      %mul3A_1121 = arith.muli %scan3A_1090, %mul3A_1120 : i32
      %get3A = arith.constant 0 : i32
      %get3A_1122 = arith.index_cast %get3A : i32 to index
      %get3A_1123 = arith.index_cast %mul3A_1121 : i32 to index
      %get3A_1124 = tpu.vector_load %arg6[%get3A_1122, %get3A_1123] {strides = array<i32>} : memref<11x3200xf32, #tpu.memory_space<vmem>>, vector<1x16xf32>,
      %get3A_1125 = vector.shape_cast %get3A_1124 : vector<1x16xf32> to vector<16xf32>
      %mul3A_1126 = arith.constant 16 : i32
      %mul3A_1127 = arith.muli %scan3A_1090, %mul3A_1126 : i32
      %get3A_1128 = arith.constant 1 : i32
      %get3A_1129 = arith.index_cast %get3A_1128 : i32 to index
      %get3A_1130 = arith.index_cast %mul3A_1127 : i32 to index
      %get3A_1131 = tpu.vector_load %arg6[%get3A_1129, %get3A_1130] {strides = array<i32>} : memref<11x3200xf32, #tpu.memory_space<vmem>>, vector<1x16xf32>,
      %get3A_1132 = vector.shape_cast %get3A_1131 : vector<1x16xf32> to vector<16xf32>
      %mul3A_1133 = arith.constant 16 : i32
      %mul3A_1134 = arith.muli %scan3A_1090, %mul3A_1133 : i32
      %get3A_1135 = arith.constant 2 : i32
      %get3A_1136 = arith.index_cast %get3A_1135 : i32 to index
      %get3A_1137 = arith.index_cast %mul3A_1134 : i32 to index
      %get3A_1138 = tpu.vector_load %arg6[%get3A_1136, %get3A_1137] {strides = array<i32>} : memref<11x3200xf32, #tpu.memory_space<vmem>>, vector<1x16xf32>,
      %get3A_1139 = vector.shape_cast %get3A_1138 : vector<1x16xf32> to vector<16xf32>
      %mul3A_1140 = arith.constant 16 : i32
      %mul3A_1141 = arith.muli %scan3A_1090, %mul3A_1140 : i32
      %get3A_1142 = arith.constant 3 : i32
      %get3A_1143 = arith.index_cast %get3A_1142 : i32 to index
      %get3A_1144 = arith.index_cast %mul3A_1141 : i32 to index
      %get3A_1145 = tpu.vector_load %arg6[%get3A_1143, %get3A_1144] {strides = array<i32>} : memref<11x3200xf32, #tpu.memory_space<vmem>>, vector<1x16xf32>,
      %get3A_1146 = vector.shape_cast %get3A_1145 : vector<1x16xf32> to vector<16xf32>
      %mul3A_1147 = arith.constant 16 : i32
      %mul3A_1148 = arith.muli %scan3A_1090, %mul3A_1147 : i32
      %get3A_1149 = arith.constant 4 : i32
      %get3A_1150 = arith.index_cast %get3A_1149 : i32 to index
      %get3A_1151 = arith.index_cast %mul3A_1148 : i32 to index
      %get3A_1152 = tpu.vector_load %arg6[%get3A_1150, %get3A_1151] {strides = array<i32>} : memref<11x3200xf32, #tpu.memory_space<vmem>>, vector<1x16xf32>,
      %get3A_1153 = vector.shape_cast %get3A_1152 : vector<1x16xf32> to vector<16xf32>
      %mul3A_1154 = arith.constant 16 : i32
      %mul3A_1155 = arith.muli %scan3A_1090, %mul3A_1154 : i32
      %get3A_1156 = arith.constant 5 : i32
      %get3A_1157 = arith.index_cast %get3A_1156 : i32 to index
      %get3A_1158 = arith.index_cast %mul3A_1155 : i32 to index
      %get3A_1159 = tpu.vector_load %arg6[%get3A_1157, %get3A_1158] {strides = array<i32>} : memref<11x3200xf32, #tpu.memory_space<vmem>>, vector<1x16xf32>,
      %get3A_1160 = vector.shape_cast %get3A_1159 : vector<1x16xf32> to vector<16xf32>
      %mul3A_1161 = arith.constant 16 : i32
      %mul3A_1162 = arith.muli %scan3A_1090, %mul3A_1161 : i32
      %get3A_1163 = arith.constant 6 : i32
      %get3A_1164 = arith.index_cast %get3A_1163 : i32 to index
      %get3A_1165 = arith.index_cast %mul3A_1162 : i32 to index
      %get3A_1166 = tpu.vector_load %arg6[%get3A_1164, %get3A_1165] {strides = array<i32>} : memref<11x3200xf32, #tpu.memory_space<vmem>>, vector<1x16xf32>,
      %get3A_1167 = vector.shape_cast %get3A_1166 : vector<1x16xf32> to vector<16xf32>
      %mul3A_1168 = arith.constant 16 : i32
      %mul3A_1169 = arith.muli %scan3A_1090, %mul3A_1168 : i32
      %get3A_1170 = arith.constant 7 : i32
      %get3A_1171 = arith.index_cast %get3A_1170 : i32 to index
      %get3A_1172 = arith.index_cast %mul3A_1169 : i32 to index
      %get3A_1173 = tpu.vector_load %arg6[%get3A_1171, %get3A_1172] {strides = array<i32>} : memref<11x3200xf32, #tpu.memory_space<vmem>>, vector<1x16xf32>,
      %get3A_1174 = vector.shape_cast %get3A_1173 : vector<1x16xf32> to vector<16xf32>
      %mul3A_1175 = arith.constant 16 : i32
      %mul3A_1176 = arith.muli %scan3A_1090, %mul3A_1175 : i32
      %get3A_1177 = arith.constant 8 : i32
      %get3A_1178 = arith.index_cast %get3A_1177 : i32 to index
      %get3A_1179 = arith.index_cast %mul3A_1176 : i32 to index
      %get3A_1180 = tpu.vector_load %arg6[%get3A_1178, %get3A_1179] {strides = array<i32>} : memref<11x3200xf32, #tpu.memory_space<vmem>>, vector<1x16xf32>,
      %get3A_1181 = vector.shape_cast %get3A_1180 : vector<1x16xf32> to vector<16xf32>
      %mul3A_1182 = arith.constant 16 : i32
      %mul3A_1183 = arith.muli %scan3A_1090, %mul3A_1182 : i32
      %get3A_1184 = arith.constant 9 : i32
      %get3A_1185 = arith.index_cast %get3A_1184 : i32 to index
      %get3A_1186 = arith.index_cast %mul3A_1183 : i32 to index
      %get3A_1187 = tpu.vector_load %arg6[%get3A_1185, %get3A_1186] {strides = array<i32>} : memref<11x3200xf32, #tpu.memory_space<vmem>>, vector<1x16xf32>,
      %get3A_1188 = vector.shape_cast %get3A_1187 : vector<1x16xf32> to vector<16xf32>
      %mul3A_1189 = arith.constant 16 : i32
      %mul3A_1190 = arith.muli %scan3A_1090, %mul3A_1189 : i32
      %get3A_1191 = arith.constant 10 : i32
      %get3A_1192 = arith.index_cast %get3A_1191 : i32 to index
      %get3A_1193 = arith.index_cast %mul3A_1190 : i32 to index
      %get3A_1194 = tpu.vector_load %arg6[%get3A_1192, %get3A_1193] {strides = array<i32>} : memref<11x3200xf32, #tpu.memory_space<vmem>>, vector<1x16xf32>,
      %get3A_1195 = vector.shape_cast %get3A_1194 : vector<1x16xf32> to vector<16xf32>
      %max3A = arith.maximumf %get3A_1125, %get3A_1132 : vector<16xf32>
      %max3A_1196 = arith.maximumf %max3A, %get3A_1139 : vector<16xf32>
      %max3A_1197 = arith.maximumf %max3A_1196, %get3A_1146 : vector<16xf32>
      %max3A_1198 = arith.maximumf %max3A_1197, %get3A_1153 : vector<16xf32>
      %max3A_1199 = arith.maximumf %max3A_1198, %get3A_1160 : vector<16xf32>
      %max3A_1200 = arith.maximumf %max3A_1199, %get3A_1167 : vector<16xf32>
      %max3A_1201 = arith.maximumf %max3A_1200, %get3A_1174 : vector<16xf32>
      %max3A_1202 = arith.maximumf %max3A_1201, %get3A_1181 : vector<16xf32>
      %max3A_1203 = arith.maximumf %max3A_1202, %get3A_1188 : vector<16xf32>
      %max3A_1204 = arith.maximumf %max3A_1203, %get3A_1195 : vector<16xf32>
      %sub3A = arith.subf %get3A_1125, %max3A_1204 : vector<16xf32>
      %exp3A = math.exp %sub3A : vector<16xf32>
      %sub3A_1205 = arith.subf %get3A_1132, %max3A_1204 : vector<16xf32>
      %exp3A_1206 = math.exp %sub3A_1205 : vector<16xf32>
      %sub3A_1207 = arith.subf %get3A_1139, %max3A_1204 : vector<16xf32>
      %exp3A_1208 = math.exp %sub3A_1207 : vector<16xf32>
      %sub3A_1209 = arith.subf %get3A_1146, %max3A_1204 : vector<16xf32>
      %exp3A_1210 = math.exp %sub3A_1209 : vector<16xf32>
      %sub3A_1211 = arith.subf %get3A_1153, %max3A_1204 : vector<16xf32>
      %exp3A_1212 = math.exp %sub3A_1211 : vector<16xf32>
      %sub3A_1213 = arith.subf %get3A_1160, %max3A_1204 : vector<16xf32>
      %exp3A_1214 = math.exp %sub3A_1213 : vector<16xf32>
      %sub3A_1215 = arith.subf %get3A_1167, %max3A_1204 : vector<16xf32>
      %exp3A_1216 = math.exp %sub3A_1215 : vector<16xf32>
      %sub3A_1217 = arith.subf %get3A_1174, %max3A_1204 : vector<16xf32>
      %exp3A_1218 = math.exp %sub3A_1217 : vector<16xf32>
      %sub3A_1219 = arith.subf %get3A_1181, %max3A_1204 : vector<16xf32>
      %exp3A_1220 = math.exp %sub3A_1219 : vector<16xf32>
      %sub3A_1221 = arith.subf %get3A_1188, %max3A_1204 : vector<16xf32>
      %exp3A_1222 = math.exp %sub3A_1221 : vector<16xf32>
      %sub3A_1223 = arith.subf %get3A_1195, %max3A_1204 : vector<16xf32>
      %exp3A_1224 = math.exp %sub3A_1223 : vector<16xf32>
      %add3A_1225 = arith.addf %exp3A, %exp3A_1206 : vector<16xf32>
      %add3A_1226 = arith.addf %add3A_1225, %exp3A_1208 : vector<16xf32>
      %add3A_1227 = arith.addf %add3A_1226, %exp3A_1210 : vector<16xf32>
      %add3A_1228 = arith.addf %add3A_1227, %exp3A_1212 : vector<16xf32>
      %add3A_1229 = arith.addf %add3A_1228, %exp3A_1214 : vector<16xf32>
      %add3A_1230 = arith.addf %add3A_1229, %exp3A_1216 : vector<16xf32>
      %add3A_1231 = arith.addf %add3A_1230, %exp3A_1218 : vector<16xf32>
      %add3A_1232 = arith.addf %add3A_1231, %exp3A_1220 : vector<16xf32>
      %add3A_1233 = arith.addf %add3A_1232, %exp3A_1222 : vector<16xf32>
      %add3A_1234 = arith.addf %add3A_1233, %exp3A_1224 : vector<16xf32>
      %div3A = arith.divf %exp3A, %add3A_1234 : vector<16xf32>
      %div3A_1235 = arith.divf %exp3A_1206, %add3A_1234 : vector<16xf32>
      %div3A_1236 = arith.divf %exp3A_1208, %add3A_1234 : vector<16xf32>
      %div3A_1237 = arith.divf %exp3A_1210, %add3A_1234 : vector<16xf32>
      %div3A_1238 = arith.divf %exp3A_1212, %add3A_1234 : vector<16xf32>
      %div3A_1239 = arith.divf %exp3A_1214, %add3A_1234 : vector<16xf32>
      %div3A_1240 = arith.divf %exp3A_1216, %add3A_1234 : vector<16xf32>
      %div3A_1241 = arith.divf %exp3A_1218, %add3A_1234 : vector<16xf32>
      %div3A_1242 = arith.divf %exp3A_1220, %add3A_1234 : vector<16xf32>
      %div3A_1243 = arith.divf %exp3A_1222, %add3A_1234 : vector<16xf32>
      %div3A_1244 = arith.divf %exp3A_1224, %add3A_1234 : vector<16xf32>
      %broadcast_in_dim3A_1245 = arith.constant 0 : i32
      %broadcast_in_dim3A_1246 = vector.broadcast %broadcast_in_dim3A_1245 : i32 to vector<16xi32>
      %broadcast_in_dim3A_1247 = arith.constant 0 : i32
      %broadcast_in_dim3A_1248 = vector.broadcast %broadcast_in_dim3A_1247 : i32 to vector<16xi32>
      %broadcast_in_dim3A_1249 = arith.constant 0 : i32
      %broadcast_in_dim3A_1250 = vector.broadcast %broadcast_in_dim3A_1249 : i32 to vector<16xi32>
      %broadcast_in_dim3A_1251 = arith.constant 0 : i32
      %broadcast_in_dim3A_1252 = vector.broadcast %broadcast_in_dim3A_1251 : i32 to vector<16xi32>
      %broadcast_in_dim3A_1253 = arith.constant 0 : i32
      %broadcast_in_dim3A_1254 = vector.broadcast %broadcast_in_dim3A_1253 : i32 to vector<16xi32>
      %broadcast_in_dim3A_1255 = arith.constant 0 : i32
      %broadcast_in_dim3A_1256 = vector.broadcast %broadcast_in_dim3A_1255 : i32 to vector<16xi32>
      %broadcast_in_dim3A_1257 = arith.constant 0 : i32
      %broadcast_in_dim3A_1258 = vector.broadcast %broadcast_in_dim3A_1257 : i32 to vector<16xi32>
      %broadcast_in_dim3A_1259 = arith.constant 0 : i32
      %broadcast_in_dim3A_1260 = vector.broadcast %broadcast_in_dim3A_1259 : i32 to vector<16xi32>
      %broadcast_in_dim3A_1261 = arith.constant 0 : i32
      %broadcast_in_dim3A_1262 = vector.broadcast %broadcast_in_dim3A_1261 : i32 to vector<16xi32>
      %broadcast_in_dim3A_1263 = arith.constant 0 : i32
      %broadcast_in_dim3A_1264 = vector.broadcast %broadcast_in_dim3A_1263 : i32 to vector<16xi32>
      %broadcast_in_dim3A_1265 = arith.constant 0 : i32
      %broadcast_in_dim3A_1266 = vector.broadcast %broadcast_in_dim3A_1265 : i32 to vector<16xi32>
      %broadcast_in_dim3A_1267 = arith.constant 1 : i32
      %broadcast_in_dim3A_1268 = vector.broadcast %broadcast_in_dim3A_1267 : i32 to vector<16xi32>
      %broadcast_in_dim3A_1269 = arith.constant 0 : i32
      %broadcast_in_dim3A_1270 = vector.broadcast %broadcast_in_dim3A_1269 : i32 to vector<16xi32>
      %ge3A = arith.cmpf oge, %div3A, %div3A_1235 : vector<16xf32>
      %select_n3A = arith.select %ge3A, %broadcast_in_dim3A_1268, %broadcast_in_dim3A_1270 : vector<16xi1>, vector<16xi32>
      %add3A_1271 = arith.addi %broadcast_in_dim3A_1248, %select_n3A : vector<16xi32>
      %select_n3A_1272 = arith.select %ge3A, %broadcast_in_dim3A_1270, %broadcast_in_dim3A_1268 : vector<16xi1>, vector<16xi32>
      %add3A_1273 = arith.addi %broadcast_in_dim3A_1246, %select_n3A_1272 : vector<16xi32>
      %ge3A_1274 = arith.cmpf oge, %div3A, %div3A_1236 : vector<16xf32>
      %select_n3A_1275 = arith.select %ge3A_1274, %broadcast_in_dim3A_1268, %broadcast_in_dim3A_1270 : vector<16xi1>, vector<16xi32>
      %add3A_1276 = arith.addi %broadcast_in_dim3A_1250, %select_n3A_1275 : vector<16xi32>
      %select_n3A_1277 = arith.select %ge3A_1274, %broadcast_in_dim3A_1270, %broadcast_in_dim3A_1268 : vector<16xi1>, vector<16xi32>
      %add3A_1278 = arith.addi %add3A_1273, %select_n3A_1277 : vector<16xi32>
      %ge3A_1279 = arith.cmpf oge, %div3A, %div3A_1237 : vector<16xf32>
      %select_n3A_1280 = arith.select %ge3A_1279, %broadcast_in_dim3A_1268, %broadcast_in_dim3A_1270 : vector<16xi1>, vector<16xi32>
      %add3A_1281 = arith.addi %broadcast_in_dim3A_1252, %select_n3A_1280 : vector<16xi32>
      %select_n3A_1282 = arith.select %ge3A_1279, %broadcast_in_dim3A_1270, %broadcast_in_dim3A_1268 : vector<16xi1>, vector<16xi32>
      %add3A_1283 = arith.addi %add3A_1278, %select_n3A_1282 : vector<16xi32>
      %ge3A_1284 = arith.cmpf oge, %div3A, %div3A_1238 : vector<16xf32>
      %select_n3A_1285 = arith.select %ge3A_1284, %broadcast_in_dim3A_1268, %broadcast_in_dim3A_1270 : vector<16xi1>, vector<16xi32>
      %add3A_1286 = arith.addi %broadcast_in_dim3A_1254, %select_n3A_1285 : vector<16xi32>
      %select_n3A_1287 = arith.select %ge3A_1284, %broadcast_in_dim3A_1270, %broadcast_in_dim3A_1268 : vector<16xi1>, vector<16xi32>
      %add3A_1288 = arith.addi %add3A_1283, %select_n3A_1287 : vector<16xi32>
      %ge3A_1289 = arith.cmpf oge, %div3A, %div3A_1239 : vector<16xf32>
      %select_n3A_1290 = arith.select %ge3A_1289, %broadcast_in_dim3A_1268, %broadcast_in_dim3A_1270 : vector<16xi1>, vector<16xi32>
      %add3A_1291 = arith.addi %broadcast_in_dim3A_1256, %select_n3A_1290 : vector<16xi32>
      %select_n3A_1292 = arith.select %ge3A_1289, %broadcast_in_dim3A_1270, %broadcast_in_dim3A_1268 : vector<16xi1>, vector<16xi32>
      %add3A_1293 = arith.addi %add3A_1288, %select_n3A_1292 : vector<16xi32>
      %ge3A_1294 = arith.cmpf oge, %div3A, %div3A_1240 : vector<16xf32>
      %select_n3A_1295 = arith.select %ge3A_1294, %broadcast_in_dim3A_1268, %broadcast_in_dim3A_1270 : vector<16xi1>, vector<16xi32>
      %add3A_1296 = arith.addi %broadcast_in_dim3A_1258, %select_n3A_1295 : vector<16xi32>
      %select_n3A_1297 = arith.select %ge3A_1294, %broadcast_in_dim3A_1270, %broadcast_in_dim3A_1268 : vector<16xi1>, vector<16xi32>
      %add3A_1298 = arith.addi %add3A_1293, %select_n3A_1297 : vector<16xi32>
      %ge3A_1299 = arith.cmpf oge, %div3A, %div3A_1241 : vector<16xf32>
      %select_n3A_1300 = arith.select %ge3A_1299, %broadcast_in_dim3A_1268, %broadcast_in_dim3A_1270 : vector<16xi1>, vector<16xi32>
      %add3A_1301 = arith.addi %broadcast_in_dim3A_1260, %select_n3A_1300 : vector<16xi32>
      %select_n3A_1302 = arith.select %ge3A_1299, %broadcast_in_dim3A_1270, %broadcast_in_dim3A_1268 : vector<16xi1>, vector<16xi32>
      %add3A_1303 = arith.addi %add3A_1298, %select_n3A_1302 : vector<16xi32>
      %ge3A_1304 = arith.cmpf oge, %div3A, %div3A_1242 : vector<16xf32>
      %select_n3A_1305 = arith.select %ge3A_1304, %broadcast_in_dim3A_1268, %broadcast_in_dim3A_1270 : vector<16xi1>, vector<16xi32>
      %add3A_1306 = arith.addi %broadcast_in_dim3A_1262, %select_n3A_1305 : vector<16xi32>
      %select_n3A_1307 = arith.select %ge3A_1304, %broadcast_in_dim3A_1270, %broadcast_in_dim3A_1268 : vector<16xi1>, vector<16xi32>
      %add3A_1308 = arith.addi %add3A_1303, %select_n3A_1307 : vector<16xi32>
      %ge3A_1309 = arith.cmpf oge, %div3A, %div3A_1243 : vector<16xf32>
      %select_n3A_1310 = arith.select %ge3A_1309, %broadcast_in_dim3A_1268, %broadcast_in_dim3A_1270 : vector<16xi1>, vector<16xi32>
      %add3A_1311 = arith.addi %broadcast_in_dim3A_1264, %select_n3A_1310 : vector<16xi32>
      %select_n3A_1312 = arith.select %ge3A_1309, %broadcast_in_dim3A_1270, %broadcast_in_dim3A_1268 : vector<16xi1>, vector<16xi32>
      %add3A_1313 = arith.addi %add3A_1308, %select_n3A_1312 : vector<16xi32>
      %ge3A_1314 = arith.cmpf oge, %div3A, %div3A_1244 : vector<16xf32>
      %select_n3A_1315 = arith.select %ge3A_1314, %broadcast_in_dim3A_1268, %broadcast_in_dim3A_1270 : vector<16xi1>, vector<16xi32>
      %add3A_1316 = arith.addi %broadcast_in_dim3A_1266, %select_n3A_1315 : vector<16xi32>
      %select_n3A_1317 = arith.select %ge3A_1314, %broadcast_in_dim3A_1270, %broadcast_in_dim3A_1268 : vector<16xi1>, vector<16xi32>
      %add3A_1318 = arith.addi %add3A_1313, %select_n3A_1317 : vector<16xi32>
      %ge3A_1319 = arith.cmpf oge, %div3A_1235, %div3A_1236 : vector<16xf32>
      %select_n3A_1320 = arith.select %ge3A_1319, %broadcast_in_dim3A_1268, %broadcast_in_dim3A_1270 : vector<16xi1>, vector<16xi32>
      %add3A_1321 = arith.addi %add3A_1276, %select_n3A_1320 : vector<16xi32>
      %select_n3A_1322 = arith.select %ge3A_1319, %broadcast_in_dim3A_1270, %broadcast_in_dim3A_1268 : vector<16xi1>, vector<16xi32>
      %add3A_1323 = arith.addi %add3A_1271, %select_n3A_1322 : vector<16xi32>
      %ge3A_1324 = arith.cmpf oge, %div3A_1235, %div3A_1237 : vector<16xf32>
      %select_n3A_1325 = arith.select %ge3A_1324, %broadcast_in_dim3A_1268, %broadcast_in_dim3A_1270 : vector<16xi1>, vector<16xi32>
      %add3A_1326 = arith.addi %add3A_1281, %select_n3A_1325 : vector<16xi32>
      %select_n3A_1327 = arith.select %ge3A_1324, %broadcast_in_dim3A_1270, %broadcast_in_dim3A_1268 : vector<16xi1>, vector<16xi32>
      %add3A_1328 = arith.addi %add3A_1323, %select_n3A_1327 : vector<16xi32>
      %ge3A_1329 = arith.cmpf oge, %div3A_1235, %div3A_1238 : vector<16xf32>
      %select_n3A_1330 = arith.select %ge3A_1329, %broadcast_in_dim3A_1268, %broadcast_in_dim3A_1270 : vector<16xi1>, vector<16xi32>
      %add3A_1331 = arith.addi %add3A_1286, %select_n3A_1330 : vector<16xi32>
      %select_n3A_1332 = arith.select %ge3A_1329, %broadcast_in_dim3A_1270, %broadcast_in_dim3A_1268 : vector<16xi1>, vector<16xi32>
      %add3A_1333 = arith.addi %add3A_1328, %select_n3A_1332 : vector<16xi32>
      %ge3A_1334 = arith.cmpf oge, %div3A_1235, %div3A_1239 : vector<16xf32>
      %select_n3A_1335 = arith.select %ge3A_1334, %broadcast_in_dim3A_1268, %broadcast_in_dim3A_1270 : vector<16xi1>, vector<16xi32>
      %add3A_1336 = arith.addi %add3A_1291, %select_n3A_1335 : vector<16xi32>
      %select_n3A_1337 = arith.select %ge3A_1334, %broadcast_in_dim3A_1270, %broadcast_in_dim3A_1268 : vector<16xi1>, vector<16xi32>
      %add3A_1338 = arith.addi %add3A_1333, %select_n3A_1337 : vector<16xi32>
      %ge3A_1339 = arith.cmpf oge, %div3A_1235, %div3A_1240 : vector<16xf32>
      %select_n3A_1340 = arith.select %ge3A_1339, %broadcast_in_dim3A_1268, %broadcast_in_dim3A_1270 : vector<16xi1>, vector<16xi32>
      %add3A_1341 = arith.addi %add3A_1296, %select_n3A_1340 : vector<16xi32>
      %select_n3A_1342 = arith.select %ge3A_1339, %broadcast_in_dim3A_1270, %broadcast_in_dim3A_1268 : vector<16xi1>, vector<16xi32>
      %add3A_1343 = arith.addi %add3A_1338, %select_n3A_1342 : vector<16xi32>
      %ge3A_1344 = arith.cmpf oge, %div3A_1235, %div3A_1241 : vector<16xf32>
      %select_n3A_1345 = arith.select %ge3A_1344, %broadcast_in_dim3A_1268, %broadcast_in_dim3A_1270 : vector<16xi1>, vector<16xi32>
      %add3A_1346 = arith.addi %add3A_1301, %select_n3A_1345 : vector<16xi32>
      %select_n3A_1347 = arith.select %ge3A_1344, %broadcast_in_dim3A_1270, %broadcast_in_dim3A_1268 : vector<16xi1>, vector<16xi32>
      %add3A_1348 = arith.addi %add3A_1343, %select_n3A_1347 : vector<16xi32>
      %ge3A_1349 = arith.cmpf oge, %div3A_1235, %div3A_1242 : vector<16xf32>
      %select_n3A_1350 = arith.select %ge3A_1349, %broadcast_in_dim3A_1268, %broadcast_in_dim3A_1270 : vector<16xi1>, vector<16xi32>
      %add3A_1351 = arith.addi %add3A_1306, %select_n3A_1350 : vector<16xi32>
      %select_n3A_1352 = arith.select %ge3A_1349, %broadcast_in_dim3A_1270, %broadcast_in_dim3A_1268 : vector<16xi1>, vector<16xi32>
      %add3A_1353 = arith.addi %add3A_1348, %select_n3A_1352 : vector<16xi32>
      %ge3A_1354 = arith.cmpf oge, %div3A_1235, %div3A_1243 : vector<16xf32>
      %select_n3A_1355 = arith.select %ge3A_1354, %broadcast_in_dim3A_1268, %broadcast_in_dim3A_1270 : vector<16xi1>, vector<16xi32>
      %add3A_1356 = arith.addi %add3A_1311, %select_n3A_1355 : vector<16xi32>
      %select_n3A_1357 = arith.select %ge3A_1354, %broadcast_in_dim3A_1270, %broadcast_in_dim3A_1268 : vector<16xi1>, vector<16xi32>
      %add3A_1358 = arith.addi %add3A_1353, %select_n3A_1357 : vector<16xi32>
      %ge3A_1359 = arith.cmpf oge, %div3A_1235, %div3A_1244 : vector<16xf32>
      %select_n3A_1360 = arith.select %ge3A_1359, %broadcast_in_dim3A_1268, %broadcast_in_dim3A_1270 : vector<16xi1>, vector<16xi32>
      %add3A_1361 = arith.addi %add3A_1316, %select_n3A_1360 : vector<16xi32>
      %select_n3A_1362 = arith.select %ge3A_1359, %broadcast_in_dim3A_1270, %broadcast_in_dim3A_1268 : vector<16xi1>, vector<16xi32>
      %add3A_1363 = arith.addi %add3A_1358, %select_n3A_1362 : vector<16xi32>
      %ge3A_1364 = arith.cmpf oge, %div3A_1236, %div3A_1237 : vector<16xf32>
      %select_n3A_1365 = arith.select %ge3A_1364, %broadcast_in_dim3A_1268, %broadcast_in_dim3A_1270 : vector<16xi1>, vector<16xi32>
      %add3A_1366 = arith.addi %add3A_1326, %select_n3A_1365 : vector<16xi32>
      %select_n3A_1367 = arith.select %ge3A_1364, %broadcast_in_dim3A_1270, %broadcast_in_dim3A_1268 : vector<16xi1>, vector<16xi32>
      %add3A_1368 = arith.addi %add3A_1321, %select_n3A_1367 : vector<16xi32>
      %ge3A_1369 = arith.cmpf oge, %div3A_1236, %div3A_1238 : vector<16xf32>
      %select_n3A_1370 = arith.select %ge3A_1369, %broadcast_in_dim3A_1268, %broadcast_in_dim3A_1270 : vector<16xi1>, vector<16xi32>
      %add3A_1371 = arith.addi %add3A_1331, %select_n3A_1370 : vector<16xi32>
      %select_n3A_1372 = arith.select %ge3A_1369, %broadcast_in_dim3A_1270, %broadcast_in_dim3A_1268 : vector<16xi1>, vector<16xi32>
      %add3A_1373 = arith.addi %add3A_1368, %select_n3A_1372 : vector<16xi32>
      %ge3A_1374 = arith.cmpf oge, %div3A_1236, %div3A_1239 : vector<16xf32>
      %select_n3A_1375 = arith.select %ge3A_1374, %broadcast_in_dim3A_1268, %broadcast_in_dim3A_1270 : vector<16xi1>, vector<16xi32>
      %add3A_1376 = arith.addi %add3A_1336, %select_n3A_1375 : vector<16xi32>
      %select_n3A_1377 = arith.select %ge3A_1374, %broadcast_in_dim3A_1270, %broadcast_in_dim3A_1268 : vector<16xi1>, vector<16xi32>
      %add3A_1378 = arith.addi %add3A_1373, %select_n3A_1377 : vector<16xi32>
      %ge3A_1379 = arith.cmpf oge, %div3A_1236, %div3A_1240 : vector<16xf32>
      %select_n3A_1380 = arith.select %ge3A_1379, %broadcast_in_dim3A_1268, %broadcast_in_dim3A_1270 : vector<16xi1>, vector<16xi32>
      %add3A_1381 = arith.addi %add3A_1341, %select_n3A_1380 : vector<16xi32>
      %select_n3A_1382 = arith.select %ge3A_1379, %broadcast_in_dim3A_1270, %broadcast_in_dim3A_1268 : vector<16xi1>, vector<16xi32>
      %add3A_1383 = arith.addi %add3A_1378, %select_n3A_1382 : vector<16xi32>
      %ge3A_1384 = arith.cmpf oge, %div3A_1236, %div3A_1241 : vector<16xf32>
      %select_n3A_1385 = arith.select %ge3A_1384, %broadcast_in_dim3A_1268, %broadcast_in_dim3A_1270 : vector<16xi1>, vector<16xi32>
      %add3A_1386 = arith.addi %add3A_1346, %select_n3A_1385 : vector<16xi32>
      %select_n3A_1387 = arith.select %ge3A_1384, %broadcast_in_dim3A_1270, %broadcast_in_dim3A_1268 : vector<16xi1>, vector<16xi32>
      %add3A_1388 = arith.addi %add3A_1383, %select_n3A_1387 : vector<16xi32>
      %ge3A_1389 = arith.cmpf oge, %div3A_1236, %div3A_1242 : vector<16xf32>
      %select_n3A_1390 = arith.select %ge3A_1389, %broadcast_in_dim3A_1268, %broadcast_in_dim3A_1270 : vector<16xi1>, vector<16xi32>
      %add3A_1391 = arith.addi %add3A_1351, %select_n3A_1390 : vector<16xi32>
      %select_n3A_1392 = arith.select %ge3A_1389, %broadcast_in_dim3A_1270, %broadcast_in_dim3A_1268 : vector<16xi1>, vector<16xi32>
      %add3A_1393 = arith.addi %add3A_1388, %select_n3A_1392 : vector<16xi32>
      %ge3A_1394 = arith.cmpf oge, %div3A_1236, %div3A_1243 : vector<16xf32>
      %select_n3A_1395 = arith.select %ge3A_1394, %broadcast_in_dim3A_1268, %broadcast_in_dim3A_1270 : vector<16xi1>, vector<16xi32>
      %add3A_1396 = arith.addi %add3A_1356, %select_n3A_1395 : vector<16xi32>
      %select_n3A_1397 = arith.select %ge3A_1394, %broadcast_in_dim3A_1270, %broadcast_in_dim3A_1268 : vector<16xi1>, vector<16xi32>
      %add3A_1398 = arith.addi %add3A_1393, %select_n3A_1397 : vector<16xi32>
      %ge3A_1399 = arith.cmpf oge, %div3A_1236, %div3A_1244 : vector<16xf32>
      %select_n3A_1400 = arith.select %ge3A_1399, %broadcast_in_dim3A_1268, %broadcast_in_dim3A_1270 : vector<16xi1>, vector<16xi32>
      %add3A_1401 = arith.addi %add3A_1361, %select_n3A_1400 : vector<16xi32>
      %select_n3A_1402 = arith.select %ge3A_1399, %broadcast_in_dim3A_1270, %broadcast_in_dim3A_1268 : vector<16xi1>, vector<16xi32>
      %add3A_1403 = arith.addi %add3A_1398, %select_n3A_1402 : vector<16xi32>
      %ge3A_1404 = arith.cmpf oge, %div3A_1237, %div3A_1238 : vector<16xf32>
      %select_n3A_1405 = arith.select %ge3A_1404, %broadcast_in_dim3A_1268, %broadcast_in_dim3A_1270 : vector<16xi1>, vector<16xi32>
      %add3A_1406 = arith.addi %add3A_1371, %select_n3A_1405 : vector<16xi32>
      %select_n3A_1407 = arith.select %ge3A_1404, %broadcast_in_dim3A_1270, %broadcast_in_dim3A_1268 : vector<16xi1>, vector<16xi32>
      %add3A_1408 = arith.addi %add3A_1366, %select_n3A_1407 : vector<16xi32>
      %ge3A_1409 = arith.cmpf oge, %div3A_1237, %div3A_1239 : vector<16xf32>
      %select_n3A_1410 = arith.select %ge3A_1409, %broadcast_in_dim3A_1268, %broadcast_in_dim3A_1270 : vector<16xi1>, vector<16xi32>
      %add3A_1411 = arith.addi %add3A_1376, %select_n3A_1410 : vector<16xi32>
      %select_n3A_1412 = arith.select %ge3A_1409, %broadcast_in_dim3A_1270, %broadcast_in_dim3A_1268 : vector<16xi1>, vector<16xi32>
      %add3A_1413 = arith.addi %add3A_1408, %select_n3A_1412 : vector<16xi32>
      %ge3A_1414 = arith.cmpf oge, %div3A_1237, %div3A_1240 : vector<16xf32>
      %select_n3A_1415 = arith.select %ge3A_1414, %broadcast_in_dim3A_1268, %broadcast_in_dim3A_1270 : vector<16xi1>, vector<16xi32>
      %add3A_1416 = arith.addi %add3A_1381, %select_n3A_1415 : vector<16xi32>
      %select_n3A_1417 = arith.select %ge3A_1414, %broadcast_in_dim3A_1270, %broadcast_in_dim3A_1268 : vector<16xi1>, vector<16xi32>
      %add3A_1418 = arith.addi %add3A_1413, %select_n3A_1417 : vector<16xi32>
      %ge3A_1419 = arith.cmpf oge, %div3A_1237, %div3A_1241 : vector<16xf32>
      %select_n3A_1420 = arith.select %ge3A_1419, %broadcast_in_dim3A_1268, %broadcast_in_dim3A_1270 : vector<16xi1>, vector<16xi32>
      %add3A_1421 = arith.addi %add3A_1386, %select_n3A_1420 : vector<16xi32>
      %select_n3A_1422 = arith.select %ge3A_1419, %broadcast_in_dim3A_1270, %broadcast_in_dim3A_1268 : vector<16xi1>, vector<16xi32>
      %add3A_1423 = arith.addi %add3A_1418, %select_n3A_1422 : vector<16xi32>
      %ge3A_1424 = arith.cmpf oge, %div3A_1237, %div3A_1242 : vector<16xf32>
      %select_n3A_1425 = arith.select %ge3A_1424, %broadcast_in_dim3A_1268, %broadcast_in_dim3A_1270 : vector<16xi1>, vector<16xi32>
      %add3A_1426 = arith.addi %add3A_1391, %select_n3A_1425 : vector<16xi32>
      %select_n3A_1427 = arith.select %ge3A_1424, %broadcast_in_dim3A_1270, %broadcast_in_dim3A_1268 : vector<16xi1>, vector<16xi32>
      %add3A_1428 = arith.addi %add3A_1423, %select_n3A_1427 : vector<16xi32>
      %ge3A_1429 = arith.cmpf oge, %div3A_1237, %div3A_1243 : vector<16xf32>
      %select_n3A_1430 = arith.select %ge3A_1429, %broadcast_in_dim3A_1268, %broadcast_in_dim3A_1270 : vector<16xi1>, vector<16xi32>
      %add3A_1431 = arith.addi %add3A_1396, %select_n3A_1430 : vector<16xi32>
      %select_n3A_1432 = arith.select %ge3A_1429, %broadcast_in_dim3A_1270, %broadcast_in_dim3A_1268 : vector<16xi1>, vector<16xi32>
      %add3A_1433 = arith.addi %add3A_1428, %select_n3A_1432 : vector<16xi32>
      %ge3A_1434 = arith.cmpf oge, %div3A_1237, %div3A_1244 : vector<16xf32>
      %select_n3A_1435 = arith.select %ge3A_1434, %broadcast_in_dim3A_1268, %broadcast_in_dim3A_1270 : vector<16xi1>, vector<16xi32>
      %add3A_1436 = arith.addi %add3A_1401, %select_n3A_1435 : vector<16xi32>
      %select_n3A_1437 = arith.select %ge3A_1434, %broadcast_in_dim3A_1270, %broadcast_in_dim3A_1268 : vector<16xi1>, vector<16xi32>
      %add3A_1438 = arith.addi %add3A_1433, %select_n3A_1437 : vector<16xi32>
      %ge3A_1439 = arith.cmpf oge, %div3A_1238, %div3A_1239 : vector<16xf32>
      %select_n3A_1440 = arith.select %ge3A_1439, %broadcast_in_dim3A_1268, %broadcast_in_dim3A_1270 : vector<16xi1>, vector<16xi32>
      %add3A_1441 = arith.addi %add3A_1411, %select_n3A_1440 : vector<16xi32>
      %select_n3A_1442 = arith.select %ge3A_1439, %broadcast_in_dim3A_1270, %broadcast_in_dim3A_1268 : vector<16xi1>, vector<16xi32>
      %add3A_1443 = arith.addi %add3A_1406, %select_n3A_1442 : vector<16xi32>
      %ge3A_1444 = arith.cmpf oge, %div3A_1238, %div3A_1240 : vector<16xf32>
      %select_n3A_1445 = arith.select %ge3A_1444, %broadcast_in_dim3A_1268, %broadcast_in_dim3A_1270 : vector<16xi1>, vector<16xi32>
      %add3A_1446 = arith.addi %add3A_1416, %select_n3A_1445 : vector<16xi32>
      %select_n3A_1447 = arith.select %ge3A_1444, %broadcast_in_dim3A_1270, %broadcast_in_dim3A_1268 : vector<16xi1>, vector<16xi32>
      %add3A_1448 = arith.addi %add3A_1443, %select_n3A_1447 : vector<16xi32>
      %ge3A_1449 = arith.cmpf oge, %div3A_1238, %div3A_1241 : vector<16xf32>
      %select_n3A_1450 = arith.select %ge3A_1449, %broadcast_in_dim3A_1268, %broadcast_in_dim3A_1270 : vector<16xi1>, vector<16xi32>
      %add3A_1451 = arith.addi %add3A_1421, %select_n3A_1450 : vector<16xi32>
      %select_n3A_1452 = arith.select %ge3A_1449, %broadcast_in_dim3A_1270, %broadcast_in_dim3A_1268 : vector<16xi1>, vector<16xi32>
      %add3A_1453 = arith.addi %add3A_1448, %select_n3A_1452 : vector<16xi32>
      %ge3A_1454 = arith.cmpf oge, %div3A_1238, %div3A_1242 : vector<16xf32>
      %select_n3A_1455 = arith.select %ge3A_1454, %broadcast_in_dim3A_1268, %broadcast_in_dim3A_1270 : vector<16xi1>, vector<16xi32>
      %add3A_1456 = arith.addi %add3A_1426, %select_n3A_1455 : vector<16xi32>
      %select_n3A_1457 = arith.select %ge3A_1454, %broadcast_in_dim3A_1270, %broadcast_in_dim3A_1268 : vector<16xi1>, vector<16xi32>
      %add3A_1458 = arith.addi %add3A_1453, %select_n3A_1457 : vector<16xi32>
      %ge3A_1459 = arith.cmpf oge, %div3A_1238, %div3A_1243 : vector<16xf32>
      %select_n3A_1460 = arith.select %ge3A_1459, %broadcast_in_dim3A_1268, %broadcast_in_dim3A_1270 : vector<16xi1>, vector<16xi32>
      %add3A_1461 = arith.addi %add3A_1431, %select_n3A_1460 : vector<16xi32>
      %select_n3A_1462 = arith.select %ge3A_1459, %broadcast_in_dim3A_1270, %broadcast_in_dim3A_1268 : vector<16xi1>, vector<16xi32>
      %add3A_1463 = arith.addi %add3A_1458, %select_n3A_1462 : vector<16xi32>
      %ge3A_1464 = arith.cmpf oge, %div3A_1238, %div3A_1244 : vector<16xf32>
      %select_n3A_1465 = arith.select %ge3A_1464, %broadcast_in_dim3A_1268, %broadcast_in_dim3A_1270 : vector<16xi1>, vector<16xi32>
      %add3A_1466 = arith.addi %add3A_1436, %select_n3A_1465 : vector<16xi32>
      %select_n3A_1467 = arith.select %ge3A_1464, %broadcast_in_dim3A_1270, %broadcast_in_dim3A_1268 : vector<16xi1>, vector<16xi32>
      %add3A_1468 = arith.addi %add3A_1463, %select_n3A_1467 : vector<16xi32>
      %ge3A_1469 = arith.cmpf oge, %div3A_1239, %div3A_1240 : vector<16xf32>
      %select_n3A_1470 = arith.select %ge3A_1469, %broadcast_in_dim3A_1268, %broadcast_in_dim3A_1270 : vector<16xi1>, vector<16xi32>
      %add3A_1471 = arith.addi %add3A_1446, %select_n3A_1470 : vector<16xi32>
      %select_n3A_1472 = arith.select %ge3A_1469, %broadcast_in_dim3A_1270, %broadcast_in_dim3A_1268 : vector<16xi1>, vector<16xi32>
      %add3A_1473 = arith.addi %add3A_1441, %select_n3A_1472 : vector<16xi32>
      %ge3A_1474 = arith.cmpf oge, %div3A_1239, %div3A_1241 : vector<16xf32>
      %select_n3A_1475 = arith.select %ge3A_1474, %broadcast_in_dim3A_1268, %broadcast_in_dim3A_1270 : vector<16xi1>, vector<16xi32>
      %add3A_1476 = arith.addi %add3A_1451, %select_n3A_1475 : vector<16xi32>
      %select_n3A_1477 = arith.select %ge3A_1474, %broadcast_in_dim3A_1270, %broadcast_in_dim3A_1268 : vector<16xi1>, vector<16xi32>
      %add3A_1478 = arith.addi %add3A_1473, %select_n3A_1477 : vector<16xi32>
      %ge3A_1479 = arith.cmpf oge, %div3A_1239, %div3A_1242 : vector<16xf32>
      %select_n3A_1480 = arith.select %ge3A_1479, %broadcast_in_dim3A_1268, %broadcast_in_dim3A_1270 : vector<16xi1>, vector<16xi32>
      %add3A_1481 = arith.addi %add3A_1456, %select_n3A_1480 : vector<16xi32>
      %select_n3A_1482 = arith.select %ge3A_1479, %broadcast_in_dim3A_1270, %broadcast_in_dim3A_1268 : vector<16xi1>, vector<16xi32>
      %add3A_1483 = arith.addi %add3A_1478, %select_n3A_1482 : vector<16xi32>
      %ge3A_1484 = arith.cmpf oge, %div3A_1239, %div3A_1243 : vector<16xf32>
      %select_n3A_1485 = arith.select %ge3A_1484, %broadcast_in_dim3A_1268, %broadcast_in_dim3A_1270 : vector<16xi1>, vector<16xi32>
      %add3A_1486 = arith.addi %add3A_1461, %select_n3A_1485 : vector<16xi32>
      %select_n3A_1487 = arith.select %ge3A_1484, %broadcast_in_dim3A_1270, %broadcast_in_dim3A_1268 : vector<16xi1>, vector<16xi32>
      %add3A_1488 = arith.addi %add3A_1483, %select_n3A_1487 : vector<16xi32>
      %ge3A_1489 = arith.cmpf oge, %div3A_1239, %div3A_1244 : vector<16xf32>
      %select_n3A_1490 = arith.select %ge3A_1489, %broadcast_in_dim3A_1268, %broadcast_in_dim3A_1270 : vector<16xi1>, vector<16xi32>
      %add3A_1491 = arith.addi %add3A_1466, %select_n3A_1490 : vector<16xi32>
      %select_n3A_1492 = arith.select %ge3A_1489, %broadcast_in_dim3A_1270, %broadcast_in_dim3A_1268 : vector<16xi1>, vector<16xi32>
      %add3A_1493 = arith.addi %add3A_1488, %select_n3A_1492 : vector<16xi32>
      %ge3A_1494 = arith.cmpf oge, %div3A_1240, %div3A_1241 : vector<16xf32>
      %select_n3A_1495 = arith.select %ge3A_1494, %broadcast_in_dim3A_1268, %broadcast_in_dim3A_1270 : vector<16xi1>, vector<16xi32>
      %add3A_1496 = arith.addi %add3A_1476, %select_n3A_1495 : vector<16xi32>
      %select_n3A_1497 = arith.select %ge3A_1494, %broadcast_in_dim3A_1270, %broadcast_in_dim3A_1268 : vector<16xi1>, vector<16xi32>
      %add3A_1498 = arith.addi %add3A_1471, %select_n3A_1497 : vector<16xi32>
      %ge3A_1499 = arith.cmpf oge, %div3A_1240, %div3A_1242 : vector<16xf32>
      %select_n3A_1500 = arith.select %ge3A_1499, %broadcast_in_dim3A_1268, %broadcast_in_dim3A_1270 : vector<16xi1>, vector<16xi32>
      %add3A_1501 = arith.addi %add3A_1481, %select_n3A_1500 : vector<16xi32>
      %select_n3A_1502 = arith.select %ge3A_1499, %broadcast_in_dim3A_1270, %broadcast_in_dim3A_1268 : vector<16xi1>, vector<16xi32>
      %add3A_1503 = arith.addi %add3A_1498, %select_n3A_1502 : vector<16xi32>
      %ge3A_1504 = arith.cmpf oge, %div3A_1240, %div3A_1243 : vector<16xf32>
      %select_n3A_1505 = arith.select %ge3A_1504, %broadcast_in_dim3A_1268, %broadcast_in_dim3A_1270 : vector<16xi1>, vector<16xi32>
      %add3A_1506 = arith.addi %add3A_1486, %select_n3A_1505 : vector<16xi32>
      %select_n3A_1507 = arith.select %ge3A_1504, %broadcast_in_dim3A_1270, %broadcast_in_dim3A_1268 : vector<16xi1>, vector<16xi32>
      %add3A_1508 = arith.addi %add3A_1503, %select_n3A_1507 : vector<16xi32>
      %ge3A_1509 = arith.cmpf oge, %div3A_1240, %div3A_1244 : vector<16xf32>
      %select_n3A_1510 = arith.select %ge3A_1509, %broadcast_in_dim3A_1268, %broadcast_in_dim3A_1270 : vector<16xi1>, vector<16xi32>
      %add3A_1511 = arith.addi %add3A_1491, %select_n3A_1510 : vector<16xi32>
      %select_n3A_1512 = arith.select %ge3A_1509, %broadcast_in_dim3A_1270, %broadcast_in_dim3A_1268 : vector<16xi1>, vector<16xi32>
      %add3A_1513 = arith.addi %add3A_1508, %select_n3A_1512 : vector<16xi32>
      %ge3A_1514 = arith.cmpf oge, %div3A_1241, %div3A_1242 : vector<16xf32>
      %select_n3A_1515 = arith.select %ge3A_1514, %broadcast_in_dim3A_1268, %broadcast_in_dim3A_1270 : vector<16xi1>, vector<16xi32>
      %add3A_1516 = arith.addi %add3A_1501, %select_n3A_1515 : vector<16xi32>
      %select_n3A_1517 = arith.select %ge3A_1514, %broadcast_in_dim3A_1270, %broadcast_in_dim3A_1268 : vector<16xi1>, vector<16xi32>
      %add3A_1518 = arith.addi %add3A_1496, %select_n3A_1517 : vector<16xi32>
      %ge3A_1519 = arith.cmpf oge, %div3A_1241, %div3A_1243 : vector<16xf32>
      %select_n3A_1520 = arith.select %ge3A_1519, %broadcast_in_dim3A_1268, %broadcast_in_dim3A_1270 : vector<16xi1>, vector<16xi32>
      %add3A_1521 = arith.addi %add3A_1506, %select_n3A_1520 : vector<16xi32>
      %select_n3A_1522 = arith.select %ge3A_1519, %broadcast_in_dim3A_1270, %broadcast_in_dim3A_1268 : vector<16xi1>, vector<16xi32>
      %add3A_1523 = arith.addi %add3A_1518, %select_n3A_1522 : vector<16xi32>
      %ge3A_1524 = arith.cmpf oge, %div3A_1241, %div3A_1244 : vector<16xf32>
      %select_n3A_1525 = arith.select %ge3A_1524, %broadcast_in_dim3A_1268, %broadcast_in_dim3A_1270 : vector<16xi1>, vector<16xi32>
      %add3A_1526 = arith.addi %add3A_1511, %select_n3A_1525 : vector<16xi32>
      %select_n3A_1527 = arith.select %ge3A_1524, %broadcast_in_dim3A_1270, %broadcast_in_dim3A_1268 : vector<16xi1>, vector<16xi32>
      %add3A_1528 = arith.addi %add3A_1523, %select_n3A_1527 : vector<16xi32>
      %ge3A_1529 = arith.cmpf oge, %div3A_1242, %div3A_1243 : vector<16xf32>
      %select_n3A_1530 = arith.select %ge3A_1529, %broadcast_in_dim3A_1268, %broadcast_in_dim3A_1270 : vector<16xi1>, vector<16xi32>
      %add3A_1531 = arith.addi %add3A_1521, %select_n3A_1530 : vector<16xi32>
      %select_n3A_1532 = arith.select %ge3A_1529, %broadcast_in_dim3A_1270, %broadcast_in_dim3A_1268 : vector<16xi1>, vector<16xi32>
      %add3A_1533 = arith.addi %add3A_1516, %select_n3A_1532 : vector<16xi32>
      %ge3A_1534 = arith.cmpf oge, %div3A_1242, %div3A_1244 : vector<16xf32>
      %select_n3A_1535 = arith.select %ge3A_1534, %broadcast_in_dim3A_1268, %broadcast_in_dim3A_1270 : vector<16xi1>, vector<16xi32>
      %add3A_1536 = arith.addi %add3A_1526, %select_n3A_1535 : vector<16xi32>
      %select_n3A_1537 = arith.select %ge3A_1534, %broadcast_in_dim3A_1270, %broadcast_in_dim3A_1268 : vector<16xi1>, vector<16xi32>
      %add3A_1538 = arith.addi %add3A_1533, %select_n3A_1537 : vector<16xi32>
      %ge3A_1539 = arith.cmpf oge, %div3A_1243, %div3A_1244 : vector<16xf32>
      %select_n3A_1540 = arith.select %ge3A_1539, %broadcast_in_dim3A_1268, %broadcast_in_dim3A_1270 : vector<16xi1>, vector<16xi32>
      %add3A_1541 = arith.addi %add3A_1536, %select_n3A_1540 : vector<16xi32>
      %select_n3A_1542 = arith.select %ge3A_1539, %broadcast_in_dim3A_1270, %broadcast_in_dim3A_1268 : vector<16xi1>, vector<16xi32>
      %add3A_1543 = arith.addi %add3A_1531, %select_n3A_1542 : vector<16xi32>
      %lt3A_1544 = arith.constant 6 : i32
      %lt3A_1545 = vector.broadcast %lt3A_1544 : i32 to vector<16xi32>
      %lt3A_1546 = arith.cmpi slt, %add3A_1318, %lt3A_1545 : vector<16xi32>
      %lt3A_1547 = arith.constant 6 : i32
      %lt3A_1548 = vector.broadcast %lt3A_1547 : i32 to vector<16xi32>
      %lt3A_1549 = arith.cmpi slt, %add3A_1363, %lt3A_1548 : vector<16xi32>
      %lt3A_1550 = arith.constant 6 : i32
      %lt3A_1551 = vector.broadcast %lt3A_1550 : i32 to vector<16xi32>
      %lt3A_1552 = arith.cmpi slt, %add3A_1403, %lt3A_1551 : vector<16xi32>
      %lt3A_1553 = arith.constant 6 : i32
      %lt3A_1554 = vector.broadcast %lt3A_1553 : i32 to vector<16xi32>
      %lt3A_1555 = arith.cmpi slt, %add3A_1438, %lt3A_1554 : vector<16xi32>
      %lt3A_1556 = arith.constant 6 : i32
      %lt3A_1557 = vector.broadcast %lt3A_1556 : i32 to vector<16xi32>
      %lt3A_1558 = arith.cmpi slt, %add3A_1468, %lt3A_1557 : vector<16xi32>
      %lt3A_1559 = arith.constant 6 : i32
      %lt3A_1560 = vector.broadcast %lt3A_1559 : i32 to vector<16xi32>
      %lt3A_1561 = arith.cmpi slt, %add3A_1493, %lt3A_1560 : vector<16xi32>
      %lt3A_1562 = arith.constant 6 : i32
      %lt3A_1563 = vector.broadcast %lt3A_1562 : i32 to vector<16xi32>
      %lt3A_1564 = arith.cmpi slt, %add3A_1513, %lt3A_1563 : vector<16xi32>
      %lt3A_1565 = arith.constant 6 : i32
      %lt3A_1566 = vector.broadcast %lt3A_1565 : i32 to vector<16xi32>
      %lt3A_1567 = arith.cmpi slt, %add3A_1528, %lt3A_1566 : vector<16xi32>
      %lt3A_1568 = arith.constant 6 : i32
      %lt3A_1569 = vector.broadcast %lt3A_1568 : i32 to vector<16xi32>
      %lt3A_1570 = arith.cmpi slt, %add3A_1538, %lt3A_1569 : vector<16xi32>
      %lt3A_1571 = arith.constant 6 : i32
      %lt3A_1572 = vector.broadcast %lt3A_1571 : i32 to vector<16xi32>
      %lt3A_1573 = arith.cmpi slt, %add3A_1543, %lt3A_1572 : vector<16xi32>
      %lt3A_1574 = arith.constant 6 : i32
      %lt3A_1575 = vector.broadcast %lt3A_1574 : i32 to vector<16xi32>
      %lt3A_1576 = arith.cmpi slt, %add3A_1541, %lt3A_1575 : vector<16xi32>
      %jit3A = arith.constant 0.000000e+00 : f32
      %broadcast_in_dim3A_1577 = vector.broadcast %jit3A : f32 to vector<16xf32>
      %select_n3A_1578 = arith.select %lt3A_1546, %div3A, %broadcast_in_dim3A_1577 : vector<16xi1>, vector<16xf32>
      %jit3A_1579 = arith.constant 0.000000e+00 : f32
      %broadcast_in_dim3A_1580 = vector.broadcast %jit3A_1579 : f32 to vector<16xf32>
      %select_n3A_1581 = arith.select %lt3A_1549, %div3A_1235, %broadcast_in_dim3A_1580 : vector<16xi1>, vector<16xf32>
      %add3A_1582 = arith.addf %select_n3A_1578, %select_n3A_1581 : vector<16xf32>
      %jit3A_1583 = arith.constant 0.000000e+00 : f32
      %broadcast_in_dim3A_1584 = vector.broadcast %jit3A_1583 : f32 to vector<16xf32>
      %select_n3A_1585 = arith.select %lt3A_1552, %div3A_1236, %broadcast_in_dim3A_1584 : vector<16xi1>, vector<16xf32>
      %add3A_1586 = arith.addf %add3A_1582, %select_n3A_1585 : vector<16xf32>
      %jit3A_1587 = arith.constant 0.000000e+00 : f32
      %broadcast_in_dim3A_1588 = vector.broadcast %jit3A_1587 : f32 to vector<16xf32>
      %select_n3A_1589 = arith.select %lt3A_1555, %div3A_1237, %broadcast_in_dim3A_1588 : vector<16xi1>, vector<16xf32>
      %add3A_1590 = arith.addf %add3A_1586, %select_n3A_1589 : vector<16xf32>
      %jit3A_1591 = arith.constant 0.000000e+00 : f32
      %broadcast_in_dim3A_1592 = vector.broadcast %jit3A_1591 : f32 to vector<16xf32>
      %select_n3A_1593 = arith.select %lt3A_1558, %div3A_1238, %broadcast_in_dim3A_1592 : vector<16xi1>, vector<16xf32>
      %add3A_1594 = arith.addf %add3A_1590, %select_n3A_1593 : vector<16xf32>
      %jit3A_1595 = arith.constant 0.000000e+00 : f32
      %broadcast_in_dim3A_1596 = vector.broadcast %jit3A_1595 : f32 to vector<16xf32>
      %select_n3A_1597 = arith.select %lt3A_1561, %div3A_1239, %broadcast_in_dim3A_1596 : vector<16xi1>, vector<16xf32>
      %add3A_1598 = arith.addf %add3A_1594, %select_n3A_1597 : vector<16xf32>
      %jit3A_1599 = arith.constant 0.000000e+00 : f32
      %broadcast_in_dim3A_1600 = vector.broadcast %jit3A_1599 : f32 to vector<16xf32>
      %select_n3A_1601 = arith.select %lt3A_1564, %div3A_1240, %broadcast_in_dim3A_1600 : vector<16xi1>, vector<16xf32>
      %add3A_1602 = arith.addf %add3A_1598, %select_n3A_1601 : vector<16xf32>
      %jit3A_1603 = arith.constant 0.000000e+00 : f32
      %broadcast_in_dim3A_1604 = vector.broadcast %jit3A_1603 : f32 to vector<16xf32>
      %select_n3A_1605 = arith.select %lt3A_1567, %div3A_1241, %broadcast_in_dim3A_1604 : vector<16xi1>, vector<16xf32>
      %add3A_1606 = arith.addf %add3A_1602, %select_n3A_1605 : vector<16xf32>
      %jit3A_1607 = arith.constant 0.000000e+00 : f32
      %broadcast_in_dim3A_1608 = vector.broadcast %jit3A_1607 : f32 to vector<16xf32>
      %select_n3A_1609 = arith.select %lt3A_1570, %div3A_1242, %broadcast_in_dim3A_1608 : vector<16xi1>, vector<16xf32>
      %add3A_1610 = arith.addf %add3A_1606, %select_n3A_1609 : vector<16xf32>
      %jit3A_1611 = arith.constant 0.000000e+00 : f32
      %broadcast_in_dim3A_1612 = vector.broadcast %jit3A_1611 : f32 to vector<16xf32>
      %select_n3A_1613 = arith.select %lt3A_1573, %div3A_1243, %broadcast_in_dim3A_1612 : vector<16xi1>, vector<16xf32>
      %add3A_1614 = arith.addf %add3A_1610, %select_n3A_1613 : vector<16xf32>
      %jit3A_1615 = arith.constant 0.000000e+00 : f32
      %broadcast_in_dim3A_1616 = vector.broadcast %jit3A_1615 : f32 to vector<16xf32>
      %select_n3A_1617 = arith.select %lt3A_1576, %div3A_1244, %broadcast_in_dim3A_1616 : vector<16xi1>, vector<16xf32>
      %add3A_1618 = arith.addf %add3A_1614, %select_n3A_1617 : vector<16xf32>
      %div3A_1619 = arith.divf %div3A, %add3A_1618 : vector<16xf32>
      %jit3A_1620 = arith.constant 0.000000e+00 : f32
      %broadcast_in_dim3A_1621 = vector.broadcast %jit3A_1620 : f32 to vector<16xf32>
      %select_n3A_1622 = arith.select %lt3A_1546, %div3A_1619, %broadcast_in_dim3A_1621 : vector<16xi1>, vector<16xf32>
      %mul3A_1623 = arith.constant 16 : i32
      %mul3A_1624 = arith.muli %scan3A_1090, %mul3A_1623 : i32
      %swap3A_1625 = arith.constant 0 : i32
      %swap3A_1626 = arith.index_cast %swap3A_1625 : i32 to index
      %swap3A_1627 = arith.index_cast %mul3A_1624 : i32 to index
      %swap3A_1628 = tpu.vector_load %arg7[%swap3A_1626, %swap3A_1627] {strides = array<i32>} : memref<11x3200xf32, #tpu.memory_space<vmem>>, vector<1x16xf32>,
      %swap3A_1629 = vector.shape_cast %swap3A_1628 : vector<1x16xf32> to vector<16xf32>
      %swap3A_1630 = vector.shape_cast %select_n3A_1622 : vector<16xf32> to vector<1x16xf32>
      tpu.vector_store %arg7[%swap3A_1626, %swap3A_1627], %swap3A_1630 {strides = array<i32>} : memref<11x3200xf32, #tpu.memory_space<vmem>>, vector<1x16xf32>,
      %jit3A_1631 = arith.constant 0.000000e+00 : f32
      %broadcast_in_dim3A_1632 = vector.broadcast %jit3A_1631 : f32 to vector<16xf32>
      %select_n3A_1633 = arith.select %lt3A_1119, %div3A, %broadcast_in_dim3A_1632 : vector<16xi1>, vector<16xf32>
      %add3A_1634 = arith.addf %scan3A_1091, %select_n3A_1633 : vector<16xf32>
      %and3A = arith.andi %lt3A_1119, %lt3A_1546 : vector<16xi1>
      %jit3A_1635 = arith.constant 1.000000e+00 : f32
      %jit3A_1636 = arith.constant 0.000000e+00 : f32
      %broadcast_in_dim3A_1637 = vector.broadcast %jit3A_1635 : f32 to vector<16xf32>
      %broadcast_in_dim3A_1638 = vector.broadcast %jit3A_1636 : f32 to vector<16xf32>
      %select_n3A_1639 = arith.select %and3A, %broadcast_in_dim3A_1637, %broadcast_in_dim3A_1638 : vector<16xi1>, vector<16xf32>
      %add3A_1640 = arith.addf %scan3A_1102, %select_n3A_1639 : vector<16xf32>
      %div3A_1641 = arith.divf %div3A_1235, %add3A_1618 : vector<16xf32>
      %jit3A_1642 = arith.constant 0.000000e+00 : f32
      %broadcast_in_dim3A_1643 = vector.broadcast %jit3A_1642 : f32 to vector<16xf32>
      %select_n3A_1644 = arith.select %lt3A_1549, %div3A_1641, %broadcast_in_dim3A_1643 : vector<16xi1>, vector<16xf32>
      %mul3A_1645 = arith.constant 16 : i32
      %mul3A_1646 = arith.muli %scan3A_1090, %mul3A_1645 : i32
      %swap3A_1647 = arith.constant 1 : i32
      %swap3A_1648 = arith.index_cast %swap3A_1647 : i32 to index
      %swap3A_1649 = arith.index_cast %mul3A_1646 : i32 to index
      %swap3A_1650 = tpu.vector_load %arg7[%swap3A_1648, %swap3A_1649] {strides = array<i32>} : memref<11x3200xf32, #tpu.memory_space<vmem>>, vector<1x16xf32>,
      %swap3A_1651 = vector.shape_cast %swap3A_1650 : vector<1x16xf32> to vector<16xf32>
      %swap3A_1652 = vector.shape_cast %select_n3A_1644 : vector<16xf32> to vector<1x16xf32>
      tpu.vector_store %arg7[%swap3A_1648, %swap3A_1649], %swap3A_1652 {strides = array<i32>} : memref<11x3200xf32, #tpu.memory_space<vmem>>, vector<1x16xf32>,
      %jit3A_1653 = arith.constant 0.000000e+00 : f32
      %broadcast_in_dim3A_1654 = vector.broadcast %jit3A_1653 : f32 to vector<16xf32>
      %select_n3A_1655 = arith.select %lt3A_1119, %div3A_1235, %broadcast_in_dim3A_1654 : vector<16xi1>, vector<16xf32>
      %add3A_1656 = arith.addf %scan3A_1092, %select_n3A_1655 : vector<16xf32>
      %and3A_1657 = arith.andi %lt3A_1119, %lt3A_1549 : vector<16xi1>
      %jit3A_1658 = arith.constant 1.000000e+00 : f32
      %jit3A_1659 = arith.constant 0.000000e+00 : f32
      %broadcast_in_dim3A_1660 = vector.broadcast %jit3A_1658 : f32 to vector<16xf32>
      %broadcast_in_dim3A_1661 = vector.broadcast %jit3A_1659 : f32 to vector<16xf32>
      %select_n3A_1662 = arith.select %and3A_1657, %broadcast_in_dim3A_1660, %broadcast_in_dim3A_1661 : vector<16xi1>, vector<16xf32>
      %add3A_1663 = arith.addf %scan3A_1103, %select_n3A_1662 : vector<16xf32>
      %div3A_1664 = arith.divf %div3A_1236, %add3A_1618 : vector<16xf32>
      %jit3A_1665 = arith.constant 0.000000e+00 : f32
      %broadcast_in_dim3A_1666 = vector.broadcast %jit3A_1665 : f32 to vector<16xf32>
      %select_n3A_1667 = arith.select %lt3A_1552, %div3A_1664, %broadcast_in_dim3A_1666 : vector<16xi1>, vector<16xf32>
      %mul3A_1668 = arith.constant 16 : i32
      %mul3A_1669 = arith.muli %scan3A_1090, %mul3A_1668 : i32
      %swap3A_1670 = arith.constant 2 : i32
      %swap3A_1671 = arith.index_cast %swap3A_1670 : i32 to index
      %swap3A_1672 = arith.index_cast %mul3A_1669 : i32 to index
      %swap3A_1673 = tpu.vector_load %arg7[%swap3A_1671, %swap3A_1672] {strides = array<i32>} : memref<11x3200xf32, #tpu.memory_space<vmem>>, vector<1x16xf32>,
      %swap3A_1674 = vector.shape_cast %swap3A_1673 : vector<1x16xf32> to vector<16xf32>
      %swap3A_1675 = vector.shape_cast %select_n3A_1667 : vector<16xf32> to vector<1x16xf32>
      tpu.vector_store %arg7[%swap3A_1671, %swap3A_1672], %swap3A_1675 {strides = array<i32>} : memref<11x3200xf32, #tpu.memory_space<vmem>>, vector<1x16xf32>,
      %jit3A_1676 = arith.constant 0.000000e+00 : f32
      %broadcast_in_dim3A_1677 = vector.broadcast %jit3A_1676 : f32 to vector<16xf32>
      %select_n3A_1678 = arith.select %lt3A_1119, %div3A_1236, %broadcast_in_dim3A_1677 : vector<16xi1>, vector<16xf32>
      %add3A_1679 = arith.addf %scan3A_1093, %select_n3A_1678 : vector<16xf32>
      %and3A_1680 = arith.andi %lt3A_1119, %lt3A_1552 : vector<16xi1>
      %jit3A_1681 = arith.constant 1.000000e+00 : f32
      %jit3A_1682 = arith.constant 0.000000e+00 : f32
      %broadcast_in_dim3A_1683 = vector.broadcast %jit3A_1681 : f32 to vector<16xf32>
      %broadcast_in_dim3A_1684 = vector.broadcast %jit3A_1682 : f32 to vector<16xf32>
      %select_n3A_1685 = arith.select %and3A_1680, %broadcast_in_dim3A_1683, %broadcast_in_dim3A_1684 : vector<16xi1>, vector<16xf32>
      %add3A_1686 = arith.addf %scan3A_1104, %select_n3A_1685 : vector<16xf32>
      %div3A_1687 = arith.divf %div3A_1237, %add3A_1618 : vector<16xf32>
      %jit3A_1688 = arith.constant 0.000000e+00 : f32
      %broadcast_in_dim3A_1689 = vector.broadcast %jit3A_1688 : f32 to vector<16xf32>
      %select_n3A_1690 = arith.select %lt3A_1555, %div3A_1687, %broadcast_in_dim3A_1689 : vector<16xi1>, vector<16xf32>
      %mul3A_1691 = arith.constant 16 : i32
      %mul3A_1692 = arith.muli %scan3A_1090, %mul3A_1691 : i32
      %swap3A_1693 = arith.constant 3 : i32
      %swap3A_1694 = arith.index_cast %swap3A_1693 : i32 to index
      %swap3A_1695 = arith.index_cast %mul3A_1692 : i32 to index
      %swap3A_1696 = tpu.vector_load %arg7[%swap3A_1694, %swap3A_1695] {strides = array<i32>} : memref<11x3200xf32, #tpu.memory_space<vmem>>, vector<1x16xf32>,
      %swap3A_1697 = vector.shape_cast %swap3A_1696 : vector<1x16xf32> to vector<16xf32>
      %swap3A_1698 = vector.shape_cast %select_n3A_1690 : vector<16xf32> to vector<1x16xf32>
      tpu.vector_store %arg7[%swap3A_1694, %swap3A_1695], %swap3A_1698 {strides = array<i32>} : memref<11x3200xf32, #tpu.memory_space<vmem>>, vector<1x16xf32>,
      %jit3A_1699 = arith.constant 0.000000e+00 : f32
      %broadcast_in_dim3A_1700 = vector.broadcast %jit3A_1699 : f32 to vector<16xf32>
      %select_n3A_1701 = arith.select %lt3A_1119, %div3A_1237, %broadcast_in_dim3A_1700 : vector<16xi1>, vector<16xf32>
      %add3A_1702 = arith.addf %scan3A_1094, %select_n3A_1701 : vector<16xf32>
      %and3A_1703 = arith.andi %lt3A_1119, %lt3A_1555 : vector<16xi1>
      %jit3A_1704 = arith.constant 1.000000e+00 : f32
      %jit3A_1705 = arith.constant 0.000000e+00 : f32
      %broadcast_in_dim3A_1706 = vector.broadcast %jit3A_1704 : f32 to vector<16xf32>
      %broadcast_in_dim3A_1707 = vector.broadcast %jit3A_1705 : f32 to vector<16xf32>
      %select_n3A_1708 = arith.select %and3A_1703, %broadcast_in_dim3A_1706, %broadcast_in_dim3A_1707 : vector<16xi1>, vector<16xf32>
      %add3A_1709 = arith.addf %scan3A_1105, %select_n3A_1708 : vector<16xf32>
      %div3A_1710 = arith.divf %div3A_1238, %add3A_1618 : vector<16xf32>
      %jit3A_1711 = arith.constant 0.000000e+00 : f32
      %broadcast_in_dim3A_1712 = vector.broadcast %jit3A_1711 : f32 to vector<16xf32>
      %select_n3A_1713 = arith.select %lt3A_1558, %div3A_1710, %broadcast_in_dim3A_1712 : vector<16xi1>, vector<16xf32>
      %mul3A_1714 = arith.constant 16 : i32
      %mul3A_1715 = arith.muli %scan3A_1090, %mul3A_1714 : i32
      %swap3A_1716 = arith.constant 4 : i32
      %swap3A_1717 = arith.index_cast %swap3A_1716 : i32 to index
      %swap3A_1718 = arith.index_cast %mul3A_1715 : i32 to index
      %swap3A_1719 = tpu.vector_load %arg7[%swap3A_1717, %swap3A_1718] {strides = array<i32>} : memref<11x3200xf32, #tpu.memory_space<vmem>>, vector<1x16xf32>,
      %swap3A_1720 = vector.shape_cast %swap3A_1719 : vector<1x16xf32> to vector<16xf32>
      %swap3A_1721 = vector.shape_cast %select_n3A_1713 : vector<16xf32> to vector<1x16xf32>
      tpu.vector_store %arg7[%swap3A_1717, %swap3A_1718], %swap3A_1721 {strides = array<i32>} : memref<11x3200xf32, #tpu.memory_space<vmem>>, vector<1x16xf32>,
      %jit3A_1722 = arith.constant 0.000000e+00 : f32
      %broadcast_in_dim3A_1723 = vector.broadcast %jit3A_1722 : f32 to vector<16xf32>
      %select_n3A_1724 = arith.select %lt3A_1119, %div3A_1238, %broadcast_in_dim3A_1723 : vector<16xi1>, vector<16xf32>
      %add3A_1725 = arith.addf %scan3A_1095, %select_n3A_1724 : vector<16xf32>
      %and3A_1726 = arith.andi %lt3A_1119, %lt3A_1558 : vector<16xi1>
      %jit3A_1727 = arith.constant 1.000000e+00 : f32
      %jit3A_1728 = arith.constant 0.000000e+00 : f32
      %broadcast_in_dim3A_1729 = vector.broadcast %jit3A_1727 : f32 to vector<16xf32>
      %broadcast_in_dim3A_1730 = vector.broadcast %jit3A_1728 : f32 to vector<16xf32>
      %select_n3A_1731 = arith.select %and3A_1726, %broadcast_in_dim3A_1729, %broadcast_in_dim3A_1730 : vector<16xi1>, vector<16xf32>
      %add3A_1732 = arith.addf %scan3A_1106, %select_n3A_1731 : vector<16xf32>
      %div3A_1733 = arith.divf %div3A_1239, %add3A_1618 : vector<16xf32>
      %jit3A_1734 = arith.constant 0.000000e+00 : f32
      %broadcast_in_dim3A_1735 = vector.broadcast %jit3A_1734 : f32 to vector<16xf32>
      %select_n3A_1736 = arith.select %lt3A_1561, %div3A_1733, %broadcast_in_dim3A_1735 : vector<16xi1>, vector<16xf32>
      %mul3A_1737 = arith.constant 16 : i32
      %mul3A_1738 = arith.muli %scan3A_1090, %mul3A_1737 : i32
      %swap3A_1739 = arith.constant 5 : i32
      %swap3A_1740 = arith.index_cast %swap3A_1739 : i32 to index
      %swap3A_1741 = arith.index_cast %mul3A_1738 : i32 to index
      %swap3A_1742 = tpu.vector_load %arg7[%swap3A_1740, %swap3A_1741] {strides = array<i32>} : memref<11x3200xf32, #tpu.memory_space<vmem>>, vector<1x16xf32>,
      %swap3A_1743 = vector.shape_cast %swap3A_1742 : vector<1x16xf32> to vector<16xf32>
      %swap3A_1744 = vector.shape_cast %select_n3A_1736 : vector<16xf32> to vector<1x16xf32>
      tpu.vector_store %arg7[%swap3A_1740, %swap3A_1741], %swap3A_1744 {strides = array<i32>} : memref<11x3200xf32, #tpu.memory_space<vmem>>, vector<1x16xf32>,
      %jit3A_1745 = arith.constant 0.000000e+00 : f32
      %broadcast_in_dim3A_1746 = vector.broadcast %jit3A_1745 : f32 to vector<16xf32>
      %select_n3A_1747 = arith.select %lt3A_1119, %div3A_1239, %broadcast_in_dim3A_1746 : vector<16xi1>, vector<16xf32>
      %add3A_1748 = arith.addf %scan3A_1096, %select_n3A_1747 : vector<16xf32>
      %and3A_1749 = arith.andi %lt3A_1119, %lt3A_1561 : vector<16xi1>
      %jit3A_1750 = arith.constant 1.000000e+00 : f32
      %jit3A_1751 = arith.constant 0.000000e+00 : f32
      %broadcast_in_dim3A_1752 = vector.broadcast %jit3A_1750 : f32 to vector<16xf32>
      %broadcast_in_dim3A_1753 = vector.broadcast %jit3A_1751 : f32 to vector<16xf32>
      %select_n3A_1754 = arith.select %and3A_1749, %broadcast_in_dim3A_1752, %broadcast_in_dim3A_1753 : vector<16xi1>, vector<16xf32>
      %add3A_1755 = arith.addf %scan3A_1107, %select_n3A_1754 : vector<16xf32>
      %div3A_1756 = arith.divf %div3A_1240, %add3A_1618 : vector<16xf32>
      %jit3A_1757 = arith.constant 0.000000e+00 : f32
      %broadcast_in_dim3A_1758 = vector.broadcast %jit3A_1757 : f32 to vector<16xf32>
      %select_n3A_1759 = arith.select %lt3A_1564, %div3A_1756, %broadcast_in_dim3A_1758 : vector<16xi1>, vector<16xf32>
      %mul3A_1760 = arith.constant 16 : i32
      %mul3A_1761 = arith.muli %scan3A_1090, %mul3A_1760 : i32
      %swap3A_1762 = arith.constant 6 : i32
      %swap3A_1763 = arith.index_cast %swap3A_1762 : i32 to index
      %swap3A_1764 = arith.index_cast %mul3A_1761 : i32 to index
      %swap3A_1765 = tpu.vector_load %arg7[%swap3A_1763, %swap3A_1764] {strides = array<i32>} : memref<11x3200xf32, #tpu.memory_space<vmem>>, vector<1x16xf32>,
      %swap3A_1766 = vector.shape_cast %swap3A_1765 : vector<1x16xf32> to vector<16xf32>
      %swap3A_1767 = vector.shape_cast %select_n3A_1759 : vector<16xf32> to vector<1x16xf32>
      tpu.vector_store %arg7[%swap3A_1763, %swap3A_1764], %swap3A_1767 {strides = array<i32>} : memref<11x3200xf32, #tpu.memory_space<vmem>>, vector<1x16xf32>,
      %jit3A_1768 = arith.constant 0.000000e+00 : f32
      %broadcast_in_dim3A_1769 = vector.broadcast %jit3A_1768 : f32 to vector<16xf32>
      %select_n3A_1770 = arith.select %lt3A_1119, %div3A_1240, %broadcast_in_dim3A_1769 : vector<16xi1>, vector<16xf32>
      %add3A_1771 = arith.addf %scan3A_1097, %select_n3A_1770 : vector<16xf32>
      %and3A_1772 = arith.andi %lt3A_1119, %lt3A_1564 : vector<16xi1>
      %jit3A_1773 = arith.constant 1.000000e+00 : f32
      %jit3A_1774 = arith.constant 0.000000e+00 : f32
      %broadcast_in_dim3A_1775 = vector.broadcast %jit3A_1773 : f32 to vector<16xf32>
      %broadcast_in_dim3A_1776 = vector.broadcast %jit3A_1774 : f32 to vector<16xf32>
      %select_n3A_1777 = arith.select %and3A_1772, %broadcast_in_dim3A_1775, %broadcast_in_dim3A_1776 : vector<16xi1>, vector<16xf32>
      %add3A_1778 = arith.addf %scan3A_1108, %select_n3A_1777 : vector<16xf32>
      %div3A_1779 = arith.divf %div3A_1241, %add3A_1618 : vector<16xf32>
      %jit3A_1780 = arith.constant 0.000000e+00 : f32
      %broadcast_in_dim3A_1781 = vector.broadcast %jit3A_1780 : f32 to vector<16xf32>
      %select_n3A_1782 = arith.select %lt3A_1567, %div3A_1779, %broadcast_in_dim3A_1781 : vector<16xi1>, vector<16xf32>
      %mul3A_1783 = arith.constant 16 : i32
      %mul3A_1784 = arith.muli %scan3A_1090, %mul3A_1783 : i32
      %swap3A_1785 = arith.constant 7 : i32
      %swap3A_1786 = arith.index_cast %swap3A_1785 : i32 to index
      %swap3A_1787 = arith.index_cast %mul3A_1784 : i32 to index
      %swap3A_1788 = tpu.vector_load %arg7[%swap3A_1786, %swap3A_1787] {strides = array<i32>} : memref<11x3200xf32, #tpu.memory_space<vmem>>, vector<1x16xf32>,
      %swap3A_1789 = vector.shape_cast %swap3A_1788 : vector<1x16xf32> to vector<16xf32>
      %swap3A_1790 = vector.shape_cast %select_n3A_1782 : vector<16xf32> to vector<1x16xf32>
      tpu.vector_store %arg7[%swap3A_1786, %swap3A_1787], %swap3A_1790 {strides = array<i32>} : memref<11x3200xf32, #tpu.memory_space<vmem>>, vector<1x16xf32>,
      %jit3A_1791 = arith.constant 0.000000e+00 : f32
      %broadcast_in_dim3A_1792 = vector.broadcast %jit3A_1791 : f32 to vector<16xf32>
      %select_n3A_1793 = arith.select %lt3A_1119, %div3A_1241, %broadcast_in_dim3A_1792 : vector<16xi1>, vector<16xf32>
      %add3A_1794 = arith.addf %scan3A_1098, %select_n3A_1793 : vector<16xf32>
      %and3A_1795 = arith.andi %lt3A_1119, %lt3A_1567 : vector<16xi1>
      %jit3A_1796 = arith.constant 1.000000e+00 : f32
      %jit3A_1797 = arith.constant 0.000000e+00 : f32
      %broadcast_in_dim3A_1798 = vector.broadcast %jit3A_1796 : f32 to vector<16xf32>
      %broadcast_in_dim3A_1799 = vector.broadcast %jit3A_1797 : f32 to vector<16xf32>
      %select_n3A_1800 = arith.select %and3A_1795, %broadcast_in_dim3A_1798, %broadcast_in_dim3A_1799 : vector<16xi1>, vector<16xf32>
      %add3A_1801 = arith.addf %scan3A_1109, %select_n3A_1800 : vector<16xf32>
      %div3A_1802 = arith.divf %div3A_1242, %add3A_1618 : vector<16xf32>
      %jit3A_1803 = arith.constant 0.000000e+00 : f32
      %broadcast_in_dim3A_1804 = vector.broadcast %jit3A_1803 : f32 to vector<16xf32>
      %select_n3A_1805 = arith.select %lt3A_1570, %div3A_1802, %broadcast_in_dim3A_1804 : vector<16xi1>, vector<16xf32>
      %mul3A_1806 = arith.constant 16 : i32
      %mul3A_1807 = arith.muli %scan3A_1090, %mul3A_1806 : i32
      %swap3A_1808 = arith.constant 8 : i32
      %swap3A_1809 = arith.index_cast %swap3A_1808 : i32 to index
      %swap3A_1810 = arith.index_cast %mul3A_1807 : i32 to index
      %swap3A_1811 = tpu.vector_load %arg7[%swap3A_1809, %swap3A_1810] {strides = array<i32>} : memref<11x3200xf32, #tpu.memory_space<vmem>>, vector<1x16xf32>,
      %swap3A_1812 = vector.shape_cast %swap3A_1811 : vector<1x16xf32> to vector<16xf32>
      %swap3A_1813 = vector.shape_cast %select_n3A_1805 : vector<16xf32> to vector<1x16xf32>
      tpu.vector_store %arg7[%swap3A_1809, %swap3A_1810], %swap3A_1813 {strides = array<i32>} : memref<11x3200xf32, #tpu.memory_space<vmem>>, vector<1x16xf32>,
      %jit3A_1814 = arith.constant 0.000000e+00 : f32
      %broadcast_in_dim3A_1815 = vector.broadcast %jit3A_1814 : f32 to vector<16xf32>
      %select_n3A_1816 = arith.select %lt3A_1119, %div3A_1242, %broadcast_in_dim3A_1815 : vector<16xi1>, vector<16xf32>
      %add3A_1817 = arith.addf %scan3A_1099, %select_n3A_1816 : vector<16xf32>
      %and3A_1818 = arith.andi %lt3A_1119, %lt3A_1570 : vector<16xi1>
      %jit3A_1819 = arith.constant 1.000000e+00 : f32
      %jit3A_1820 = arith.constant 0.000000e+00 : f32
      %broadcast_in_dim3A_1821 = vector.broadcast %jit3A_1819 : f32 to vector<16xf32>
      %broadcast_in_dim3A_1822 = vector.broadcast %jit3A_1820 : f32 to vector<16xf32>
      %select_n3A_1823 = arith.select %and3A_1818, %broadcast_in_dim3A_1821, %broadcast_in_dim3A_1822 : vector<16xi1>, vector<16xf32>
      %add3A_1824 = arith.addf %scan3A_1110, %select_n3A_1823 : vector<16xf32>
      %div3A_1825 = arith.divf %div3A_1243, %add3A_1618 : vector<16xf32>
      %jit3A_1826 = arith.constant 0.000000e+00 : f32
      %broadcast_in_dim3A_1827 = vector.broadcast %jit3A_1826 : f32 to vector<16xf32>
      %select_n3A_1828 = arith.select %lt3A_1573, %div3A_1825, %broadcast_in_dim3A_1827 : vector<16xi1>, vector<16xf32>
      %mul3A_1829 = arith.constant 16 : i32
      %mul3A_1830 = arith.muli %scan3A_1090, %mul3A_1829 : i32
      %swap3A_1831 = arith.constant 9 : i32
      %swap3A_1832 = arith.index_cast %swap3A_1831 : i32 to index
      %swap3A_1833 = arith.index_cast %mul3A_1830 : i32 to index
      %swap3A_1834 = tpu.vector_load %arg7[%swap3A_1832, %swap3A_1833] {strides = array<i32>} : memref<11x3200xf32, #tpu.memory_space<vmem>>, vector<1x16xf32>,
      %swap3A_1835 = vector.shape_cast %swap3A_1834 : vector<1x16xf32> to vector<16xf32>
      %swap3A_1836 = vector.shape_cast %select_n3A_1828 : vector<16xf32> to vector<1x16xf32>
      tpu.vector_store %arg7[%swap3A_1832, %swap3A_1833], %swap3A_1836 {strides = array<i32>} : memref<11x3200xf32, #tpu.memory_space<vmem>>, vector<1x16xf32>,
      %jit3A_1837 = arith.constant 0.000000e+00 : f32
      %broadcast_in_dim3A_1838 = vector.broadcast %jit3A_1837 : f32 to vector<16xf32>
      %select_n3A_1839 = arith.select %lt3A_1119, %div3A_1243, %broadcast_in_dim3A_1838 : vector<16xi1>, vector<16xf32>
      %add3A_1840 = arith.addf %scan3A_1100, %select_n3A_1839 : vector<16xf32>
      %and3A_1841 = arith.andi %lt3A_1119, %lt3A_1573 : vector<16xi1>
      %jit3A_1842 = arith.constant 1.000000e+00 : f32
      %jit3A_1843 = arith.constant 0.000000e+00 : f32
      %broadcast_in_dim3A_1844 = vector.broadcast %jit3A_1842 : f32 to vector<16xf32>
      %broadcast_in_dim3A_1845 = vector.broadcast %jit3A_1843 : f32 to vector<16xf32>
      %select_n3A_1846 = arith.select %and3A_1841, %broadcast_in_dim3A_1844, %broadcast_in_dim3A_1845 : vector<16xi1>, vector<16xf32>
      %add3A_1847 = arith.addf %scan3A_1111, %select_n3A_1846 : vector<16xf32>
      %div3A_1848 = arith.divf %div3A_1244, %add3A_1618 : vector<16xf32>
      %jit3A_1849 = arith.constant 0.000000e+00 : f32
      %broadcast_in_dim3A_1850 = vector.broadcast %jit3A_1849 : f32 to vector<16xf32>
      %select_n3A_1851 = arith.select %lt3A_1576, %div3A_1848, %broadcast_in_dim3A_1850 : vector<16xi1>, vector<16xf32>
      %mul3A_1852 = arith.constant 16 : i32
      %mul3A_1853 = arith.muli %scan3A_1090, %mul3A_1852 : i32
      %swap3A_1854 = arith.constant 10 : i32
      %swap3A_1855 = arith.index_cast %swap3A_1854 : i32 to index
      %swap3A_1856 = arith.index_cast %mul3A_1853 : i32 to index
      %swap3A_1857 = tpu.vector_load %arg7[%swap3A_1855, %swap3A_1856] {strides = array<i32>} : memref<11x3200xf32, #tpu.memory_space<vmem>>, vector<1x16xf32>,
      %swap3A_1858 = vector.shape_cast %swap3A_1857 : vector<1x16xf32> to vector<16xf32>
      %swap3A_1859 = vector.shape_cast %select_n3A_1851 : vector<16xf32> to vector<1x16xf32>
      tpu.vector_store %arg7[%swap3A_1855, %swap3A_1856], %swap3A_1859 {strides = array<i32>} : memref<11x3200xf32, #tpu.memory_space<vmem>>, vector<1x16xf32>,
      %jit3A_1860 = arith.constant 0.000000e+00 : f32
      %broadcast_in_dim3A_1861 = vector.broadcast %jit3A_1860 : f32 to vector<16xf32>
      %select_n3A_1862 = arith.select %lt3A_1119, %div3A_1244, %broadcast_in_dim3A_1861 : vector<16xi1>, vector<16xf32>
      %add3A_1863 = arith.addf %scan3A_1101, %select_n3A_1862 : vector<16xf32>
      %and3A_1864 = arith.andi %lt3A_1119, %lt3A_1576 : vector<16xi1>
      %jit3A_1865 = arith.constant 1.000000e+00 : f32
      %jit3A_1866 = arith.constant 0.000000e+00 : f32
      %broadcast_in_dim3A_1867 = vector.broadcast %jit3A_1865 : f32 to vector<16xf32>
      %broadcast_in_dim3A_1868 = vector.broadcast %jit3A_1866 : f32 to vector<16xf32>
      %select_n3A_1869 = arith.select %and3A_1864, %broadcast_in_dim3A_1867, %broadcast_in_dim3A_1868 : vector<16xi1>, vector<16xf32>
      %add3A_1870 = arith.addf %scan3A_1112, %select_n3A_1869 : vector<16xf32>
      scf.yield %add3A_1634, %add3A_1656, %add3A_1679, %add3A_1702, %add3A_1725, %add3A_1748, %add3A_1771, %add3A_1794, %add3A_1817, %add3A_1840, %add3A_1863, %add3A_1640, %add3A_1663, %add3A_1686, %add3A_1709, %add3A_1732, %add3A_1755, %add3A_1778, %add3A_1801, %add3A_1824, %add3A_1847, %add3A_1870 : vector<16xf32>, vector<16xf32>, vector<16xf32>, vector<16xf32>, vector<16xf32>, vector<16xf32>, vector<16xf32>, vector<16xf32>, vector<16xf32>, vector<16xf32>, vector<16xf32>, vector<16xf32>, vector<16xf32>, vector<16xf32>, vector<16xf32>, vector<16xf32>, vector<16xf32>, vector<16xf32>, vector<16xf32>, vector<16xf32>, vector<16xf32>, vector<16xf32>
    }
    %scan3A_28 = arith.constant 200 : i32
    "tpu.region"() ({
      %run_scoped3A = tpu.sem_alloc : memref<!tpu.dma_semaphore, #tpu.memory_space<semaphore_mem>>
      %dma_start3A = arith.constant 0 : i32
      %dma_start3A_1090 = tpu.memref_slice %arg3[%dma_start3A, %mul3A_2] : memref<11x102400xf32, #tpu.memory_space<hbm>> -> memref<11x3200xf32, #tpu.memory_space<hbm>>
      %dma_start3A_1091 = arith.constant 0 : i32
      %dma_start3A_1092 = tpu.memref_slice %arg3[%dma_start3A_1091, %mul3A_2] : memref<11x102400xf32, #tpu.memory_space<hbm>> -> memref<11x3200xf32, #tpu.memory_space<hbm>>
      tpu.enqueue_dma source(%arg7 : memref<11x3200xf32, #tpu.memory_space<vmem>>) target(%dma_start3A_1092 : memref<11x3200xf32, #tpu.memory_space<hbm>>) target_semaphore(%run_scoped3A : memref<!tpu.dma_semaphore, #tpu.memory_space<semaphore_mem>>)
      %dma_wait3A = arith.constant 0 : i32
      %dma_wait3A_1093 = tpu.memref_slice %arg3[%dma_wait3A, %mul3A_2] : memref<11x102400xf32, #tpu.memory_space<hbm>> -> memref<11x3200xf32, #tpu.memory_space<hbm>>
      %dma_wait3A_1094 = arith.constant 0 : i32
      %dma_wait3A_1095 = tpu.memref_slice %arg3[%dma_wait3A_1094, %mul3A_2] : memref<11x102400xf32, #tpu.memory_space<hbm>> -> memref<11x3200xf32, #tpu.memory_space<hbm>>
      tpu.wait_dma2 semaphore(%run_scoped3A : memref<!tpu.dma_semaphore, #tpu.memory_space<semaphore_mem>>) src(%arg7 : memref<11x3200xf32, #tpu.memory_space<vmem>>) dst(%dma_wait3A_1095 : memref<11x3200xf32, #tpu.memory_space<hbm>>)
      tpu.yield
    }) : () -> ()
    %broadcast_in_dim3A_29 = arith.constant 0.000000e+00 : f32
    %broadcast_in_dim3A_30 = vector.broadcast %broadcast_in_dim3A_29 : f32 to vector<16xf32>
    %swap3A = arith.constant 0 : i32
    %swap3A_31 = arith.index_cast %swap3A : i32 to index
    %swap3A_32 = arith.constant 0 : index
    %swap3A_33 = tpu.vector_load %arg8[%swap3A_31, %swap3A_32] {strides = array<i32>} : memref<11x128xf32, #tpu.memory_space<vmem>>, vector<1x16xf32>,
    %swap3A_34 = vector.shape_cast %swap3A_33 : vector<1x16xf32> to vector<16xf32>
    %swap3A_35 = vector.shape_cast %scan3A_27#0 : vector<16xf32> to vector<1x16xf32>
    tpu.vector_store %arg8[%swap3A_31, %swap3A_32], %swap3A_35 {strides = array<i32>} : memref<11x128xf32, #tpu.memory_space<vmem>>, vector<1x16xf32>,
    %swap3A_36 = arith.constant 0 : i32
    %swap3A_37 = arith.index_cast %swap3A_36 : i32 to index
    %swap3A_38 = arith.constant 0 : index
    %swap3A_39 = tpu.vector_load %arg9[%swap3A_37, %swap3A_38] {strides = array<i32>} : memref<11x128xf32, #tpu.memory_space<vmem>>, vector<1x16xf32>,
    %swap3A_40 = vector.shape_cast %swap3A_39 : vector<1x16xf32> to vector<16xf32>
    %swap3A_41 = vector.shape_cast %scan3A_27#11 : vector<16xf32> to vector<1x16xf32>
    tpu.vector_store %arg9[%swap3A_37, %swap3A_38], %swap3A_41 {strides = array<i32>} : memref<11x128xf32, #tpu.memory_space<vmem>>, vector<1x16xf32>,
    %swap3A_42 = arith.constant 0 : i32
    %swap3A_43 = arith.index_cast %swap3A_42 : i32 to index
    %swap3A_44 = arith.constant 16 : index
    %swap3A_45 = tpu.vector_load %arg8[%swap3A_43, %swap3A_44] {strides = array<i32>} : memref<11x128xf32, #tpu.memory_space<vmem>>, vector<1x16xf32>,
    %swap3A_46 = vector.shape_cast %swap3A_45 : vector<1x16xf32> to vector<16xf32>
    %swap3A_47 = vector.shape_cast %broadcast_in_dim3A_30 : vector<16xf32> to vector<1x16xf32>
    tpu.vector_store %arg8[%swap3A_43, %swap3A_44], %swap3A_47 {strides = array<i32>} : memref<11x128xf32, #tpu.memory_space<vmem>>, vector<1x16xf32>,
    %swap3A_48 = arith.constant 0 : i32
    %swap3A_49 = arith.index_cast %swap3A_48 : i32 to index
    %swap3A_50 = arith.constant 16 : index
    %swap3A_51 = tpu.vector_load %arg9[%swap3A_49, %swap3A_50] {strides = array<i32>} : memref<11x128xf32, #tpu.memory_space<vmem>>, vector<1x16xf32>,
    %swap3A_52 = vector.shape_cast %swap3A_51 : vector<1x16xf32> to vector<16xf32>
    %swap3A_53 = vector.shape_cast %broadcast_in_dim3A_30 : vector<16xf32> to vector<1x16xf32>
    tpu.vector_store %arg9[%swap3A_49, %swap3A_50], %swap3A_53 {strides = array<i32>} : memref<11x128xf32, #tpu.memory_space<vmem>>, vector<1x16xf32>,
    %swap3A_54 = arith.constant 0 : i32
    %swap3A_55 = arith.index_cast %swap3A_54 : i32 to index
    %swap3A_56 = arith.constant 32 : index
    %swap3A_57 = tpu.vector_load %arg8[%swap3A_55, %swap3A_56] {strides = array<i32>} : memref<11x128xf32, #tpu.memory_space<vmem>>, vector<1x16xf32>,
    %swap3A_58 = vector.shape_cast %swap3A_57 : vector<1x16xf32> to vector<16xf32>
    %swap3A_59 = vector.shape_cast %broadcast_in_dim3A_30 : vector<16xf32> to vector<1x16xf32>
    tpu.vector_store %arg8[%swap3A_55, %swap3A_56], %swap3A_59 {strides = array<i32>} : memref<11x128xf32, #tpu.memory_space<vmem>>, vector<1x16xf32>,
    %swap3A_60 = arith.constant 0 : i32
    %swap3A_61 = arith.index_cast %swap3A_60 : i32 to index
    %swap3A_62 = arith.constant 32 : index
    %swap3A_63 = tpu.vector_load %arg9[%swap3A_61, %swap3A_62] {strides = array<i32>} : memref<11x128xf32, #tpu.memory_space<vmem>>, vector<1x16xf32>,
    %swap3A_64 = vector.shape_cast %swap3A_63 : vector<1x16xf32> to vector<16xf32>
    %swap3A_65 = vector.shape_cast %broadcast_in_dim3A_30 : vector<16xf32> to vector<1x16xf32>
    tpu.vector_store %arg9[%swap3A_61, %swap3A_62], %swap3A_65 {strides = array<i32>} : memref<11x128xf32, #tpu.memory_space<vmem>>, vector<1x16xf32>,
    %swap3A_66 = arith.constant 0 : i32
    %swap3A_67 = arith.index_cast %swap3A_66 : i32 to index
    %swap3A_68 = arith.constant 48 : index
    %swap3A_69 = tpu.vector_load %arg8[%swap3A_67, %swap3A_68] {strides = array<i32>} : memref<11x128xf32, #tpu.memory_space<vmem>>, vector<1x16xf32>,
    %swap3A_70 = vector.shape_cast %swap3A_69 : vector<1x16xf32> to vector<16xf32>
    %swap3A_71 = vector.shape_cast %broadcast_in_dim3A_30 : vector<16xf32> to vector<1x16xf32>
    tpu.vector_store %arg8[%swap3A_67, %swap3A_68], %swap3A_71 {strides = array<i32>} : memref<11x128xf32, #tpu.memory_space<vmem>>, vector<1x16xf32>,
    %swap3A_72 = arith.constant 0 : i32
    %swap3A_73 = arith.index_cast %swap3A_72 : i32 to index
    %swap3A_74 = arith.constant 48 : index
    %swap3A_75 = tpu.vector_load %arg9[%swap3A_73, %swap3A_74] {strides = array<i32>} : memref<11x128xf32, #tpu.memory_space<vmem>>, vector<1x16xf32>,
    %swap3A_76 = vector.shape_cast %swap3A_75 : vector<1x16xf32> to vector<16xf32>
    %swap3A_77 = vector.shape_cast %broadcast_in_dim3A_30 : vector<16xf32> to vector<1x16xf32>
    tpu.vector_store %arg9[%swap3A_73, %swap3A_74], %swap3A_77 {strides = array<i32>} : memref<11x128xf32, #tpu.memory_space<vmem>>, vector<1x16xf32>,
    %swap3A_78 = arith.constant 0 : i32
    %swap3A_79 = arith.index_cast %swap3A_78 : i32 to index
    %swap3A_80 = arith.constant 64 : index
    %swap3A_81 = tpu.vector_load %arg8[%swap3A_79, %swap3A_80] {strides = array<i32>} : memref<11x128xf32, #tpu.memory_space<vmem>>, vector<1x16xf32>,
    %swap3A_82 = vector.shape_cast %swap3A_81 : vector<1x16xf32> to vector<16xf32>
    %swap3A_83 = vector.shape_cast %broadcast_in_dim3A_30 : vector<16xf32> to vector<1x16xf32>
    tpu.vector_store %arg8[%swap3A_79, %swap3A_80], %swap3A_83 {strides = array<i32>} : memref<11x128xf32, #tpu.memory_space<vmem>>, vector<1x16xf32>,
    %swap3A_84 = arith.constant 0 : i32
    %swap3A_85 = arith.index_cast %swap3A_84 : i32 to index
    %swap3A_86 = arith.constant 64 : index
    %swap3A_87 = tpu.vector_load %arg9[%swap3A_85, %swap3A_86] {strides = array<i32>} : memref<11x128xf32, #tpu.memory_space<vmem>>, vector<1x16xf32>,
    %swap3A_88 = vector.shape_cast %swap3A_87 : vector<1x16xf32> to vector<16xf32>
    %swap3A_89 = vector.shape_cast %broadcast_in_dim3A_30 : vector<16xf32> to vector<1x16xf32>
    tpu.vector_store %arg9[%swap3A_85, %swap3A_86], %swap3A_89 {strides = array<i32>} : memref<11x128xf32, #tpu.memory_space<vmem>>, vector<1x16xf32>,
    %swap3A_90 = arith.constant 0 : i32
    %swap3A_91 = arith.index_cast %swap3A_90 : i32 to index
    %swap3A_92 = arith.constant 80 : index
    %swap3A_93 = tpu.vector_load %arg8[%swap3A_91, %swap3A_92] {strides = array<i32>} : memref<11x128xf32, #tpu.memory_space<vmem>>, vector<1x16xf32>,
    %swap3A_94 = vector.shape_cast %swap3A_93 : vector<1x16xf32> to vector<16xf32>
    %swap3A_95 = vector.shape_cast %broadcast_in_dim3A_30 : vector<16xf32> to vector<1x16xf32>
    tpu.vector_store %arg8[%swap3A_91, %swap3A_92], %swap3A_95 {strides = array<i32>} : memref<11x128xf32, #tpu.memory_space<vmem>>, vector<1x16xf32>,
    %swap3A_96 = arith.constant 0 : i32
    %swap3A_97 = arith.index_cast %swap3A_96 : i32 to index
    %swap3A_98 = arith.constant 80 : index
    %swap3A_99 = tpu.vector_load %arg9[%swap3A_97, %swap3A_98] {strides = array<i32>} : memref<11x128xf32, #tpu.memory_space<vmem>>, vector<1x16xf32>,
    %swap3A_100 = vector.shape_cast %swap3A_99 : vector<1x16xf32> to vector<16xf32>
    %swap3A_101 = vector.shape_cast %broadcast_in_dim3A_30 : vector<16xf32> to vector<1x16xf32>
    tpu.vector_store %arg9[%swap3A_97, %swap3A_98], %swap3A_101 {strides = array<i32>} : memref<11x128xf32, #tpu.memory_space<vmem>>, vector<1x16xf32>,
    %swap3A_102 = arith.constant 0 : i32
    %swap3A_103 = arith.index_cast %swap3A_102 : i32 to index
    %swap3A_104 = arith.constant 96 : index
    %swap3A_105 = tpu.vector_load %arg8[%swap3A_103, %swap3A_104] {strides = array<i32>} : memref<11x128xf32, #tpu.memory_space<vmem>>, vector<1x16xf32>,
    %swap3A_106 = vector.shape_cast %swap3A_105 : vector<1x16xf32> to vector<16xf32>
    %swap3A_107 = vector.shape_cast %broadcast_in_dim3A_30 : vector<16xf32> to vector<1x16xf32>
    tpu.vector_store %arg8[%swap3A_103, %swap3A_104], %swap3A_107 {strides = array<i32>} : memref<11x128xf32, #tpu.memory_space<vmem>>, vector<1x16xf32>,
    %swap3A_108 = arith.constant 0 : i32
    %swap3A_109 = arith.index_cast %swap3A_108 : i32 to index
    %swap3A_110 = arith.constant 96 : index
    %swap3A_111 = tpu.vector_load %arg9[%swap3A_109, %swap3A_110] {strides = array<i32>} : memref<11x128xf32, #tpu.memory_space<vmem>>, vector<1x16xf32>,
    %swap3A_112 = vector.shape_cast %swap3A_111 : vector<1x16xf32> to vector<16xf32>
    %swap3A_113 = vector.shape_cast %broadcast_in_dim3A_30 : vector<16xf32> to vector<1x16xf32>
    tpu.vector_store %arg9[%swap3A_109, %swap3A_110], %swap3A_113 {strides = array<i32>} : memref<11x128xf32, #tpu.memory_space<vmem>>, vector<1x16xf32>,
    %swap3A_114 = arith.constant 0 : i32
    %swap3A_115 = arith.index_cast %swap3A_114 : i32 to index
    %swap3A_116 = arith.constant 112 : index
    %swap3A_117 = tpu.vector_load %arg8[%swap3A_115, %swap3A_116] {strides = array<i32>} : memref<11x128xf32, #tpu.memory_space<vmem>>, vector<1x16xf32>,
    %swap3A_118 = vector.shape_cast %swap3A_117 : vector<1x16xf32> to vector<16xf32>
    %swap3A_119 = vector.shape_cast %broadcast_in_dim3A_30 : vector<16xf32> to vector<1x16xf32>
    tpu.vector_store %arg8[%swap3A_115, %swap3A_116], %swap3A_119 {strides = array<i32>} : memref<11x128xf32, #tpu.memory_space<vmem>>, vector<1x16xf32>,
    %swap3A_120 = arith.constant 0 : i32
    %swap3A_121 = arith.index_cast %swap3A_120 : i32 to index
    %swap3A_122 = arith.constant 112 : index
    %swap3A_123 = tpu.vector_load %arg9[%swap3A_121, %swap3A_122] {strides = array<i32>} : memref<11x128xf32, #tpu.memory_space<vmem>>, vector<1x16xf32>,
    %swap3A_124 = vector.shape_cast %swap3A_123 : vector<1x16xf32> to vector<16xf32>
    %swap3A_125 = vector.shape_cast %broadcast_in_dim3A_30 : vector<16xf32> to vector<1x16xf32>
    tpu.vector_store %arg9[%swap3A_121, %swap3A_122], %swap3A_125 {strides = array<i32>} : memref<11x128xf32, #tpu.memory_space<vmem>>, vector<1x16xf32>,
    %swap3A_126 = arith.constant 1 : i32
    %swap3A_127 = arith.index_cast %swap3A_126 : i32 to index
    %swap3A_128 = arith.constant 0 : index
    %swap3A_129 = tpu.vector_load %arg8[%swap3A_127, %swap3A_128] {strides = array<i32>} : memref<11x128xf32, #tpu.memory_space<vmem>>, vector<1x16xf32>,
    %swap3A_130 = vector.shape_cast %swap3A_129 : vector<1x16xf32> to vector<16xf32>
    %swap3A_131 = vector.shape_cast %scan3A_27#1 : vector<16xf32> to vector<1x16xf32>
    tpu.vector_store %arg8[%swap3A_127, %swap3A_128], %swap3A_131 {strides = array<i32>} : memref<11x128xf32, #tpu.memory_space<vmem>>, vector<1x16xf32>,
    %swap3A_132 = arith.constant 1 : i32
    %swap3A_133 = arith.index_cast %swap3A_132 : i32 to index
    %swap3A_134 = arith.constant 0 : index
    %swap3A_135 = tpu.vector_load %arg9[%swap3A_133, %swap3A_134] {strides = array<i32>} : memref<11x128xf32, #tpu.memory_space<vmem>>, vector<1x16xf32>,
    %swap3A_136 = vector.shape_cast %swap3A_135 : vector<1x16xf32> to vector<16xf32>
    %swap3A_137 = vector.shape_cast %scan3A_27#12 : vector<16xf32> to vector<1x16xf32>
    tpu.vector_store %arg9[%swap3A_133, %swap3A_134], %swap3A_137 {strides = array<i32>} : memref<11x128xf32, #tpu.memory_space<vmem>>, vector<1x16xf32>,
    %swap3A_138 = arith.constant 1 : i32
    %swap3A_139 = arith.index_cast %swap3A_138 : i32 to index
    %swap3A_140 = arith.constant 16 : index
    %swap3A_141 = tpu.vector_load %arg8[%swap3A_139, %swap3A_140] {strides = array<i32>} : memref<11x128xf32, #tpu.memory_space<vmem>>, vector<1x16xf32>,
    %swap3A_142 = vector.shape_cast %swap3A_141 : vector<1x16xf32> to vector<16xf32>
    %swap3A_143 = vector.shape_cast %broadcast_in_dim3A_30 : vector<16xf32> to vector<1x16xf32>
    tpu.vector_store %arg8[%swap3A_139, %swap3A_140], %swap3A_143 {strides = array<i32>} : memref<11x128xf32, #tpu.memory_space<vmem>>, vector<1x16xf32>,
    %swap3A_144 = arith.constant 1 : i32
    %swap3A_145 = arith.index_cast %swap3A_144 : i32 to index
    %swap3A_146 = arith.constant 16 : index
    %swap3A_147 = tpu.vector_load %arg9[%swap3A_145, %swap3A_146] {strides = array<i32>} : memref<11x128xf32, #tpu.memory_space<vmem>>, vector<1x16xf32>,
    %swap3A_148 = vector.shape_cast %swap3A_147 : vector<1x16xf32> to vector<16xf32>
    %swap3A_149 = vector.shape_cast %broadcast_in_dim3A_30 : vector<16xf32> to vector<1x16xf32>
    tpu.vector_store %arg9[%swap3A_145, %swap3A_146], %swap3A_149 {strides = array<i32>} : memref<11x128xf32, #tpu.memory_space<vmem>>, vector<1x16xf32>,
    %swap3A_150 = arith.constant 1 : i32
    %swap3A_151 = arith.index_cast %swap3A_150 : i32 to index
    %swap3A_152 = arith.constant 32 : index
    %swap3A_153 = tpu.vector_load %arg8[%swap3A_151, %swap3A_152] {strides = array<i32>} : memref<11x128xf32, #tpu.memory_space<vmem>>, vector<1x16xf32>,
    %swap3A_154 = vector.shape_cast %swap3A_153 : vector<1x16xf32> to vector<16xf32>
    %swap3A_155 = vector.shape_cast %broadcast_in_dim3A_30 : vector<16xf32> to vector<1x16xf32>
    tpu.vector_store %arg8[%swap3A_151, %swap3A_152], %swap3A_155 {strides = array<i32>} : memref<11x128xf32, #tpu.memory_space<vmem>>, vector<1x16xf32>,
    %swap3A_156 = arith.constant 1 : i32
    %swap3A_157 = arith.index_cast %swap3A_156 : i32 to index
    %swap3A_158 = arith.constant 32 : index
    %swap3A_159 = tpu.vector_load %arg9[%swap3A_157, %swap3A_158] {strides = array<i32>} : memref<11x128xf32, #tpu.memory_space<vmem>>, vector<1x16xf32>,
    %swap3A_160 = vector.shape_cast %swap3A_159 : vector<1x16xf32> to vector<16xf32>
    %swap3A_161 = vector.shape_cast %broadcast_in_dim3A_30 : vector<16xf32> to vector<1x16xf32>
    tpu.vector_store %arg9[%swap3A_157, %swap3A_158], %swap3A_161 {strides = array<i32>} : memref<11x128xf32, #tpu.memory_space<vmem>>, vector<1x16xf32>,
    %swap3A_162 = arith.constant 1 : i32
    %swap3A_163 = arith.index_cast %swap3A_162 : i32 to index
    %swap3A_164 = arith.constant 48 : index
    %swap3A_165 = tpu.vector_load %arg8[%swap3A_163, %swap3A_164] {strides = array<i32>} : memref<11x128xf32, #tpu.memory_space<vmem>>, vector<1x16xf32>,
    %swap3A_166 = vector.shape_cast %swap3A_165 : vector<1x16xf32> to vector<16xf32>
    %swap3A_167 = vector.shape_cast %broadcast_in_dim3A_30 : vector<16xf32> to vector<1x16xf32>
    tpu.vector_store %arg8[%swap3A_163, %swap3A_164], %swap3A_167 {strides = array<i32>} : memref<11x128xf32, #tpu.memory_space<vmem>>, vector<1x16xf32>,
    %swap3A_168 = arith.constant 1 : i32
    %swap3A_169 = arith.index_cast %swap3A_168 : i32 to index
    %swap3A_170 = arith.constant 48 : index
    %swap3A_171 = tpu.vector_load %arg9[%swap3A_169, %swap3A_170] {strides = array<i32>} : memref<11x128xf32, #tpu.memory_space<vmem>>, vector<1x16xf32>,
    %swap3A_172 = vector.shape_cast %swap3A_171 : vector<1x16xf32> to vector<16xf32>
    %swap3A_173 = vector.shape_cast %broadcast_in_dim3A_30 : vector<16xf32> to vector<1x16xf32>
    tpu.vector_store %arg9[%swap3A_169, %swap3A_170], %swap3A_173 {strides = array<i32>} : memref<11x128xf32, #tpu.memory_space<vmem>>, vector<1x16xf32>,
    %swap3A_174 = arith.constant 1 : i32
    %swap3A_175 = arith.index_cast %swap3A_174 : i32 to index
    %swap3A_176 = arith.constant 64 : index
    %swap3A_177 = tpu.vector_load %arg8[%swap3A_175, %swap3A_176] {strides = array<i32>} : memref<11x128xf32, #tpu.memory_space<vmem>>, vector<1x16xf32>,
    %swap3A_178 = vector.shape_cast %swap3A_177 : vector<1x16xf32> to vector<16xf32>
    %swap3A_179 = vector.shape_cast %broadcast_in_dim3A_30 : vector<16xf32> to vector<1x16xf32>
    tpu.vector_store %arg8[%swap3A_175, %swap3A_176], %swap3A_179 {strides = array<i32>} : memref<11x128xf32, #tpu.memory_space<vmem>>, vector<1x16xf32>,
    %swap3A_180 = arith.constant 1 : i32
    %swap3A_181 = arith.index_cast %swap3A_180 : i32 to index
    %swap3A_182 = arith.constant 64 : index
    %swap3A_183 = tpu.vector_load %arg9[%swap3A_181, %swap3A_182] {strides = array<i32>} : memref<11x128xf32, #tpu.memory_space<vmem>>, vector<1x16xf32>,
    %swap3A_184 = vector.shape_cast %swap3A_183 : vector<1x16xf32> to vector<16xf32>
    %swap3A_185 = vector.shape_cast %broadcast_in_dim3A_30 : vector<16xf32> to vector<1x16xf32>
    tpu.vector_store %arg9[%swap3A_181, %swap3A_182], %swap3A_185 {strides = array<i32>} : memref<11x128xf32, #tpu.memory_space<vmem>>, vector<1x16xf32>,
    %swap3A_186 = arith.constant 1 : i32
    %swap3A_187 = arith.index_cast %swap3A_186 : i32 to index
    %swap3A_188 = arith.constant 80 : index
    %swap3A_189 = tpu.vector_load %arg8[%swap3A_187, %swap3A_188] {strides = array<i32>} : memref<11x128xf32, #tpu.memory_space<vmem>>, vector<1x16xf32>,
    %swap3A_190 = vector.shape_cast %swap3A_189 : vector<1x16xf32> to vector<16xf32>
    %swap3A_191 = vector.shape_cast %broadcast_in_dim3A_30 : vector<16xf32> to vector<1x16xf32>
    tpu.vector_store %arg8[%swap3A_187, %swap3A_188], %swap3A_191 {strides = array<i32>} : memref<11x128xf32, #tpu.memory_space<vmem>>, vector<1x16xf32>,
    %swap3A_192 = arith.constant 1 : i32
    %swap3A_193 = arith.index_cast %swap3A_192 : i32 to index
    %swap3A_194 = arith.constant 80 : index
    %swap3A_195 = tpu.vector_load %arg9[%swap3A_193, %swap3A_194] {strides = array<i32>} : memref<11x128xf32, #tpu.memory_space<vmem>>, vector<1x16xf32>,
    %swap3A_196 = vector.shape_cast %swap3A_195 : vector<1x16xf32> to vector<16xf32>
    %swap3A_197 = vector.shape_cast %broadcast_in_dim3A_30 : vector<16xf32> to vector<1x16xf32>
    tpu.vector_store %arg9[%swap3A_193, %swap3A_194], %swap3A_197 {strides = array<i32>} : memref<11x128xf32, #tpu.memory_space<vmem>>, vector<1x16xf32>,
    %swap3A_198 = arith.constant 1 : i32
    %swap3A_199 = arith.index_cast %swap3A_198 : i32 to index
    %swap3A_200 = arith.constant 96 : index
    %swap3A_201 = tpu.vector_load %arg8[%swap3A_199, %swap3A_200] {strides = array<i32>} : memref<11x128xf32, #tpu.memory_space<vmem>>, vector<1x16xf32>,
    %swap3A_202 = vector.shape_cast %swap3A_201 : vector<1x16xf32> to vector<16xf32>
    %swap3A_203 = vector.shape_cast %broadcast_in_dim3A_30 : vector<16xf32> to vector<1x16xf32>
    tpu.vector_store %arg8[%swap3A_199, %swap3A_200], %swap3A_203 {strides = array<i32>} : memref<11x128xf32, #tpu.memory_space<vmem>>, vector<1x16xf32>,
    %swap3A_204 = arith.constant 1 : i32
    %swap3A_205 = arith.index_cast %swap3A_204 : i32 to index
    %swap3A_206 = arith.constant 96 : index
    %swap3A_207 = tpu.vector_load %arg9[%swap3A_205, %swap3A_206] {strides = array<i32>} : memref<11x128xf32, #tpu.memory_space<vmem>>, vector<1x16xf32>,
    %swap3A_208 = vector.shape_cast %swap3A_207 : vector<1x16xf32> to vector<16xf32>
    %swap3A_209 = vector.shape_cast %broadcast_in_dim3A_30 : vector<16xf32> to vector<1x16xf32>
    tpu.vector_store %arg9[%swap3A_205, %swap3A_206], %swap3A_209 {strides = array<i32>} : memref<11x128xf32, #tpu.memory_space<vmem>>, vector<1x16xf32>,
    %swap3A_210 = arith.constant 1 : i32
    %swap3A_211 = arith.index_cast %swap3A_210 : i32 to index
    %swap3A_212 = arith.constant 112 : index
    %swap3A_213 = tpu.vector_load %arg8[%swap3A_211, %swap3A_212] {strides = array<i32>} : memref<11x128xf32, #tpu.memory_space<vmem>>, vector<1x16xf32>,
    %swap3A_214 = vector.shape_cast %swap3A_213 : vector<1x16xf32> to vector<16xf32>
    %swap3A_215 = vector.shape_cast %broadcast_in_dim3A_30 : vector<16xf32> to vector<1x16xf32>
    tpu.vector_store %arg8[%swap3A_211, %swap3A_212], %swap3A_215 {strides = array<i32>} : memref<11x128xf32, #tpu.memory_space<vmem>>, vector<1x16xf32>,
    %swap3A_216 = arith.constant 1 : i32
    %swap3A_217 = arith.index_cast %swap3A_216 : i32 to index
    %swap3A_218 = arith.constant 112 : index
    %swap3A_219 = tpu.vector_load %arg9[%swap3A_217, %swap3A_218] {strides = array<i32>} : memref<11x128xf32, #tpu.memory_space<vmem>>, vector<1x16xf32>,
    %swap3A_220 = vector.shape_cast %swap3A_219 : vector<1x16xf32> to vector<16xf32>
    %swap3A_221 = vector.shape_cast %broadcast_in_dim3A_30 : vector<16xf32> to vector<1x16xf32>
    tpu.vector_store %arg9[%swap3A_217, %swap3A_218], %swap3A_221 {strides = array<i32>} : memref<11x128xf32, #tpu.memory_space<vmem>>, vector<1x16xf32>,
    %swap3A_222 = arith.constant 2 : i32
    %swap3A_223 = arith.index_cast %swap3A_222 : i32 to index
    %swap3A_224 = arith.constant 0 : index
    %swap3A_225 = tpu.vector_load %arg8[%swap3A_223, %swap3A_224] {strides = array<i32>} : memref<11x128xf32, #tpu.memory_space<vmem>>, vector<1x16xf32>,
    %swap3A_226 = vector.shape_cast %swap3A_225 : vector<1x16xf32> to vector<16xf32>
    %swap3A_227 = vector.shape_cast %scan3A_27#2 : vector<16xf32> to vector<1x16xf32>
    tpu.vector_store %arg8[%swap3A_223, %swap3A_224], %swap3A_227 {strides = array<i32>} : memref<11x128xf32, #tpu.memory_space<vmem>>, vector<1x16xf32>,
    %swap3A_228 = arith.constant 2 : i32
    %swap3A_229 = arith.index_cast %swap3A_228 : i32 to index
    %swap3A_230 = arith.constant 0 : index
    %swap3A_231 = tpu.vector_load %arg9[%swap3A_229, %swap3A_230] {strides = array<i32>} : memref<11x128xf32, #tpu.memory_space<vmem>>, vector<1x16xf32>,
    %swap3A_232 = vector.shape_cast %swap3A_231 : vector<1x16xf32> to vector<16xf32>
    %swap3A_233 = vector.shape_cast %scan3A_27#13 : vector<16xf32> to vector<1x16xf32>
    tpu.vector_store %arg9[%swap3A_229, %swap3A_230], %swap3A_233 {strides = array<i32>} : memref<11x128xf32, #tpu.memory_space<vmem>>, vector<1x16xf32>,
    %swap3A_234 = arith.constant 2 : i32
    %swap3A_235 = arith.index_cast %swap3A_234 : i32 to index
    %swap3A_236 = arith.constant 16 : index
    %swap3A_237 = tpu.vector_load %arg8[%swap3A_235, %swap3A_236] {strides = array<i32>} : memref<11x128xf32, #tpu.memory_space<vmem>>, vector<1x16xf32>,
    %swap3A_238 = vector.shape_cast %swap3A_237 : vector<1x16xf32> to vector<16xf32>
    %swap3A_239 = vector.shape_cast %broadcast_in_dim3A_30 : vector<16xf32> to vector<1x16xf32>
    tpu.vector_store %arg8[%swap3A_235, %swap3A_236], %swap3A_239 {strides = array<i32>} : memref<11x128xf32, #tpu.memory_space<vmem>>, vector<1x16xf32>,
    %swap3A_240 = arith.constant 2 : i32
    %swap3A_241 = arith.index_cast %swap3A_240 : i32 to index
    %swap3A_242 = arith.constant 16 : index
    %swap3A_243 = tpu.vector_load %arg9[%swap3A_241, %swap3A_242] {strides = array<i32>} : memref<11x128xf32, #tpu.memory_space<vmem>>, vector<1x16xf32>,
    %swap3A_244 = vector.shape_cast %swap3A_243 : vector<1x16xf32> to vector<16xf32>
    %swap3A_245 = vector.shape_cast %broadcast_in_dim3A_30 : vector<16xf32> to vector<1x16xf32>
    tpu.vector_store %arg9[%swap3A_241, %swap3A_242], %swap3A_245 {strides = array<i32>} : memref<11x128xf32, #tpu.memory_space<vmem>>, vector<1x16xf32>,
    %swap3A_246 = arith.constant 2 : i32
    %swap3A_247 = arith.index_cast %swap3A_246 : i32 to index
    %swap3A_248 = arith.constant 32 : index
    %swap3A_249 = tpu.vector_load %arg8[%swap3A_247, %swap3A_248] {strides = array<i32>} : memref<11x128xf32, #tpu.memory_space<vmem>>, vector<1x16xf32>,
    %swap3A_250 = vector.shape_cast %swap3A_249 : vector<1x16xf32> to vector<16xf32>
    %swap3A_251 = vector.shape_cast %broadcast_in_dim3A_30 : vector<16xf32> to vector<1x16xf32>
    tpu.vector_store %arg8[%swap3A_247, %swap3A_248], %swap3A_251 {strides = array<i32>} : memref<11x128xf32, #tpu.memory_space<vmem>>, vector<1x16xf32>,
    %swap3A_252 = arith.constant 2 : i32
    %swap3A_253 = arith.index_cast %swap3A_252 : i32 to index
    %swap3A_254 = arith.constant 32 : index
    %swap3A_255 = tpu.vector_load %arg9[%swap3A_253, %swap3A_254] {strides = array<i32>} : memref<11x128xf32, #tpu.memory_space<vmem>>, vector<1x16xf32>,
    %swap3A_256 = vector.shape_cast %swap3A_255 : vector<1x16xf32> to vector<16xf32>
    %swap3A_257 = vector.shape_cast %broadcast_in_dim3A_30 : vector<16xf32> to vector<1x16xf32>
    tpu.vector_store %arg9[%swap3A_253, %swap3A_254], %swap3A_257 {strides = array<i32>} : memref<11x128xf32, #tpu.memory_space<vmem>>, vector<1x16xf32>,
    %swap3A_258 = arith.constant 2 : i32
    %swap3A_259 = arith.index_cast %swap3A_258 : i32 to index
    %swap3A_260 = arith.constant 48 : index
    %swap3A_261 = tpu.vector_load %arg8[%swap3A_259, %swap3A_260] {strides = array<i32>} : memref<11x128xf32, #tpu.memory_space<vmem>>, vector<1x16xf32>,
    %swap3A_262 = vector.shape_cast %swap3A_261 : vector<1x16xf32> to vector<16xf32>
    %swap3A_263 = vector.shape_cast %broadcast_in_dim3A_30 : vector<16xf32> to vector<1x16xf32>
    tpu.vector_store %arg8[%swap3A_259, %swap3A_260], %swap3A_263 {strides = array<i32>} : memref<11x128xf32, #tpu.memory_space<vmem>>, vector<1x16xf32>,
    %swap3A_264 = arith.constant 2 : i32
    %swap3A_265 = arith.index_cast %swap3A_264 : i32 to index
    %swap3A_266 = arith.constant 48 : index
    %swap3A_267 = tpu.vector_load %arg9[%swap3A_265, %swap3A_266] {strides = array<i32>} : memref<11x128xf32, #tpu.memory_space<vmem>>, vector<1x16xf32>,
    %swap3A_268 = vector.shape_cast %swap3A_267 : vector<1x16xf32> to vector<16xf32>
    %swap3A_269 = vector.shape_cast %broadcast_in_dim3A_30 : vector<16xf32> to vector<1x16xf32>
    tpu.vector_store %arg9[%swap3A_265, %swap3A_266], %swap3A_269 {strides = array<i32>} : memref<11x128xf32, #tpu.memory_space<vmem>>, vector<1x16xf32>,
    %swap3A_270 = arith.constant 2 : i32
    %swap3A_271 = arith.index_cast %swap3A_270 : i32 to index
    %swap3A_272 = arith.constant 64 : index
    %swap3A_273 = tpu.vector_load %arg8[%swap3A_271, %swap3A_272] {strides = array<i32>} : memref<11x128xf32, #tpu.memory_space<vmem>>, vector<1x16xf32>,
    %swap3A_274 = vector.shape_cast %swap3A_273 : vector<1x16xf32> to vector<16xf32>
    %swap3A_275 = vector.shape_cast %broadcast_in_dim3A_30 : vector<16xf32> to vector<1x16xf32>
    tpu.vector_store %arg8[%swap3A_271, %swap3A_272], %swap3A_275 {strides = array<i32>} : memref<11x128xf32, #tpu.memory_space<vmem>>, vector<1x16xf32>,
    %swap3A_276 = arith.constant 2 : i32
    %swap3A_277 = arith.index_cast %swap3A_276 : i32 to index
    %swap3A_278 = arith.constant 64 : index
    %swap3A_279 = tpu.vector_load %arg9[%swap3A_277, %swap3A_278] {strides = array<i32>} : memref<11x128xf32, #tpu.memory_space<vmem>>, vector<1x16xf32>,
    %swap3A_280 = vector.shape_cast %swap3A_279 : vector<1x16xf32> to vector<16xf32>
    %swap3A_281 = vector.shape_cast %broadcast_in_dim3A_30 : vector<16xf32> to vector<1x16xf32>
    tpu.vector_store %arg9[%swap3A_277, %swap3A_278], %swap3A_281 {strides = array<i32>} : memref<11x128xf32, #tpu.memory_space<vmem>>, vector<1x16xf32>,
    %swap3A_282 = arith.constant 2 : i32
    %swap3A_283 = arith.index_cast %swap3A_282 : i32 to index
    %swap3A_284 = arith.constant 80 : index
    %swap3A_285 = tpu.vector_load %arg8[%swap3A_283, %swap3A_284] {strides = array<i32>} : memref<11x128xf32, #tpu.memory_space<vmem>>, vector<1x16xf32>,
    %swap3A_286 = vector.shape_cast %swap3A_285 : vector<1x16xf32> to vector<16xf32>
    %swap3A_287 = vector.shape_cast %broadcast_in_dim3A_30 : vector<16xf32> to vector<1x16xf32>
    tpu.vector_store %arg8[%swap3A_283, %swap3A_284], %swap3A_287 {strides = array<i32>} : memref<11x128xf32, #tpu.memory_space<vmem>>, vector<1x16xf32>,
    %swap3A_288 = arith.constant 2 : i32
    %swap3A_289 = arith.index_cast %swap3A_288 : i32 to index
    %swap3A_290 = arith.constant 80 : index
    %swap3A_291 = tpu.vector_load %arg9[%swap3A_289, %swap3A_290] {strides = array<i32>} : memref<11x128xf32, #tpu.memory_space<vmem>>, vector<1x16xf32>,
    %swap3A_292 = vector.shape_cast %swap3A_291 : vector<1x16xf32> to vector<16xf32>
    %swap3A_293 = vector.shape_cast %broadcast_in_dim3A_30 : vector<16xf32> to vector<1x16xf32>
    tpu.vector_store %arg9[%swap3A_289, %swap3A_290], %swap3A_293 {strides = array<i32>} : memref<11x128xf32, #tpu.memory_space<vmem>>, vector<1x16xf32>,
    %swap3A_294 = arith.constant 2 : i32
    %swap3A_295 = arith.index_cast %swap3A_294 : i32 to index
    %swap3A_296 = arith.constant 96 : index
    %swap3A_297 = tpu.vector_load %arg8[%swap3A_295, %swap3A_296] {strides = array<i32>} : memref<11x128xf32, #tpu.memory_space<vmem>>, vector<1x16xf32>,
    %swap3A_298 = vector.shape_cast %swap3A_297 : vector<1x16xf32> to vector<16xf32>
    %swap3A_299 = vector.shape_cast %broadcast_in_dim3A_30 : vector<16xf32> to vector<1x16xf32>
    tpu.vector_store %arg8[%swap3A_295, %swap3A_296], %swap3A_299 {strides = array<i32>} : memref<11x128xf32, #tpu.memory_space<vmem>>, vector<1x16xf32>,
    %swap3A_300 = arith.constant 2 : i32
    %swap3A_301 = arith.index_cast %swap3A_300 : i32 to index
    %swap3A_302 = arith.constant 96 : index
    %swap3A_303 = tpu.vector_load %arg9[%swap3A_301, %swap3A_302] {strides = array<i32>} : memref<11x128xf32, #tpu.memory_space<vmem>>, vector<1x16xf32>,
    %swap3A_304 = vector.shape_cast %swap3A_303 : vector<1x16xf32> to vector<16xf32>
    %swap3A_305 = vector.shape_cast %broadcast_in_dim3A_30 : vector<16xf32> to vector<1x16xf32>
    tpu.vector_store %arg9[%swap3A_301, %swap3A_302], %swap3A_305 {strides = array<i32>} : memref<11x128xf32, #tpu.memory_space<vmem>>, vector<1x16xf32>,
    %swap3A_306 = arith.constant 2 : i32
    %swap3A_307 = arith.index_cast %swap3A_306 : i32 to index
    %swap3A_308 = arith.constant 112 : index
    %swap3A_309 = tpu.vector_load %arg8[%swap3A_307, %swap3A_308] {strides = array<i32>} : memref<11x128xf32, #tpu.memory_space<vmem>>, vector<1x16xf32>,
    %swap3A_310 = vector.shape_cast %swap3A_309 : vector<1x16xf32> to vector<16xf32>
    %swap3A_311 = vector.shape_cast %broadcast_in_dim3A_30 : vector<16xf32> to vector<1x16xf32>
    tpu.vector_store %arg8[%swap3A_307, %swap3A_308], %swap3A_311 {strides = array<i32>} : memref<11x128xf32, #tpu.memory_space<vmem>>, vector<1x16xf32>,
    %swap3A_312 = arith.constant 2 : i32
    %swap3A_313 = arith.index_cast %swap3A_312 : i32 to index
    %swap3A_314 = arith.constant 112 : index
    %swap3A_315 = tpu.vector_load %arg9[%swap3A_313, %swap3A_314] {strides = array<i32>} : memref<11x128xf32, #tpu.memory_space<vmem>>, vector<1x16xf32>,
    %swap3A_316 = vector.shape_cast %swap3A_315 : vector<1x16xf32> to vector<16xf32>
    %swap3A_317 = vector.shape_cast %broadcast_in_dim3A_30 : vector<16xf32> to vector<1x16xf32>
    tpu.vector_store %arg9[%swap3A_313, %swap3A_314], %swap3A_317 {strides = array<i32>} : memref<11x128xf32, #tpu.memory_space<vmem>>, vector<1x16xf32>,
    %swap3A_318 = arith.constant 3 : i32
    %swap3A_319 = arith.index_cast %swap3A_318 : i32 to index
    %swap3A_320 = arith.constant 0 : index
    %swap3A_321 = tpu.vector_load %arg8[%swap3A_319, %swap3A_320] {strides = array<i32>} : memref<11x128xf32, #tpu.memory_space<vmem>>, vector<1x16xf32>,
    %swap3A_322 = vector.shape_cast %swap3A_321 : vector<1x16xf32> to vector<16xf32>
    %swap3A_323 = vector.shape_cast %scan3A_27#3 : vector<16xf32> to vector<1x16xf32>
    tpu.vector_store %arg8[%swap3A_319, %swap3A_320], %swap3A_323 {strides = array<i32>} : memref<11x128xf32, #tpu.memory_space<vmem>>, vector<1x16xf32>,
    %swap3A_324 = arith.constant 3 : i32
    %swap3A_325 = arith.index_cast %swap3A_324 : i32 to index
    %swap3A_326 = arith.constant 0 : index
    %swap3A_327 = tpu.vector_load %arg9[%swap3A_325, %swap3A_326] {strides = array<i32>} : memref<11x128xf32, #tpu.memory_space<vmem>>, vector<1x16xf32>,
    %swap3A_328 = vector.shape_cast %swap3A_327 : vector<1x16xf32> to vector<16xf32>
    %swap3A_329 = vector.shape_cast %scan3A_27#14 : vector<16xf32> to vector<1x16xf32>
    tpu.vector_store %arg9[%swap3A_325, %swap3A_326], %swap3A_329 {strides = array<i32>} : memref<11x128xf32, #tpu.memory_space<vmem>>, vector<1x16xf32>,
    %swap3A_330 = arith.constant 3 : i32
    %swap3A_331 = arith.index_cast %swap3A_330 : i32 to index
    %swap3A_332 = arith.constant 16 : index
    %swap3A_333 = tpu.vector_load %arg8[%swap3A_331, %swap3A_332] {strides = array<i32>} : memref<11x128xf32, #tpu.memory_space<vmem>>, vector<1x16xf32>,
    %swap3A_334 = vector.shape_cast %swap3A_333 : vector<1x16xf32> to vector<16xf32>
    %swap3A_335 = vector.shape_cast %broadcast_in_dim3A_30 : vector<16xf32> to vector<1x16xf32>
    tpu.vector_store %arg8[%swap3A_331, %swap3A_332], %swap3A_335 {strides = array<i32>} : memref<11x128xf32, #tpu.memory_space<vmem>>, vector<1x16xf32>,
    %swap3A_336 = arith.constant 3 : i32
    %swap3A_337 = arith.index_cast %swap3A_336 : i32 to index
    %swap3A_338 = arith.constant 16 : index
    %swap3A_339 = tpu.vector_load %arg9[%swap3A_337, %swap3A_338] {strides = array<i32>} : memref<11x128xf32, #tpu.memory_space<vmem>>, vector<1x16xf32>,
    %swap3A_340 = vector.shape_cast %swap3A_339 : vector<1x16xf32> to vector<16xf32>
    %swap3A_341 = vector.shape_cast %broadcast_in_dim3A_30 : vector<16xf32> to vector<1x16xf32>
    tpu.vector_store %arg9[%swap3A_337, %swap3A_338], %swap3A_341 {strides = array<i32>} : memref<11x128xf32, #tpu.memory_space<vmem>>, vector<1x16xf32>,
    %swap3A_342 = arith.constant 3 : i32
    %swap3A_343 = arith.index_cast %swap3A_342 : i32 to index
    %swap3A_344 = arith.constant 32 : index
    %swap3A_345 = tpu.vector_load %arg8[%swap3A_343, %swap3A_344] {strides = array<i32>} : memref<11x128xf32, #tpu.memory_space<vmem>>, vector<1x16xf32>,
    %swap3A_346 = vector.shape_cast %swap3A_345 : vector<1x16xf32> to vector<16xf32>
    %swap3A_347 = vector.shape_cast %broadcast_in_dim3A_30 : vector<16xf32> to vector<1x16xf32>
    tpu.vector_store %arg8[%swap3A_343, %swap3A_344], %swap3A_347 {strides = array<i32>} : memref<11x128xf32, #tpu.memory_space<vmem>>, vector<1x16xf32>,
    %swap3A_348 = arith.constant 3 : i32
    %swap3A_349 = arith.index_cast %swap3A_348 : i32 to index
    %swap3A_350 = arith.constant 32 : index
    %swap3A_351 = tpu.vector_load %arg9[%swap3A_349, %swap3A_350] {strides = array<i32>} : memref<11x128xf32, #tpu.memory_space<vmem>>, vector<1x16xf32>,
    %swap3A_352 = vector.shape_cast %swap3A_351 : vector<1x16xf32> to vector<16xf32>
    %swap3A_353 = vector.shape_cast %broadcast_in_dim3A_30 : vector<16xf32> to vector<1x16xf32>
    tpu.vector_store %arg9[%swap3A_349, %swap3A_350], %swap3A_353 {strides = array<i32>} : memref<11x128xf32, #tpu.memory_space<vmem>>, vector<1x16xf32>,
    %swap3A_354 = arith.constant 3 : i32
    %swap3A_355 = arith.index_cast %swap3A_354 : i32 to index
    %swap3A_356 = arith.constant 48 : index
    %swap3A_357 = tpu.vector_load %arg8[%swap3A_355, %swap3A_356] {strides = array<i32>} : memref<11x128xf32, #tpu.memory_space<vmem>>, vector<1x16xf32>,
    %swap3A_358 = vector.shape_cast %swap3A_357 : vector<1x16xf32> to vector<16xf32>
    %swap3A_359 = vector.shape_cast %broadcast_in_dim3A_30 : vector<16xf32> to vector<1x16xf32>
    tpu.vector_store %arg8[%swap3A_355, %swap3A_356], %swap3A_359 {strides = array<i32>} : memref<11x128xf32, #tpu.memory_space<vmem>>, vector<1x16xf32>,
    %swap3A_360 = arith.constant 3 : i32
    %swap3A_361 = arith.index_cast %swap3A_360 : i32 to index
    %swap3A_362 = arith.constant 48 : index
    %swap3A_363 = tpu.vector_load %arg9[%swap3A_361, %swap3A_362] {strides = array<i32>} : memref<11x128xf32, #tpu.memory_space<vmem>>, vector<1x16xf32>,
    %swap3A_364 = vector.shape_cast %swap3A_363 : vector<1x16xf32> to vector<16xf32>
    %swap3A_365 = vector.shape_cast %broadcast_in_dim3A_30 : vector<16xf32> to vector<1x16xf32>
    tpu.vector_store %arg9[%swap3A_361, %swap3A_362], %swap3A_365 {strides = array<i32>} : memref<11x128xf32, #tpu.memory_space<vmem>>, vector<1x16xf32>,
    %swap3A_366 = arith.constant 3 : i32
    %swap3A_367 = arith.index_cast %swap3A_366 : i32 to index
    %swap3A_368 = arith.constant 64 : index
    %swap3A_369 = tpu.vector_load %arg8[%swap3A_367, %swap3A_368] {strides = array<i32>} : memref<11x128xf32, #tpu.memory_space<vmem>>, vector<1x16xf32>,
    %swap3A_370 = vector.shape_cast %swap3A_369 : vector<1x16xf32> to vector<16xf32>
    %swap3A_371 = vector.shape_cast %broadcast_in_dim3A_30 : vector<16xf32> to vector<1x16xf32>
    tpu.vector_store %arg8[%swap3A_367, %swap3A_368], %swap3A_371 {strides = array<i32>} : memref<11x128xf32, #tpu.memory_space<vmem>>, vector<1x16xf32>,
    %swap3A_372 = arith.constant 3 : i32
    %swap3A_373 = arith.index_cast %swap3A_372 : i32 to index
    %swap3A_374 = arith.constant 64 : index
    %swap3A_375 = tpu.vector_load %arg9[%swap3A_373, %swap3A_374] {strides = array<i32>} : memref<11x128xf32, #tpu.memory_space<vmem>>, vector<1x16xf32>,
    %swap3A_376 = vector.shape_cast %swap3A_375 : vector<1x16xf32> to vector<16xf32>
    %swap3A_377 = vector.shape_cast %broadcast_in_dim3A_30 : vector<16xf32> to vector<1x16xf32>
    tpu.vector_store %arg9[%swap3A_373, %swap3A_374], %swap3A_377 {strides = array<i32>} : memref<11x128xf32, #tpu.memory_space<vmem>>, vector<1x16xf32>,
    %swap3A_378 = arith.constant 3 : i32
    %swap3A_379 = arith.index_cast %swap3A_378 : i32 to index
    %swap3A_380 = arith.constant 80 : index
    %swap3A_381 = tpu.vector_load %arg8[%swap3A_379, %swap3A_380] {strides = array<i32>} : memref<11x128xf32, #tpu.memory_space<vmem>>, vector<1x16xf32>,
    %swap3A_382 = vector.shape_cast %swap3A_381 : vector<1x16xf32> to vector<16xf32>
    %swap3A_383 = vector.shape_cast %broadcast_in_dim3A_30 : vector<16xf32> to vector<1x16xf32>
    tpu.vector_store %arg8[%swap3A_379, %swap3A_380], %swap3A_383 {strides = array<i32>} : memref<11x128xf32, #tpu.memory_space<vmem>>, vector<1x16xf32>,
    %swap3A_384 = arith.constant 3 : i32
    %swap3A_385 = arith.index_cast %swap3A_384 : i32 to index
    %swap3A_386 = arith.constant 80 : index
    %swap3A_387 = tpu.vector_load %arg9[%swap3A_385, %swap3A_386] {strides = array<i32>} : memref<11x128xf32, #tpu.memory_space<vmem>>, vector<1x16xf32>,
    %swap3A_388 = vector.shape_cast %swap3A_387 : vector<1x16xf32> to vector<16xf32>
    %swap3A_389 = vector.shape_cast %broadcast_in_dim3A_30 : vector<16xf32> to vector<1x16xf32>
    tpu.vector_store %arg9[%swap3A_385, %swap3A_386], %swap3A_389 {strides = array<i32>} : memref<11x128xf32, #tpu.memory_space<vmem>>, vector<1x16xf32>,
    %swap3A_390 = arith.constant 3 : i32
    %swap3A_391 = arith.index_cast %swap3A_390 : i32 to index
    %swap3A_392 = arith.constant 96 : index
    %swap3A_393 = tpu.vector_load %arg8[%swap3A_391, %swap3A_392] {strides = array<i32>} : memref<11x128xf32, #tpu.memory_space<vmem>>, vector<1x16xf32>,
    %swap3A_394 = vector.shape_cast %swap3A_393 : vector<1x16xf32> to vector<16xf32>
    %swap3A_395 = vector.shape_cast %broadcast_in_dim3A_30 : vector<16xf32> to vector<1x16xf32>
    tpu.vector_store %arg8[%swap3A_391, %swap3A_392], %swap3A_395 {strides = array<i32>} : memref<11x128xf32, #tpu.memory_space<vmem>>, vector<1x16xf32>,
    %swap3A_396 = arith.constant 3 : i32
    %swap3A_397 = arith.index_cast %swap3A_396 : i32 to index
    %swap3A_398 = arith.constant 96 : index
    %swap3A_399 = tpu.vector_load %arg9[%swap3A_397, %swap3A_398] {strides = array<i32>} : memref<11x128xf32, #tpu.memory_space<vmem>>, vector<1x16xf32>,
    %swap3A_400 = vector.shape_cast %swap3A_399 : vector<1x16xf32> to vector<16xf32>
    %swap3A_401 = vector.shape_cast %broadcast_in_dim3A_30 : vector<16xf32> to vector<1x16xf32>
    tpu.vector_store %arg9[%swap3A_397, %swap3A_398], %swap3A_401 {strides = array<i32>} : memref<11x128xf32, #tpu.memory_space<vmem>>, vector<1x16xf32>,
    %swap3A_402 = arith.constant 3 : i32
    %swap3A_403 = arith.index_cast %swap3A_402 : i32 to index
    %swap3A_404 = arith.constant 112 : index
    %swap3A_405 = tpu.vector_load %arg8[%swap3A_403, %swap3A_404] {strides = array<i32>} : memref<11x128xf32, #tpu.memory_space<vmem>>, vector<1x16xf32>,
    %swap3A_406 = vector.shape_cast %swap3A_405 : vector<1x16xf32> to vector<16xf32>
    %swap3A_407 = vector.shape_cast %broadcast_in_dim3A_30 : vector<16xf32> to vector<1x16xf32>
    tpu.vector_store %arg8[%swap3A_403, %swap3A_404], %swap3A_407 {strides = array<i32>} : memref<11x128xf32, #tpu.memory_space<vmem>>, vector<1x16xf32>,
    %swap3A_408 = arith.constant 3 : i32
    %swap3A_409 = arith.index_cast %swap3A_408 : i32 to index
    %swap3A_410 = arith.constant 112 : index
    %swap3A_411 = tpu.vector_load %arg9[%swap3A_409, %swap3A_410] {strides = array<i32>} : memref<11x128xf32, #tpu.memory_space<vmem>>, vector<1x16xf32>,
    %swap3A_412 = vector.shape_cast %swap3A_411 : vector<1x16xf32> to vector<16xf32>
    %swap3A_413 = vector.shape_cast %broadcast_in_dim3A_30 : vector<16xf32> to vector<1x16xf32>
    tpu.vector_store %arg9[%swap3A_409, %swap3A_410], %swap3A_413 {strides = array<i32>} : memref<11x128xf32, #tpu.memory_space<vmem>>, vector<1x16xf32>,
    %swap3A_414 = arith.constant 4 : i32
    %swap3A_415 = arith.index_cast %swap3A_414 : i32 to index
    %swap3A_416 = arith.constant 0 : index
    %swap3A_417 = tpu.vector_load %arg8[%swap3A_415, %swap3A_416] {strides = array<i32>} : memref<11x128xf32, #tpu.memory_space<vmem>>, vector<1x16xf32>,
    %swap3A_418 = vector.shape_cast %swap3A_417 : vector<1x16xf32> to vector<16xf32>
    %swap3A_419 = vector.shape_cast %scan3A_27#4 : vector<16xf32> to vector<1x16xf32>
    tpu.vector_store %arg8[%swap3A_415, %swap3A_416], %swap3A_419 {strides = array<i32>} : memref<11x128xf32, #tpu.memory_space<vmem>>, vector<1x16xf32>,
    %swap3A_420 = arith.constant 4 : i32
    %swap3A_421 = arith.index_cast %swap3A_420 : i32 to index
    %swap3A_422 = arith.constant 0 : index
    %swap3A_423 = tpu.vector_load %arg9[%swap3A_421, %swap3A_422] {strides = array<i32>} : memref<11x128xf32, #tpu.memory_space<vmem>>, vector<1x16xf32>,
    %swap3A_424 = vector.shape_cast %swap3A_423 : vector<1x16xf32> to vector<16xf32>
    %swap3A_425 = vector.shape_cast %scan3A_27#15 : vector<16xf32> to vector<1x16xf32>
    tpu.vector_store %arg9[%swap3A_421, %swap3A_422], %swap3A_425 {strides = array<i32>} : memref<11x128xf32, #tpu.memory_space<vmem>>, vector<1x16xf32>,
    %swap3A_426 = arith.constant 4 : i32
    %swap3A_427 = arith.index_cast %swap3A_426 : i32 to index
    %swap3A_428 = arith.constant 16 : index
    %swap3A_429 = tpu.vector_load %arg8[%swap3A_427, %swap3A_428] {strides = array<i32>} : memref<11x128xf32, #tpu.memory_space<vmem>>, vector<1x16xf32>,
    %swap3A_430 = vector.shape_cast %swap3A_429 : vector<1x16xf32> to vector<16xf32>
    %swap3A_431 = vector.shape_cast %broadcast_in_dim3A_30 : vector<16xf32> to vector<1x16xf32>
    tpu.vector_store %arg8[%swap3A_427, %swap3A_428], %swap3A_431 {strides = array<i32>} : memref<11x128xf32, #tpu.memory_space<vmem>>, vector<1x16xf32>,
    %swap3A_432 = arith.constant 4 : i32
    %swap3A_433 = arith.index_cast %swap3A_432 : i32 to index
    %swap3A_434 = arith.constant 16 : index
    %swap3A_435 = tpu.vector_load %arg9[%swap3A_433, %swap3A_434] {strides = array<i32>} : memref<11x128xf32, #tpu.memory_space<vmem>>, vector<1x16xf32>,
    %swap3A_436 = vector.shape_cast %swap3A_435 : vector<1x16xf32> to vector<16xf32>
    %swap3A_437 = vector.shape_cast %broadcast_in_dim3A_30 : vector<16xf32> to vector<1x16xf32>
    tpu.vector_store %arg9[%swap3A_433, %swap3A_434], %swap3A_437 {strides = array<i32>} : memref<11x128xf32, #tpu.memory_space<vmem>>, vector<1x16xf32>,
    %swap3A_438 = arith.constant 4 : i32
    %swap3A_439 = arith.index_cast %swap3A_438 : i32 to index
    %swap3A_440 = arith.constant 32 : index
    %swap3A_441 = tpu.vector_load %arg8[%swap3A_439, %swap3A_440] {strides = array<i32>} : memref<11x128xf32, #tpu.memory_space<vmem>>, vector<1x16xf32>,
    %swap3A_442 = vector.shape_cast %swap3A_441 : vector<1x16xf32> to vector<16xf32>
    %swap3A_443 = vector.shape_cast %broadcast_in_dim3A_30 : vector<16xf32> to vector<1x16xf32>
    tpu.vector_store %arg8[%swap3A_439, %swap3A_440], %swap3A_443 {strides = array<i32>} : memref<11x128xf32, #tpu.memory_space<vmem>>, vector<1x16xf32>,
    %swap3A_444 = arith.constant 4 : i32
    %swap3A_445 = arith.index_cast %swap3A_444 : i32 to index
    %swap3A_446 = arith.constant 32 : index
    %swap3A_447 = tpu.vector_load %arg9[%swap3A_445, %swap3A_446] {strides = array<i32>} : memref<11x128xf32, #tpu.memory_space<vmem>>, vector<1x16xf32>,
    %swap3A_448 = vector.shape_cast %swap3A_447 : vector<1x16xf32> to vector<16xf32>
    %swap3A_449 = vector.shape_cast %broadcast_in_dim3A_30 : vector<16xf32> to vector<1x16xf32>
    tpu.vector_store %arg9[%swap3A_445, %swap3A_446], %swap3A_449 {strides = array<i32>} : memref<11x128xf32, #tpu.memory_space<vmem>>, vector<1x16xf32>,
    %swap3A_450 = arith.constant 4 : i32
    %swap3A_451 = arith.index_cast %swap3A_450 : i32 to index
    %swap3A_452 = arith.constant 48 : index
    %swap3A_453 = tpu.vector_load %arg8[%swap3A_451, %swap3A_452] {strides = array<i32>} : memref<11x128xf32, #tpu.memory_space<vmem>>, vector<1x16xf32>,
    %swap3A_454 = vector.shape_cast %swap3A_453 : vector<1x16xf32> to vector<16xf32>
    %swap3A_455 = vector.shape_cast %broadcast_in_dim3A_30 : vector<16xf32> to vector<1x16xf32>
    tpu.vector_store %arg8[%swap3A_451, %swap3A_452], %swap3A_455 {strides = array<i32>} : memref<11x128xf32, #tpu.memory_space<vmem>>, vector<1x16xf32>,
    %swap3A_456 = arith.constant 4 : i32
    %swap3A_457 = arith.index_cast %swap3A_456 : i32 to index
    %swap3A_458 = arith.constant 48 : index
    %swap3A_459 = tpu.vector_load %arg9[%swap3A_457, %swap3A_458] {strides = array<i32>} : memref<11x128xf32, #tpu.memory_space<vmem>>, vector<1x16xf32>,
    %swap3A_460 = vector.shape_cast %swap3A_459 : vector<1x16xf32> to vector<16xf32>
    %swap3A_461 = vector.shape_cast %broadcast_in_dim3A_30 : vector<16xf32> to vector<1x16xf32>
    tpu.vector_store %arg9[%swap3A_457, %swap3A_458], %swap3A_461 {strides = array<i32>} : memref<11x128xf32, #tpu.memory_space<vmem>>, vector<1x16xf32>,
    %swap3A_462 = arith.constant 4 : i32
    %swap3A_463 = arith.index_cast %swap3A_462 : i32 to index
    %swap3A_464 = arith.constant 64 : index
    %swap3A_465 = tpu.vector_load %arg8[%swap3A_463, %swap3A_464] {strides = array<i32>} : memref<11x128xf32, #tpu.memory_space<vmem>>, vector<1x16xf32>,
    %swap3A_466 = vector.shape_cast %swap3A_465 : vector<1x16xf32> to vector<16xf32>
    %swap3A_467 = vector.shape_cast %broadcast_in_dim3A_30 : vector<16xf32> to vector<1x16xf32>
    tpu.vector_store %arg8[%swap3A_463, %swap3A_464], %swap3A_467 {strides = array<i32>} : memref<11x128xf32, #tpu.memory_space<vmem>>, vector<1x16xf32>,
    %swap3A_468 = arith.constant 4 : i32
    %swap3A_469 = arith.index_cast %swap3A_468 : i32 to index
    %swap3A_470 = arith.constant 64 : index
    %swap3A_471 = tpu.vector_load %arg9[%swap3A_469, %swap3A_470] {strides = array<i32>} : memref<11x128xf32, #tpu.memory_space<vmem>>, vector<1x16xf32>,
    %swap3A_472 = vector.shape_cast %swap3A_471 : vector<1x16xf32> to vector<16xf32>
    %swap3A_473 = vector.shape_cast %broadcast_in_dim3A_30 : vector<16xf32> to vector<1x16xf32>
    tpu.vector_store %arg9[%swap3A_469, %swap3A_470], %swap3A_473 {strides = array<i32>} : memref<11x128xf32, #tpu.memory_space<vmem>>, vector<1x16xf32>,
    %swap3A_474 = arith.constant 4 : i32
    %swap3A_475 = arith.index_cast %swap3A_474 : i32 to index
    %swap3A_476 = arith.constant 80 : index
    %swap3A_477 = tpu.vector_load %arg8[%swap3A_475, %swap3A_476] {strides = array<i32>} : memref<11x128xf32, #tpu.memory_space<vmem>>, vector<1x16xf32>,
    %swap3A_478 = vector.shape_cast %swap3A_477 : vector<1x16xf32> to vector<16xf32>
    %swap3A_479 = vector.shape_cast %broadcast_in_dim3A_30 : vector<16xf32> to vector<1x16xf32>
    tpu.vector_store %arg8[%swap3A_475, %swap3A_476], %swap3A_479 {strides = array<i32>} : memref<11x128xf32, #tpu.memory_space<vmem>>, vector<1x16xf32>,
    %swap3A_480 = arith.constant 4 : i32
    %swap3A_481 = arith.index_cast %swap3A_480 : i32 to index
    %swap3A_482 = arith.constant 80 : index
    %swap3A_483 = tpu.vector_load %arg9[%swap3A_481, %swap3A_482] {strides = array<i32>} : memref<11x128xf32, #tpu.memory_space<vmem>>, vector<1x16xf32>,
    %swap3A_484 = vector.shape_cast %swap3A_483 : vector<1x16xf32> to vector<16xf32>
    %swap3A_485 = vector.shape_cast %broadcast_in_dim3A_30 : vector<16xf32> to vector<1x16xf32>
    tpu.vector_store %arg9[%swap3A_481, %swap3A_482], %swap3A_485 {strides = array<i32>} : memref<11x128xf32, #tpu.memory_space<vmem>>, vector<1x16xf32>,
    %swap3A_486 = arith.constant 4 : i32
    %swap3A_487 = arith.index_cast %swap3A_486 : i32 to index
    %swap3A_488 = arith.constant 96 : index
    %swap3A_489 = tpu.vector_load %arg8[%swap3A_487, %swap3A_488] {strides = array<i32>} : memref<11x128xf32, #tpu.memory_space<vmem>>, vector<1x16xf32>,
    %swap3A_490 = vector.shape_cast %swap3A_489 : vector<1x16xf32> to vector<16xf32>
    %swap3A_491 = vector.shape_cast %broadcast_in_dim3A_30 : vector<16xf32> to vector<1x16xf32>
    tpu.vector_store %arg8[%swap3A_487, %swap3A_488], %swap3A_491 {strides = array<i32>} : memref<11x128xf32, #tpu.memory_space<vmem>>, vector<1x16xf32>,
    %swap3A_492 = arith.constant 4 : i32
    %swap3A_493 = arith.index_cast %swap3A_492 : i32 to index
    %swap3A_494 = arith.constant 96 : index
    %swap3A_495 = tpu.vector_load %arg9[%swap3A_493, %swap3A_494] {strides = array<i32>} : memref<11x128xf32, #tpu.memory_space<vmem>>, vector<1x16xf32>,
    %swap3A_496 = vector.shape_cast %swap3A_495 : vector<1x16xf32> to vector<16xf32>
    %swap3A_497 = vector.shape_cast %broadcast_in_dim3A_30 : vector<16xf32> to vector<1x16xf32>
    tpu.vector_store %arg9[%swap3A_493, %swap3A_494], %swap3A_497 {strides = array<i32>} : memref<11x128xf32, #tpu.memory_space<vmem>>, vector<1x16xf32>,
    %swap3A_498 = arith.constant 4 : i32
    %swap3A_499 = arith.index_cast %swap3A_498 : i32 to index
    %swap3A_500 = arith.constant 112 : index
    %swap3A_501 = tpu.vector_load %arg8[%swap3A_499, %swap3A_500] {strides = array<i32>} : memref<11x128xf32, #tpu.memory_space<vmem>>, vector<1x16xf32>,
    %swap3A_502 = vector.shape_cast %swap3A_501 : vector<1x16xf32> to vector<16xf32>
    %swap3A_503 = vector.shape_cast %broadcast_in_dim3A_30 : vector<16xf32> to vector<1x16xf32>
    tpu.vector_store %arg8[%swap3A_499, %swap3A_500], %swap3A_503 {strides = array<i32>} : memref<11x128xf32, #tpu.memory_space<vmem>>, vector<1x16xf32>,
    %swap3A_504 = arith.constant 4 : i32
    %swap3A_505 = arith.index_cast %swap3A_504 : i32 to index
    %swap3A_506 = arith.constant 112 : index
    %swap3A_507 = tpu.vector_load %arg9[%swap3A_505, %swap3A_506] {strides = array<i32>} : memref<11x128xf32, #tpu.memory_space<vmem>>, vector<1x16xf32>,
    %swap3A_508 = vector.shape_cast %swap3A_507 : vector<1x16xf32> to vector<16xf32>
    %swap3A_509 = vector.shape_cast %broadcast_in_dim3A_30 : vector<16xf32> to vector<1x16xf32>
    tpu.vector_store %arg9[%swap3A_505, %swap3A_506], %swap3A_509 {strides = array<i32>} : memref<11x128xf32, #tpu.memory_space<vmem>>, vector<1x16xf32>,
    %swap3A_510 = arith.constant 5 : i32
    %swap3A_511 = arith.index_cast %swap3A_510 : i32 to index
    %swap3A_512 = arith.constant 0 : index
    %swap3A_513 = tpu.vector_load %arg8[%swap3A_511, %swap3A_512] {strides = array<i32>} : memref<11x128xf32, #tpu.memory_space<vmem>>, vector<1x16xf32>,
    %swap3A_514 = vector.shape_cast %swap3A_513 : vector<1x16xf32> to vector<16xf32>
    %swap3A_515 = vector.shape_cast %scan3A_27#5 : vector<16xf32> to vector<1x16xf32>
    tpu.vector_store %arg8[%swap3A_511, %swap3A_512], %swap3A_515 {strides = array<i32>} : memref<11x128xf32, #tpu.memory_space<vmem>>, vector<1x16xf32>,
    %swap3A_516 = arith.constant 5 : i32
    %swap3A_517 = arith.index_cast %swap3A_516 : i32 to index
    %swap3A_518 = arith.constant 0 : index
    %swap3A_519 = tpu.vector_load %arg9[%swap3A_517, %swap3A_518] {strides = array<i32>} : memref<11x128xf32, #tpu.memory_space<vmem>>, vector<1x16xf32>,
    %swap3A_520 = vector.shape_cast %swap3A_519 : vector<1x16xf32> to vector<16xf32>
    %swap3A_521 = vector.shape_cast %scan3A_27#16 : vector<16xf32> to vector<1x16xf32>
    tpu.vector_store %arg9[%swap3A_517, %swap3A_518], %swap3A_521 {strides = array<i32>} : memref<11x128xf32, #tpu.memory_space<vmem>>, vector<1x16xf32>,
    %swap3A_522 = arith.constant 5 : i32
    %swap3A_523 = arith.index_cast %swap3A_522 : i32 to index
    %swap3A_524 = arith.constant 16 : index
    %swap3A_525 = tpu.vector_load %arg8[%swap3A_523, %swap3A_524] {strides = array<i32>} : memref<11x128xf32, #tpu.memory_space<vmem>>, vector<1x16xf32>,
    %swap3A_526 = vector.shape_cast %swap3A_525 : vector<1x16xf32> to vector<16xf32>
    %swap3A_527 = vector.shape_cast %broadcast_in_dim3A_30 : vector<16xf32> to vector<1x16xf32>
    tpu.vector_store %arg8[%swap3A_523, %swap3A_524], %swap3A_527 {strides = array<i32>} : memref<11x128xf32, #tpu.memory_space<vmem>>, vector<1x16xf32>,
    %swap3A_528 = arith.constant 5 : i32
    %swap3A_529 = arith.index_cast %swap3A_528 : i32 to index
    %swap3A_530 = arith.constant 16 : index
    %swap3A_531 = tpu.vector_load %arg9[%swap3A_529, %swap3A_530] {strides = array<i32>} : memref<11x128xf32, #tpu.memory_space<vmem>>, vector<1x16xf32>,
    %swap3A_532 = vector.shape_cast %swap3A_531 : vector<1x16xf32> to vector<16xf32>
    %swap3A_533 = vector.shape_cast %broadcast_in_dim3A_30 : vector<16xf32> to vector<1x16xf32>
    tpu.vector_store %arg9[%swap3A_529, %swap3A_530], %swap3A_533 {strides = array<i32>} : memref<11x128xf32, #tpu.memory_space<vmem>>, vector<1x16xf32>,
    %swap3A_534 = arith.constant 5 : i32
    %swap3A_535 = arith.index_cast %swap3A_534 : i32 to index
    %swap3A_536 = arith.constant 32 : index
    %swap3A_537 = tpu.vector_load %arg8[%swap3A_535, %swap3A_536] {strides = array<i32>} : memref<11x128xf32, #tpu.memory_space<vmem>>, vector<1x16xf32>,
    %swap3A_538 = vector.shape_cast %swap3A_537 : vector<1x16xf32> to vector<16xf32>
    %swap3A_539 = vector.shape_cast %broadcast_in_dim3A_30 : vector<16xf32> to vector<1x16xf32>
    tpu.vector_store %arg8[%swap3A_535, %swap3A_536], %swap3A_539 {strides = array<i32>} : memref<11x128xf32, #tpu.memory_space<vmem>>, vector<1x16xf32>,
    %swap3A_540 = arith.constant 5 : i32
    %swap3A_541 = arith.index_cast %swap3A_540 : i32 to index
    %swap3A_542 = arith.constant 32 : index
    %swap3A_543 = tpu.vector_load %arg9[%swap3A_541, %swap3A_542] {strides = array<i32>} : memref<11x128xf32, #tpu.memory_space<vmem>>, vector<1x16xf32>,
    %swap3A_544 = vector.shape_cast %swap3A_543 : vector<1x16xf32> to vector<16xf32>
    %swap3A_545 = vector.shape_cast %broadcast_in_dim3A_30 : vector<16xf32> to vector<1x16xf32>
    tpu.vector_store %arg9[%swap3A_541, %swap3A_542], %swap3A_545 {strides = array<i32>} : memref<11x128xf32, #tpu.memory_space<vmem>>, vector<1x16xf32>,
    %swap3A_546 = arith.constant 5 : i32
    %swap3A_547 = arith.index_cast %swap3A_546 : i32 to index
    %swap3A_548 = arith.constant 48 : index
    %swap3A_549 = tpu.vector_load %arg8[%swap3A_547, %swap3A_548] {strides = array<i32>} : memref<11x128xf32, #tpu.memory_space<vmem>>, vector<1x16xf32>,
    %swap3A_550 = vector.shape_cast %swap3A_549 : vector<1x16xf32> to vector<16xf32>
    %swap3A_551 = vector.shape_cast %broadcast_in_dim3A_30 : vector<16xf32> to vector<1x16xf32>
    tpu.vector_store %arg8[%swap3A_547, %swap3A_548], %swap3A_551 {strides = array<i32>} : memref<11x128xf32, #tpu.memory_space<vmem>>, vector<1x16xf32>,
    %swap3A_552 = arith.constant 5 : i32
    %swap3A_553 = arith.index_cast %swap3A_552 : i32 to index
    %swap3A_554 = arith.constant 48 : index
    %swap3A_555 = tpu.vector_load %arg9[%swap3A_553, %swap3A_554] {strides = array<i32>} : memref<11x128xf32, #tpu.memory_space<vmem>>, vector<1x16xf32>,
    %swap3A_556 = vector.shape_cast %swap3A_555 : vector<1x16xf32> to vector<16xf32>
    %swap3A_557 = vector.shape_cast %broadcast_in_dim3A_30 : vector<16xf32> to vector<1x16xf32>
    tpu.vector_store %arg9[%swap3A_553, %swap3A_554], %swap3A_557 {strides = array<i32>} : memref<11x128xf32, #tpu.memory_space<vmem>>, vector<1x16xf32>,
    %swap3A_558 = arith.constant 5 : i32
    %swap3A_559 = arith.index_cast %swap3A_558 : i32 to index
    %swap3A_560 = arith.constant 64 : index
    %swap3A_561 = tpu.vector_load %arg8[%swap3A_559, %swap3A_560] {strides = array<i32>} : memref<11x128xf32, #tpu.memory_space<vmem>>, vector<1x16xf32>,
    %swap3A_562 = vector.shape_cast %swap3A_561 : vector<1x16xf32> to vector<16xf32>
    %swap3A_563 = vector.shape_cast %broadcast_in_dim3A_30 : vector<16xf32> to vector<1x16xf32>
    tpu.vector_store %arg8[%swap3A_559, %swap3A_560], %swap3A_563 {strides = array<i32>} : memref<11x128xf32, #tpu.memory_space<vmem>>, vector<1x16xf32>,
    %swap3A_564 = arith.constant 5 : i32
    %swap3A_565 = arith.index_cast %swap3A_564 : i32 to index
    %swap3A_566 = arith.constant 64 : index
    %swap3A_567 = tpu.vector_load %arg9[%swap3A_565, %swap3A_566] {strides = array<i32>} : memref<11x128xf32, #tpu.memory_space<vmem>>, vector<1x16xf32>,
    %swap3A_568 = vector.shape_cast %swap3A_567 : vector<1x16xf32> to vector<16xf32>
    %swap3A_569 = vector.shape_cast %broadcast_in_dim3A_30 : vector<16xf32> to vector<1x16xf32>
    tpu.vector_store %arg9[%swap3A_565, %swap3A_566], %swap3A_569 {strides = array<i32>} : memref<11x128xf32, #tpu.memory_space<vmem>>, vector<1x16xf32>,
    %swap3A_570 = arith.constant 5 : i32
    %swap3A_571 = arith.index_cast %swap3A_570 : i32 to index
    %swap3A_572 = arith.constant 80 : index
    %swap3A_573 = tpu.vector_load %arg8[%swap3A_571, %swap3A_572] {strides = array<i32>} : memref<11x128xf32, #tpu.memory_space<vmem>>, vector<1x16xf32>,
    %swap3A_574 = vector.shape_cast %swap3A_573 : vector<1x16xf32> to vector<16xf32>
    %swap3A_575 = vector.shape_cast %broadcast_in_dim3A_30 : vector<16xf32> to vector<1x16xf32>
    tpu.vector_store %arg8[%swap3A_571, %swap3A_572], %swap3A_575 {strides = array<i32>} : memref<11x128xf32, #tpu.memory_space<vmem>>, vector<1x16xf32>,
    %swap3A_576 = arith.constant 5 : i32
    %swap3A_577 = arith.index_cast %swap3A_576 : i32 to index
    %swap3A_578 = arith.constant 80 : index
    %swap3A_579 = tpu.vector_load %arg9[%swap3A_577, %swap3A_578] {strides = array<i32>} : memref<11x128xf32, #tpu.memory_space<vmem>>, vector<1x16xf32>,
    %swap3A_580 = vector.shape_cast %swap3A_579 : vector<1x16xf32> to vector<16xf32>
    %swap3A_581 = vector.shape_cast %broadcast_in_dim3A_30 : vector<16xf32> to vector<1x16xf32>
    tpu.vector_store %arg9[%swap3A_577, %swap3A_578], %swap3A_581 {strides = array<i32>} : memref<11x128xf32, #tpu.memory_space<vmem>>, vector<1x16xf32>,
    %swap3A_582 = arith.constant 5 : i32
    %swap3A_583 = arith.index_cast %swap3A_582 : i32 to index
    %swap3A_584 = arith.constant 96 : index
    %swap3A_585 = tpu.vector_load %arg8[%swap3A_583, %swap3A_584] {strides = array<i32>} : memref<11x128xf32, #tpu.memory_space<vmem>>, vector<1x16xf32>,
    %swap3A_586 = vector.shape_cast %swap3A_585 : vector<1x16xf32> to vector<16xf32>
    %swap3A_587 = vector.shape_cast %broadcast_in_dim3A_30 : vector<16xf32> to vector<1x16xf32>
    tpu.vector_store %arg8[%swap3A_583, %swap3A_584], %swap3A_587 {strides = array<i32>} : memref<11x128xf32, #tpu.memory_space<vmem>>, vector<1x16xf32>,
    %swap3A_588 = arith.constant 5 : i32
    %swap3A_589 = arith.index_cast %swap3A_588 : i32 to index
    %swap3A_590 = arith.constant 96 : index
    %swap3A_591 = tpu.vector_load %arg9[%swap3A_589, %swap3A_590] {strides = array<i32>} : memref<11x128xf32, #tpu.memory_space<vmem>>, vector<1x16xf32>,
    %swap3A_592 = vector.shape_cast %swap3A_591 : vector<1x16xf32> to vector<16xf32>
    %swap3A_593 = vector.shape_cast %broadcast_in_dim3A_30 : vector<16xf32> to vector<1x16xf32>
    tpu.vector_store %arg9[%swap3A_589, %swap3A_590], %swap3A_593 {strides = array<i32>} : memref<11x128xf32, #tpu.memory_space<vmem>>, vector<1x16xf32>,
    %swap3A_594 = arith.constant 5 : i32
    %swap3A_595 = arith.index_cast %swap3A_594 : i32 to index
    %swap3A_596 = arith.constant 112 : index
    %swap3A_597 = tpu.vector_load %arg8[%swap3A_595, %swap3A_596] {strides = array<i32>} : memref<11x128xf32, #tpu.memory_space<vmem>>, vector<1x16xf32>,
    %swap3A_598 = vector.shape_cast %swap3A_597 : vector<1x16xf32> to vector<16xf32>
    %swap3A_599 = vector.shape_cast %broadcast_in_dim3A_30 : vector<16xf32> to vector<1x16xf32>
    tpu.vector_store %arg8[%swap3A_595, %swap3A_596], %swap3A_599 {strides = array<i32>} : memref<11x128xf32, #tpu.memory_space<vmem>>, vector<1x16xf32>,
    %swap3A_600 = arith.constant 5 : i32
    %swap3A_601 = arith.index_cast %swap3A_600 : i32 to index
    %swap3A_602 = arith.constant 112 : index
    %swap3A_603 = tpu.vector_load %arg9[%swap3A_601, %swap3A_602] {strides = array<i32>} : memref<11x128xf32, #tpu.memory_space<vmem>>, vector<1x16xf32>,
    %swap3A_604 = vector.shape_cast %swap3A_603 : vector<1x16xf32> to vector<16xf32>
    %swap3A_605 = vector.shape_cast %broadcast_in_dim3A_30 : vector<16xf32> to vector<1x16xf32>
    tpu.vector_store %arg9[%swap3A_601, %swap3A_602], %swap3A_605 {strides = array<i32>} : memref<11x128xf32, #tpu.memory_space<vmem>>, vector<1x16xf32>,
    %swap3A_606 = arith.constant 6 : i32
    %swap3A_607 = arith.index_cast %swap3A_606 : i32 to index
    %swap3A_608 = arith.constant 0 : index
    %swap3A_609 = tpu.vector_load %arg8[%swap3A_607, %swap3A_608] {strides = array<i32>} : memref<11x128xf32, #tpu.memory_space<vmem>>, vector<1x16xf32>,
    %swap3A_610 = vector.shape_cast %swap3A_609 : vector<1x16xf32> to vector<16xf32>
    %swap3A_611 = vector.shape_cast %scan3A_27#6 : vector<16xf32> to vector<1x16xf32>
    tpu.vector_store %arg8[%swap3A_607, %swap3A_608], %swap3A_611 {strides = array<i32>} : memref<11x128xf32, #tpu.memory_space<vmem>>, vector<1x16xf32>,
    %swap3A_612 = arith.constant 6 : i32
    %swap3A_613 = arith.index_cast %swap3A_612 : i32 to index
    %swap3A_614 = arith.constant 0 : index
    %swap3A_615 = tpu.vector_load %arg9[%swap3A_613, %swap3A_614] {strides = array<i32>} : memref<11x128xf32, #tpu.memory_space<vmem>>, vector<1x16xf32>,
    %swap3A_616 = vector.shape_cast %swap3A_615 : vector<1x16xf32> to vector<16xf32>
    %swap3A_617 = vector.shape_cast %scan3A_27#17 : vector<16xf32> to vector<1x16xf32>
    tpu.vector_store %arg9[%swap3A_613, %swap3A_614], %swap3A_617 {strides = array<i32>} : memref<11x128xf32, #tpu.memory_space<vmem>>, vector<1x16xf32>,
    %swap3A_618 = arith.constant 6 : i32
    %swap3A_619 = arith.index_cast %swap3A_618 : i32 to index
    %swap3A_620 = arith.constant 16 : index
    %swap3A_621 = tpu.vector_load %arg8[%swap3A_619, %swap3A_620] {strides = array<i32>} : memref<11x128xf32, #tpu.memory_space<vmem>>, vector<1x16xf32>,
    %swap3A_622 = vector.shape_cast %swap3A_621 : vector<1x16xf32> to vector<16xf32>
    %swap3A_623 = vector.shape_cast %broadcast_in_dim3A_30 : vector<16xf32> to vector<1x16xf32>
    tpu.vector_store %arg8[%swap3A_619, %swap3A_620], %swap3A_623 {strides = array<i32>} : memref<11x128xf32, #tpu.memory_space<vmem>>, vector<1x16xf32>,
    %swap3A_624 = arith.constant 6 : i32
    %swap3A_625 = arith.index_cast %swap3A_624 : i32 to index
    %swap3A_626 = arith.constant 16 : index
    %swap3A_627 = tpu.vector_load %arg9[%swap3A_625, %swap3A_626] {strides = array<i32>} : memref<11x128xf32, #tpu.memory_space<vmem>>, vector<1x16xf32>,
    %swap3A_628 = vector.shape_cast %swap3A_627 : vector<1x16xf32> to vector<16xf32>
    %swap3A_629 = vector.shape_cast %broadcast_in_dim3A_30 : vector<16xf32> to vector<1x16xf32>
    tpu.vector_store %arg9[%swap3A_625, %swap3A_626], %swap3A_629 {strides = array<i32>} : memref<11x128xf32, #tpu.memory_space<vmem>>, vector<1x16xf32>,
    %swap3A_630 = arith.constant 6 : i32
    %swap3A_631 = arith.index_cast %swap3A_630 : i32 to index
    %swap3A_632 = arith.constant 32 : index
    %swap3A_633 = tpu.vector_load %arg8[%swap3A_631, %swap3A_632] {strides = array<i32>} : memref<11x128xf32, #tpu.memory_space<vmem>>, vector<1x16xf32>,
    %swap3A_634 = vector.shape_cast %swap3A_633 : vector<1x16xf32> to vector<16xf32>
    %swap3A_635 = vector.shape_cast %broadcast_in_dim3A_30 : vector<16xf32> to vector<1x16xf32>
    tpu.vector_store %arg8[%swap3A_631, %swap3A_632], %swap3A_635 {strides = array<i32>} : memref<11x128xf32, #tpu.memory_space<vmem>>, vector<1x16xf32>,
    %swap3A_636 = arith.constant 6 : i32
    %swap3A_637 = arith.index_cast %swap3A_636 : i32 to index
    %swap3A_638 = arith.constant 32 : index
    %swap3A_639 = tpu.vector_load %arg9[%swap3A_637, %swap3A_638] {strides = array<i32>} : memref<11x128xf32, #tpu.memory_space<vmem>>, vector<1x16xf32>,
    %swap3A_640 = vector.shape_cast %swap3A_639 : vector<1x16xf32> to vector<16xf32>
    %swap3A_641 = vector.shape_cast %broadcast_in_dim3A_30 : vector<16xf32> to vector<1x16xf32>
    tpu.vector_store %arg9[%swap3A_637, %swap3A_638], %swap3A_641 {strides = array<i32>} : memref<11x128xf32, #tpu.memory_space<vmem>>, vector<1x16xf32>,
    %swap3A_642 = arith.constant 6 : i32
    %swap3A_643 = arith.index_cast %swap3A_642 : i32 to index
    %swap3A_644 = arith.constant 48 : index
    %swap3A_645 = tpu.vector_load %arg8[%swap3A_643, %swap3A_644] {strides = array<i32>} : memref<11x128xf32, #tpu.memory_space<vmem>>, vector<1x16xf32>,
    %swap3A_646 = vector.shape_cast %swap3A_645 : vector<1x16xf32> to vector<16xf32>
    %swap3A_647 = vector.shape_cast %broadcast_in_dim3A_30 : vector<16xf32> to vector<1x16xf32>
    tpu.vector_store %arg8[%swap3A_643, %swap3A_644], %swap3A_647 {strides = array<i32>} : memref<11x128xf32, #tpu.memory_space<vmem>>, vector<1x16xf32>,
    %swap3A_648 = arith.constant 6 : i32
    %swap3A_649 = arith.index_cast %swap3A_648 : i32 to index
    %swap3A_650 = arith.constant 48 : index
    %swap3A_651 = tpu.vector_load %arg9[%swap3A_649, %swap3A_650] {strides = array<i32>} : memref<11x128xf32, #tpu.memory_space<vmem>>, vector<1x16xf32>,
    %swap3A_652 = vector.shape_cast %swap3A_651 : vector<1x16xf32> to vector<16xf32>
    %swap3A_653 = vector.shape_cast %broadcast_in_dim3A_30 : vector<16xf32> to vector<1x16xf32>
    tpu.vector_store %arg9[%swap3A_649, %swap3A_650], %swap3A_653 {strides = array<i32>} : memref<11x128xf32, #tpu.memory_space<vmem>>, vector<1x16xf32>,
    %swap3A_654 = arith.constant 6 : i32
    %swap3A_655 = arith.index_cast %swap3A_654 : i32 to index
    %swap3A_656 = arith.constant 64 : index
    %swap3A_657 = tpu.vector_load %arg8[%swap3A_655, %swap3A_656] {strides = array<i32>} : memref<11x128xf32, #tpu.memory_space<vmem>>, vector<1x16xf32>,
    %swap3A_658 = vector.shape_cast %swap3A_657 : vector<1x16xf32> to vector<16xf32>
    %swap3A_659 = vector.shape_cast %broadcast_in_dim3A_30 : vector<16xf32> to vector<1x16xf32>
    tpu.vector_store %arg8[%swap3A_655, %swap3A_656], %swap3A_659 {strides = array<i32>} : memref<11x128xf32, #tpu.memory_space<vmem>>, vector<1x16xf32>,
    %swap3A_660 = arith.constant 6 : i32
    %swap3A_661 = arith.index_cast %swap3A_660 : i32 to index
    %swap3A_662 = arith.constant 64 : index
    %swap3A_663 = tpu.vector_load %arg9[%swap3A_661, %swap3A_662] {strides = array<i32>} : memref<11x128xf32, #tpu.memory_space<vmem>>, vector<1x16xf32>,
    %swap3A_664 = vector.shape_cast %swap3A_663 : vector<1x16xf32> to vector<16xf32>
    %swap3A_665 = vector.shape_cast %broadcast_in_dim3A_30 : vector<16xf32> to vector<1x16xf32>
    tpu.vector_store %arg9[%swap3A_661, %swap3A_662], %swap3A_665 {strides = array<i32>} : memref<11x128xf32, #tpu.memory_space<vmem>>, vector<1x16xf32>,
    %swap3A_666 = arith.constant 6 : i32
    %swap3A_667 = arith.index_cast %swap3A_666 : i32 to index
    %swap3A_668 = arith.constant 80 : index
    %swap3A_669 = tpu.vector_load %arg8[%swap3A_667, %swap3A_668] {strides = array<i32>} : memref<11x128xf32, #tpu.memory_space<vmem>>, vector<1x16xf32>,
    %swap3A_670 = vector.shape_cast %swap3A_669 : vector<1x16xf32> to vector<16xf32>
    %swap3A_671 = vector.shape_cast %broadcast_in_dim3A_30 : vector<16xf32> to vector<1x16xf32>
    tpu.vector_store %arg8[%swap3A_667, %swap3A_668], %swap3A_671 {strides = array<i32>} : memref<11x128xf32, #tpu.memory_space<vmem>>, vector<1x16xf32>,
    %swap3A_672 = arith.constant 6 : i32
    %swap3A_673 = arith.index_cast %swap3A_672 : i32 to index
    %swap3A_674 = arith.constant 80 : index
    %swap3A_675 = tpu.vector_load %arg9[%swap3A_673, %swap3A_674] {strides = array<i32>} : memref<11x128xf32, #tpu.memory_space<vmem>>, vector<1x16xf32>,
    %swap3A_676 = vector.shape_cast %swap3A_675 : vector<1x16xf32> to vector<16xf32>
    %swap3A_677 = vector.shape_cast %broadcast_in_dim3A_30 : vector<16xf32> to vector<1x16xf32>
    tpu.vector_store %arg9[%swap3A_673, %swap3A_674], %swap3A_677 {strides = array<i32>} : memref<11x128xf32, #tpu.memory_space<vmem>>, vector<1x16xf32>,
    %swap3A_678 = arith.constant 6 : i32
    %swap3A_679 = arith.index_cast %swap3A_678 : i32 to index
    %swap3A_680 = arith.constant 96 : index
    %swap3A_681 = tpu.vector_load %arg8[%swap3A_679, %swap3A_680] {strides = array<i32>} : memref<11x128xf32, #tpu.memory_space<vmem>>, vector<1x16xf32>,
    %swap3A_682 = vector.shape_cast %swap3A_681 : vector<1x16xf32> to vector<16xf32>
    %swap3A_683 = vector.shape_cast %broadcast_in_dim3A_30 : vector<16xf32> to vector<1x16xf32>
    tpu.vector_store %arg8[%swap3A_679, %swap3A_680], %swap3A_683 {strides = array<i32>} : memref<11x128xf32, #tpu.memory_space<vmem>>, vector<1x16xf32>,
    %swap3A_684 = arith.constant 6 : i32
    %swap3A_685 = arith.index_cast %swap3A_684 : i32 to index
    %swap3A_686 = arith.constant 96 : index
    %swap3A_687 = tpu.vector_load %arg9[%swap3A_685, %swap3A_686] {strides = array<i32>} : memref<11x128xf32, #tpu.memory_space<vmem>>, vector<1x16xf32>,
    %swap3A_688 = vector.shape_cast %swap3A_687 : vector<1x16xf32> to vector<16xf32>
    %swap3A_689 = vector.shape_cast %broadcast_in_dim3A_30 : vector<16xf32> to vector<1x16xf32>
    tpu.vector_store %arg9[%swap3A_685, %swap3A_686], %swap3A_689 {strides = array<i32>} : memref<11x128xf32, #tpu.memory_space<vmem>>, vector<1x16xf32>,
    %swap3A_690 = arith.constant 6 : i32
    %swap3A_691 = arith.index_cast %swap3A_690 : i32 to index
    %swap3A_692 = arith.constant 112 : index
    %swap3A_693 = tpu.vector_load %arg8[%swap3A_691, %swap3A_692] {strides = array<i32>} : memref<11x128xf32, #tpu.memory_space<vmem>>, vector<1x16xf32>,
    %swap3A_694 = vector.shape_cast %swap3A_693 : vector<1x16xf32> to vector<16xf32>
    %swap3A_695 = vector.shape_cast %broadcast_in_dim3A_30 : vector<16xf32> to vector<1x16xf32>
    tpu.vector_store %arg8[%swap3A_691, %swap3A_692], %swap3A_695 {strides = array<i32>} : memref<11x128xf32, #tpu.memory_space<vmem>>, vector<1x16xf32>,
    %swap3A_696 = arith.constant 6 : i32
    %swap3A_697 = arith.index_cast %swap3A_696 : i32 to index
    %swap3A_698 = arith.constant 112 : index
    %swap3A_699 = tpu.vector_load %arg9[%swap3A_697, %swap3A_698] {strides = array<i32>} : memref<11x128xf32, #tpu.memory_space<vmem>>, vector<1x16xf32>,
    %swap3A_700 = vector.shape_cast %swap3A_699 : vector<1x16xf32> to vector<16xf32>
    %swap3A_701 = vector.shape_cast %broadcast_in_dim3A_30 : vector<16xf32> to vector<1x16xf32>
    tpu.vector_store %arg9[%swap3A_697, %swap3A_698], %swap3A_701 {strides = array<i32>} : memref<11x128xf32, #tpu.memory_space<vmem>>, vector<1x16xf32>,
    %swap3A_702 = arith.constant 7 : i32
    %swap3A_703 = arith.index_cast %swap3A_702 : i32 to index
    %swap3A_704 = arith.constant 0 : index
    %swap3A_705 = tpu.vector_load %arg8[%swap3A_703, %swap3A_704] {strides = array<i32>} : memref<11x128xf32, #tpu.memory_space<vmem>>, vector<1x16xf32>,
    %swap3A_706 = vector.shape_cast %swap3A_705 : vector<1x16xf32> to vector<16xf32>
    %swap3A_707 = vector.shape_cast %scan3A_27#7 : vector<16xf32> to vector<1x16xf32>
    tpu.vector_store %arg8[%swap3A_703, %swap3A_704], %swap3A_707 {strides = array<i32>} : memref<11x128xf32, #tpu.memory_space<vmem>>, vector<1x16xf32>,
    %swap3A_708 = arith.constant 7 : i32
    %swap3A_709 = arith.index_cast %swap3A_708 : i32 to index
    %swap3A_710 = arith.constant 0 : index
    %swap3A_711 = tpu.vector_load %arg9[%swap3A_709, %swap3A_710] {strides = array<i32>} : memref<11x128xf32, #tpu.memory_space<vmem>>, vector<1x16xf32>,
    %swap3A_712 = vector.shape_cast %swap3A_711 : vector<1x16xf32> to vector<16xf32>
    %swap3A_713 = vector.shape_cast %scan3A_27#18 : vector<16xf32> to vector<1x16xf32>
    tpu.vector_store %arg9[%swap3A_709, %swap3A_710], %swap3A_713 {strides = array<i32>} : memref<11x128xf32, #tpu.memory_space<vmem>>, vector<1x16xf32>,
    %swap3A_714 = arith.constant 7 : i32
    %swap3A_715 = arith.index_cast %swap3A_714 : i32 to index
    %swap3A_716 = arith.constant 16 : index
    %swap3A_717 = tpu.vector_load %arg8[%swap3A_715, %swap3A_716] {strides = array<i32>} : memref<11x128xf32, #tpu.memory_space<vmem>>, vector<1x16xf32>,
    %swap3A_718 = vector.shape_cast %swap3A_717 : vector<1x16xf32> to vector<16xf32>
    %swap3A_719 = vector.shape_cast %broadcast_in_dim3A_30 : vector<16xf32> to vector<1x16xf32>
    tpu.vector_store %arg8[%swap3A_715, %swap3A_716], %swap3A_719 {strides = array<i32>} : memref<11x128xf32, #tpu.memory_space<vmem>>, vector<1x16xf32>,
    %swap3A_720 = arith.constant 7 : i32
    %swap3A_721 = arith.index_cast %swap3A_720 : i32 to index
    %swap3A_722 = arith.constant 16 : index
    %swap3A_723 = tpu.vector_load %arg9[%swap3A_721, %swap3A_722] {strides = array<i32>} : memref<11x128xf32, #tpu.memory_space<vmem>>, vector<1x16xf32>,
    %swap3A_724 = vector.shape_cast %swap3A_723 : vector<1x16xf32> to vector<16xf32>
    %swap3A_725 = vector.shape_cast %broadcast_in_dim3A_30 : vector<16xf32> to vector<1x16xf32>
    tpu.vector_store %arg9[%swap3A_721, %swap3A_722], %swap3A_725 {strides = array<i32>} : memref<11x128xf32, #tpu.memory_space<vmem>>, vector<1x16xf32>,
    %swap3A_726 = arith.constant 7 : i32
    %swap3A_727 = arith.index_cast %swap3A_726 : i32 to index
    %swap3A_728 = arith.constant 32 : index
    %swap3A_729 = tpu.vector_load %arg8[%swap3A_727, %swap3A_728] {strides = array<i32>} : memref<11x128xf32, #tpu.memory_space<vmem>>, vector<1x16xf32>,
    %swap3A_730 = vector.shape_cast %swap3A_729 : vector<1x16xf32> to vector<16xf32>
    %swap3A_731 = vector.shape_cast %broadcast_in_dim3A_30 : vector<16xf32> to vector<1x16xf32>
    tpu.vector_store %arg8[%swap3A_727, %swap3A_728], %swap3A_731 {strides = array<i32>} : memref<11x128xf32, #tpu.memory_space<vmem>>, vector<1x16xf32>,
    %swap3A_732 = arith.constant 7 : i32
    %swap3A_733 = arith.index_cast %swap3A_732 : i32 to index
    %swap3A_734 = arith.constant 32 : index
    %swap3A_735 = tpu.vector_load %arg9[%swap3A_733, %swap3A_734] {strides = array<i32>} : memref<11x128xf32, #tpu.memory_space<vmem>>, vector<1x16xf32>,
    %swap3A_736 = vector.shape_cast %swap3A_735 : vector<1x16xf32> to vector<16xf32>
    %swap3A_737 = vector.shape_cast %broadcast_in_dim3A_30 : vector<16xf32> to vector<1x16xf32>
    tpu.vector_store %arg9[%swap3A_733, %swap3A_734], %swap3A_737 {strides = array<i32>} : memref<11x128xf32, #tpu.memory_space<vmem>>, vector<1x16xf32>,
    %swap3A_738 = arith.constant 7 : i32
    %swap3A_739 = arith.index_cast %swap3A_738 : i32 to index
    %swap3A_740 = arith.constant 48 : index
    %swap3A_741 = tpu.vector_load %arg8[%swap3A_739, %swap3A_740] {strides = array<i32>} : memref<11x128xf32, #tpu.memory_space<vmem>>, vector<1x16xf32>,
    %swap3A_742 = vector.shape_cast %swap3A_741 : vector<1x16xf32> to vector<16xf32>
    %swap3A_743 = vector.shape_cast %broadcast_in_dim3A_30 : vector<16xf32> to vector<1x16xf32>
    tpu.vector_store %arg8[%swap3A_739, %swap3A_740], %swap3A_743 {strides = array<i32>} : memref<11x128xf32, #tpu.memory_space<vmem>>, vector<1x16xf32>,
    %swap3A_744 = arith.constant 7 : i32
    %swap3A_745 = arith.index_cast %swap3A_744 : i32 to index
    %swap3A_746 = arith.constant 48 : index
    %swap3A_747 = tpu.vector_load %arg9[%swap3A_745, %swap3A_746] {strides = array<i32>} : memref<11x128xf32, #tpu.memory_space<vmem>>, vector<1x16xf32>,
    %swap3A_748 = vector.shape_cast %swap3A_747 : vector<1x16xf32> to vector<16xf32>
    %swap3A_749 = vector.shape_cast %broadcast_in_dim3A_30 : vector<16xf32> to vector<1x16xf32>
    tpu.vector_store %arg9[%swap3A_745, %swap3A_746], %swap3A_749 {strides = array<i32>} : memref<11x128xf32, #tpu.memory_space<vmem>>, vector<1x16xf32>,
    %swap3A_750 = arith.constant 7 : i32
    %swap3A_751 = arith.index_cast %swap3A_750 : i32 to index
    %swap3A_752 = arith.constant 64 : index
    %swap3A_753 = tpu.vector_load %arg8[%swap3A_751, %swap3A_752] {strides = array<i32>} : memref<11x128xf32, #tpu.memory_space<vmem>>, vector<1x16xf32>,
    %swap3A_754 = vector.shape_cast %swap3A_753 : vector<1x16xf32> to vector<16xf32>
    %swap3A_755 = vector.shape_cast %broadcast_in_dim3A_30 : vector<16xf32> to vector<1x16xf32>
    tpu.vector_store %arg8[%swap3A_751, %swap3A_752], %swap3A_755 {strides = array<i32>} : memref<11x128xf32, #tpu.memory_space<vmem>>, vector<1x16xf32>,
    %swap3A_756 = arith.constant 7 : i32
    %swap3A_757 = arith.index_cast %swap3A_756 : i32 to index
    %swap3A_758 = arith.constant 64 : index
    %swap3A_759 = tpu.vector_load %arg9[%swap3A_757, %swap3A_758] {strides = array<i32>} : memref<11x128xf32, #tpu.memory_space<vmem>>, vector<1x16xf32>,
    %swap3A_760 = vector.shape_cast %swap3A_759 : vector<1x16xf32> to vector<16xf32>
    %swap3A_761 = vector.shape_cast %broadcast_in_dim3A_30 : vector<16xf32> to vector<1x16xf32>
    tpu.vector_store %arg9[%swap3A_757, %swap3A_758], %swap3A_761 {strides = array<i32>} : memref<11x128xf32, #tpu.memory_space<vmem>>, vector<1x16xf32>,
    %swap3A_762 = arith.constant 7 : i32
    %swap3A_763 = arith.index_cast %swap3A_762 : i32 to index
    %swap3A_764 = arith.constant 80 : index
    %swap3A_765 = tpu.vector_load %arg8[%swap3A_763, %swap3A_764] {strides = array<i32>} : memref<11x128xf32, #tpu.memory_space<vmem>>, vector<1x16xf32>,
    %swap3A_766 = vector.shape_cast %swap3A_765 : vector<1x16xf32> to vector<16xf32>
    %swap3A_767 = vector.shape_cast %broadcast_in_dim3A_30 : vector<16xf32> to vector<1x16xf32>
    tpu.vector_store %arg8[%swap3A_763, %swap3A_764], %swap3A_767 {strides = array<i32>} : memref<11x128xf32, #tpu.memory_space<vmem>>, vector<1x16xf32>,
    %swap3A_768 = arith.constant 7 : i32
    %swap3A_769 = arith.index_cast %swap3A_768 : i32 to index
    %swap3A_770 = arith.constant 80 : index
    %swap3A_771 = tpu.vector_load %arg9[%swap3A_769, %swap3A_770] {strides = array<i32>} : memref<11x128xf32, #tpu.memory_space<vmem>>, vector<1x16xf32>,
    %swap3A_772 = vector.shape_cast %swap3A_771 : vector<1x16xf32> to vector<16xf32>
    %swap3A_773 = vector.shape_cast %broadcast_in_dim3A_30 : vector<16xf32> to vector<1x16xf32>
    tpu.vector_store %arg9[%swap3A_769, %swap3A_770], %swap3A_773 {strides = array<i32>} : memref<11x128xf32, #tpu.memory_space<vmem>>, vector<1x16xf32>,
    %swap3A_774 = arith.constant 7 : i32
    %swap3A_775 = arith.index_cast %swap3A_774 : i32 to index
    %swap3A_776 = arith.constant 96 : index
    %swap3A_777 = tpu.vector_load %arg8[%swap3A_775, %swap3A_776] {strides = array<i32>} : memref<11x128xf32, #tpu.memory_space<vmem>>, vector<1x16xf32>,
    %swap3A_778 = vector.shape_cast %swap3A_777 : vector<1x16xf32> to vector<16xf32>
    %swap3A_779 = vector.shape_cast %broadcast_in_dim3A_30 : vector<16xf32> to vector<1x16xf32>
    tpu.vector_store %arg8[%swap3A_775, %swap3A_776], %swap3A_779 {strides = array<i32>} : memref<11x128xf32, #tpu.memory_space<vmem>>, vector<1x16xf32>,
    %swap3A_780 = arith.constant 7 : i32
    %swap3A_781 = arith.index_cast %swap3A_780 : i32 to index
    %swap3A_782 = arith.constant 96 : index
    %swap3A_783 = tpu.vector_load %arg9[%swap3A_781, %swap3A_782] {strides = array<i32>} : memref<11x128xf32, #tpu.memory_space<vmem>>, vector<1x16xf32>,
    %swap3A_784 = vector.shape_cast %swap3A_783 : vector<1x16xf32> to vector<16xf32>
    %swap3A_785 = vector.shape_cast %broadcast_in_dim3A_30 : vector<16xf32> to vector<1x16xf32>
    tpu.vector_store %arg9[%swap3A_781, %swap3A_782], %swap3A_785 {strides = array<i32>} : memref<11x128xf32, #tpu.memory_space<vmem>>, vector<1x16xf32>,
    %swap3A_786 = arith.constant 7 : i32
    %swap3A_787 = arith.index_cast %swap3A_786 : i32 to index
    %swap3A_788 = arith.constant 112 : index
    %swap3A_789 = tpu.vector_load %arg8[%swap3A_787, %swap3A_788] {strides = array<i32>} : memref<11x128xf32, #tpu.memory_space<vmem>>, vector<1x16xf32>,
    %swap3A_790 = vector.shape_cast %swap3A_789 : vector<1x16xf32> to vector<16xf32>
    %swap3A_791 = vector.shape_cast %broadcast_in_dim3A_30 : vector<16xf32> to vector<1x16xf32>
    tpu.vector_store %arg8[%swap3A_787, %swap3A_788], %swap3A_791 {strides = array<i32>} : memref<11x128xf32, #tpu.memory_space<vmem>>, vector<1x16xf32>,
    %swap3A_792 = arith.constant 7 : i32
    %swap3A_793 = arith.index_cast %swap3A_792 : i32 to index
    %swap3A_794 = arith.constant 112 : index
    %swap3A_795 = tpu.vector_load %arg9[%swap3A_793, %swap3A_794] {strides = array<i32>} : memref<11x128xf32, #tpu.memory_space<vmem>>, vector<1x16xf32>,
    %swap3A_796 = vector.shape_cast %swap3A_795 : vector<1x16xf32> to vector<16xf32>
    %swap3A_797 = vector.shape_cast %broadcast_in_dim3A_30 : vector<16xf32> to vector<1x16xf32>
    tpu.vector_store %arg9[%swap3A_793, %swap3A_794], %swap3A_797 {strides = array<i32>} : memref<11x128xf32, #tpu.memory_space<vmem>>, vector<1x16xf32>,
    %swap3A_798 = arith.constant 8 : i32
    %swap3A_799 = arith.index_cast %swap3A_798 : i32 to index
    %swap3A_800 = arith.constant 0 : index
    %swap3A_801 = tpu.vector_load %arg8[%swap3A_799, %swap3A_800] {strides = array<i32>} : memref<11x128xf32, #tpu.memory_space<vmem>>, vector<1x16xf32>,
    %swap3A_802 = vector.shape_cast %swap3A_801 : vector<1x16xf32> to vector<16xf32>
    %swap3A_803 = vector.shape_cast %scan3A_27#8 : vector<16xf32> to vector<1x16xf32>
    tpu.vector_store %arg8[%swap3A_799, %swap3A_800], %swap3A_803 {strides = array<i32>} : memref<11x128xf32, #tpu.memory_space<vmem>>, vector<1x16xf32>,
    %swap3A_804 = arith.constant 8 : i32
    %swap3A_805 = arith.index_cast %swap3A_804 : i32 to index
    %swap3A_806 = arith.constant 0 : index
    %swap3A_807 = tpu.vector_load %arg9[%swap3A_805, %swap3A_806] {strides = array<i32>} : memref<11x128xf32, #tpu.memory_space<vmem>>, vector<1x16xf32>,
    %swap3A_808 = vector.shape_cast %swap3A_807 : vector<1x16xf32> to vector<16xf32>
    %swap3A_809 = vector.shape_cast %scan3A_27#19 : vector<16xf32> to vector<1x16xf32>
    tpu.vector_store %arg9[%swap3A_805, %swap3A_806], %swap3A_809 {strides = array<i32>} : memref<11x128xf32, #tpu.memory_space<vmem>>, vector<1x16xf32>,
    %swap3A_810 = arith.constant 8 : i32
    %swap3A_811 = arith.index_cast %swap3A_810 : i32 to index
    %swap3A_812 = arith.constant 16 : index
    %swap3A_813 = tpu.vector_load %arg8[%swap3A_811, %swap3A_812] {strides = array<i32>} : memref<11x128xf32, #tpu.memory_space<vmem>>, vector<1x16xf32>,
    %swap3A_814 = vector.shape_cast %swap3A_813 : vector<1x16xf32> to vector<16xf32>
    %swap3A_815 = vector.shape_cast %broadcast_in_dim3A_30 : vector<16xf32> to vector<1x16xf32>
    tpu.vector_store %arg8[%swap3A_811, %swap3A_812], %swap3A_815 {strides = array<i32>} : memref<11x128xf32, #tpu.memory_space<vmem>>, vector<1x16xf32>,
    %swap3A_816 = arith.constant 8 : i32
    %swap3A_817 = arith.index_cast %swap3A_816 : i32 to index
    %swap3A_818 = arith.constant 16 : index
    %swap3A_819 = tpu.vector_load %arg9[%swap3A_817, %swap3A_818] {strides = array<i32>} : memref<11x128xf32, #tpu.memory_space<vmem>>, vector<1x16xf32>,
    %swap3A_820 = vector.shape_cast %swap3A_819 : vector<1x16xf32> to vector<16xf32>
    %swap3A_821 = vector.shape_cast %broadcast_in_dim3A_30 : vector<16xf32> to vector<1x16xf32>
    tpu.vector_store %arg9[%swap3A_817, %swap3A_818], %swap3A_821 {strides = array<i32>} : memref<11x128xf32, #tpu.memory_space<vmem>>, vector<1x16xf32>,
    %swap3A_822 = arith.constant 8 : i32
    %swap3A_823 = arith.index_cast %swap3A_822 : i32 to index
    %swap3A_824 = arith.constant 32 : index
    %swap3A_825 = tpu.vector_load %arg8[%swap3A_823, %swap3A_824] {strides = array<i32>} : memref<11x128xf32, #tpu.memory_space<vmem>>, vector<1x16xf32>,
    %swap3A_826 = vector.shape_cast %swap3A_825 : vector<1x16xf32> to vector<16xf32>
    %swap3A_827 = vector.shape_cast %broadcast_in_dim3A_30 : vector<16xf32> to vector<1x16xf32>
    tpu.vector_store %arg8[%swap3A_823, %swap3A_824], %swap3A_827 {strides = array<i32>} : memref<11x128xf32, #tpu.memory_space<vmem>>, vector<1x16xf32>,
    %swap3A_828 = arith.constant 8 : i32
    %swap3A_829 = arith.index_cast %swap3A_828 : i32 to index
    %swap3A_830 = arith.constant 32 : index
    %swap3A_831 = tpu.vector_load %arg9[%swap3A_829, %swap3A_830] {strides = array<i32>} : memref<11x128xf32, #tpu.memory_space<vmem>>, vector<1x16xf32>,
    %swap3A_832 = vector.shape_cast %swap3A_831 : vector<1x16xf32> to vector<16xf32>
    %swap3A_833 = vector.shape_cast %broadcast_in_dim3A_30 : vector<16xf32> to vector<1x16xf32>
    tpu.vector_store %arg9[%swap3A_829, %swap3A_830], %swap3A_833 {strides = array<i32>} : memref<11x128xf32, #tpu.memory_space<vmem>>, vector<1x16xf32>,
    %swap3A_834 = arith.constant 8 : i32
    %swap3A_835 = arith.index_cast %swap3A_834 : i32 to index
    %swap3A_836 = arith.constant 48 : index
    %swap3A_837 = tpu.vector_load %arg8[%swap3A_835, %swap3A_836] {strides = array<i32>} : memref<11x128xf32, #tpu.memory_space<vmem>>, vector<1x16xf32>,
    %swap3A_838 = vector.shape_cast %swap3A_837 : vector<1x16xf32> to vector<16xf32>
    %swap3A_839 = vector.shape_cast %broadcast_in_dim3A_30 : vector<16xf32> to vector<1x16xf32>
    tpu.vector_store %arg8[%swap3A_835, %swap3A_836], %swap3A_839 {strides = array<i32>} : memref<11x128xf32, #tpu.memory_space<vmem>>, vector<1x16xf32>,
    %swap3A_840 = arith.constant 8 : i32
    %swap3A_841 = arith.index_cast %swap3A_840 : i32 to index
    %swap3A_842 = arith.constant 48 : index
    %swap3A_843 = tpu.vector_load %arg9[%swap3A_841, %swap3A_842] {strides = array<i32>} : memref<11x128xf32, #tpu.memory_space<vmem>>, vector<1x16xf32>,
    %swap3A_844 = vector.shape_cast %swap3A_843 : vector<1x16xf32> to vector<16xf32>
    %swap3A_845 = vector.shape_cast %broadcast_in_dim3A_30 : vector<16xf32> to vector<1x16xf32>
    tpu.vector_store %arg9[%swap3A_841, %swap3A_842], %swap3A_845 {strides = array<i32>} : memref<11x128xf32, #tpu.memory_space<vmem>>, vector<1x16xf32>,
    %swap3A_846 = arith.constant 8 : i32
    %swap3A_847 = arith.index_cast %swap3A_846 : i32 to index
    %swap3A_848 = arith.constant 64 : index
    %swap3A_849 = tpu.vector_load %arg8[%swap3A_847, %swap3A_848] {strides = array<i32>} : memref<11x128xf32, #tpu.memory_space<vmem>>, vector<1x16xf32>,
    %swap3A_850 = vector.shape_cast %swap3A_849 : vector<1x16xf32> to vector<16xf32>
    %swap3A_851 = vector.shape_cast %broadcast_in_dim3A_30 : vector<16xf32> to vector<1x16xf32>
    tpu.vector_store %arg8[%swap3A_847, %swap3A_848], %swap3A_851 {strides = array<i32>} : memref<11x128xf32, #tpu.memory_space<vmem>>, vector<1x16xf32>,
    %swap3A_852 = arith.constant 8 : i32
    %swap3A_853 = arith.index_cast %swap3A_852 : i32 to index
    %swap3A_854 = arith.constant 64 : index
    %swap3A_855 = tpu.vector_load %arg9[%swap3A_853, %swap3A_854] {strides = array<i32>} : memref<11x128xf32, #tpu.memory_space<vmem>>, vector<1x16xf32>,
    %swap3A_856 = vector.shape_cast %swap3A_855 : vector<1x16xf32> to vector<16xf32>
    %swap3A_857 = vector.shape_cast %broadcast_in_dim3A_30 : vector<16xf32> to vector<1x16xf32>
    tpu.vector_store %arg9[%swap3A_853, %swap3A_854], %swap3A_857 {strides = array<i32>} : memref<11x128xf32, #tpu.memory_space<vmem>>, vector<1x16xf32>,
    %swap3A_858 = arith.constant 8 : i32
    %swap3A_859 = arith.index_cast %swap3A_858 : i32 to index
    %swap3A_860 = arith.constant 80 : index
    %swap3A_861 = tpu.vector_load %arg8[%swap3A_859, %swap3A_860] {strides = array<i32>} : memref<11x128xf32, #tpu.memory_space<vmem>>, vector<1x16xf32>,
    %swap3A_862 = vector.shape_cast %swap3A_861 : vector<1x16xf32> to vector<16xf32>
    %swap3A_863 = vector.shape_cast %broadcast_in_dim3A_30 : vector<16xf32> to vector<1x16xf32>
    tpu.vector_store %arg8[%swap3A_859, %swap3A_860], %swap3A_863 {strides = array<i32>} : memref<11x128xf32, #tpu.memory_space<vmem>>, vector<1x16xf32>,
    %swap3A_864 = arith.constant 8 : i32
    %swap3A_865 = arith.index_cast %swap3A_864 : i32 to index
    %swap3A_866 = arith.constant 80 : index
    %swap3A_867 = tpu.vector_load %arg9[%swap3A_865, %swap3A_866] {strides = array<i32>} : memref<11x128xf32, #tpu.memory_space<vmem>>, vector<1x16xf32>,
    %swap3A_868 = vector.shape_cast %swap3A_867 : vector<1x16xf32> to vector<16xf32>
    %swap3A_869 = vector.shape_cast %broadcast_in_dim3A_30 : vector<16xf32> to vector<1x16xf32>
    tpu.vector_store %arg9[%swap3A_865, %swap3A_866], %swap3A_869 {strides = array<i32>} : memref<11x128xf32, #tpu.memory_space<vmem>>, vector<1x16xf32>,
    %swap3A_870 = arith.constant 8 : i32
    %swap3A_871 = arith.index_cast %swap3A_870 : i32 to index
    %swap3A_872 = arith.constant 96 : index
    %swap3A_873 = tpu.vector_load %arg8[%swap3A_871, %swap3A_872] {strides = array<i32>} : memref<11x128xf32, #tpu.memory_space<vmem>>, vector<1x16xf32>,
    %swap3A_874 = vector.shape_cast %swap3A_873 : vector<1x16xf32> to vector<16xf32>
    %swap3A_875 = vector.shape_cast %broadcast_in_dim3A_30 : vector<16xf32> to vector<1x16xf32>
    tpu.vector_store %arg8[%swap3A_871, %swap3A_872], %swap3A_875 {strides = array<i32>} : memref<11x128xf32, #tpu.memory_space<vmem>>, vector<1x16xf32>,
    %swap3A_876 = arith.constant 8 : i32
    %swap3A_877 = arith.index_cast %swap3A_876 : i32 to index
    %swap3A_878 = arith.constant 96 : index
    %swap3A_879 = tpu.vector_load %arg9[%swap3A_877, %swap3A_878] {strides = array<i32>} : memref<11x128xf32, #tpu.memory_space<vmem>>, vector<1x16xf32>,
    %swap3A_880 = vector.shape_cast %swap3A_879 : vector<1x16xf32> to vector<16xf32>
    %swap3A_881 = vector.shape_cast %broadcast_in_dim3A_30 : vector<16xf32> to vector<1x16xf32>
    tpu.vector_store %arg9[%swap3A_877, %swap3A_878], %swap3A_881 {strides = array<i32>} : memref<11x128xf32, #tpu.memory_space<vmem>>, vector<1x16xf32>,
    %swap3A_882 = arith.constant 8 : i32
    %swap3A_883 = arith.index_cast %swap3A_882 : i32 to index
    %swap3A_884 = arith.constant 112 : index
    %swap3A_885 = tpu.vector_load %arg8[%swap3A_883, %swap3A_884] {strides = array<i32>} : memref<11x128xf32, #tpu.memory_space<vmem>>, vector<1x16xf32>,
    %swap3A_886 = vector.shape_cast %swap3A_885 : vector<1x16xf32> to vector<16xf32>
    %swap3A_887 = vector.shape_cast %broadcast_in_dim3A_30 : vector<16xf32> to vector<1x16xf32>
    tpu.vector_store %arg8[%swap3A_883, %swap3A_884], %swap3A_887 {strides = array<i32>} : memref<11x128xf32, #tpu.memory_space<vmem>>, vector<1x16xf32>,
    %swap3A_888 = arith.constant 8 : i32
    %swap3A_889 = arith.index_cast %swap3A_888 : i32 to index
    %swap3A_890 = arith.constant 112 : index
    %swap3A_891 = tpu.vector_load %arg9[%swap3A_889, %swap3A_890] {strides = array<i32>} : memref<11x128xf32, #tpu.memory_space<vmem>>, vector<1x16xf32>,
    %swap3A_892 = vector.shape_cast %swap3A_891 : vector<1x16xf32> to vector<16xf32>
    %swap3A_893 = vector.shape_cast %broadcast_in_dim3A_30 : vector<16xf32> to vector<1x16xf32>
    tpu.vector_store %arg9[%swap3A_889, %swap3A_890], %swap3A_893 {strides = array<i32>} : memref<11x128xf32, #tpu.memory_space<vmem>>, vector<1x16xf32>,
    %swap3A_894 = arith.constant 9 : i32
    %swap3A_895 = arith.index_cast %swap3A_894 : i32 to index
    %swap3A_896 = arith.constant 0 : index
    %swap3A_897 = tpu.vector_load %arg8[%swap3A_895, %swap3A_896] {strides = array<i32>} : memref<11x128xf32, #tpu.memory_space<vmem>>, vector<1x16xf32>,
    %swap3A_898 = vector.shape_cast %swap3A_897 : vector<1x16xf32> to vector<16xf32>
    %swap3A_899 = vector.shape_cast %scan3A_27#9 : vector<16xf32> to vector<1x16xf32>
    tpu.vector_store %arg8[%swap3A_895, %swap3A_896], %swap3A_899 {strides = array<i32>} : memref<11x128xf32, #tpu.memory_space<vmem>>, vector<1x16xf32>,
    %swap3A_900 = arith.constant 9 : i32
    %swap3A_901 = arith.index_cast %swap3A_900 : i32 to index
    %swap3A_902 = arith.constant 0 : index
    %swap3A_903 = tpu.vector_load %arg9[%swap3A_901, %swap3A_902] {strides = array<i32>} : memref<11x128xf32, #tpu.memory_space<vmem>>, vector<1x16xf32>,
    %swap3A_904 = vector.shape_cast %swap3A_903 : vector<1x16xf32> to vector<16xf32>
    %swap3A_905 = vector.shape_cast %scan3A_27#20 : vector<16xf32> to vector<1x16xf32>
    tpu.vector_store %arg9[%swap3A_901, %swap3A_902], %swap3A_905 {strides = array<i32>} : memref<11x128xf32, #tpu.memory_space<vmem>>, vector<1x16xf32>,
    %swap3A_906 = arith.constant 9 : i32
    %swap3A_907 = arith.index_cast %swap3A_906 : i32 to index
    %swap3A_908 = arith.constant 16 : index
    %swap3A_909 = tpu.vector_load %arg8[%swap3A_907, %swap3A_908] {strides = array<i32>} : memref<11x128xf32, #tpu.memory_space<vmem>>, vector<1x16xf32>,
    %swap3A_910 = vector.shape_cast %swap3A_909 : vector<1x16xf32> to vector<16xf32>
    %swap3A_911 = vector.shape_cast %broadcast_in_dim3A_30 : vector<16xf32> to vector<1x16xf32>
    tpu.vector_store %arg8[%swap3A_907, %swap3A_908], %swap3A_911 {strides = array<i32>} : memref<11x128xf32, #tpu.memory_space<vmem>>, vector<1x16xf32>,
    %swap3A_912 = arith.constant 9 : i32
    %swap3A_913 = arith.index_cast %swap3A_912 : i32 to index
    %swap3A_914 = arith.constant 16 : index
    %swap3A_915 = tpu.vector_load %arg9[%swap3A_913, %swap3A_914] {strides = array<i32>} : memref<11x128xf32, #tpu.memory_space<vmem>>, vector<1x16xf32>,
    %swap3A_916 = vector.shape_cast %swap3A_915 : vector<1x16xf32> to vector<16xf32>
    %swap3A_917 = vector.shape_cast %broadcast_in_dim3A_30 : vector<16xf32> to vector<1x16xf32>
    tpu.vector_store %arg9[%swap3A_913, %swap3A_914], %swap3A_917 {strides = array<i32>} : memref<11x128xf32, #tpu.memory_space<vmem>>, vector<1x16xf32>,
    %swap3A_918 = arith.constant 9 : i32
    %swap3A_919 = arith.index_cast %swap3A_918 : i32 to index
    %swap3A_920 = arith.constant 32 : index
    %swap3A_921 = tpu.vector_load %arg8[%swap3A_919, %swap3A_920] {strides = array<i32>} : memref<11x128xf32, #tpu.memory_space<vmem>>, vector<1x16xf32>,
    %swap3A_922 = vector.shape_cast %swap3A_921 : vector<1x16xf32> to vector<16xf32>
    %swap3A_923 = vector.shape_cast %broadcast_in_dim3A_30 : vector<16xf32> to vector<1x16xf32>
    tpu.vector_store %arg8[%swap3A_919, %swap3A_920], %swap3A_923 {strides = array<i32>} : memref<11x128xf32, #tpu.memory_space<vmem>>, vector<1x16xf32>,
    %swap3A_924 = arith.constant 9 : i32
    %swap3A_925 = arith.index_cast %swap3A_924 : i32 to index
    %swap3A_926 = arith.constant 32 : index
    %swap3A_927 = tpu.vector_load %arg9[%swap3A_925, %swap3A_926] {strides = array<i32>} : memref<11x128xf32, #tpu.memory_space<vmem>>, vector<1x16xf32>,
    %swap3A_928 = vector.shape_cast %swap3A_927 : vector<1x16xf32> to vector<16xf32>
    %swap3A_929 = vector.shape_cast %broadcast_in_dim3A_30 : vector<16xf32> to vector<1x16xf32>
    tpu.vector_store %arg9[%swap3A_925, %swap3A_926], %swap3A_929 {strides = array<i32>} : memref<11x128xf32, #tpu.memory_space<vmem>>, vector<1x16xf32>,
    %swap3A_930 = arith.constant 9 : i32
    %swap3A_931 = arith.index_cast %swap3A_930 : i32 to index
    %swap3A_932 = arith.constant 48 : index
    %swap3A_933 = tpu.vector_load %arg8[%swap3A_931, %swap3A_932] {strides = array<i32>} : memref<11x128xf32, #tpu.memory_space<vmem>>, vector<1x16xf32>,
    %swap3A_934 = vector.shape_cast %swap3A_933 : vector<1x16xf32> to vector<16xf32>
    %swap3A_935 = vector.shape_cast %broadcast_in_dim3A_30 : vector<16xf32> to vector<1x16xf32>
    tpu.vector_store %arg8[%swap3A_931, %swap3A_932], %swap3A_935 {strides = array<i32>} : memref<11x128xf32, #tpu.memory_space<vmem>>, vector<1x16xf32>,
    %swap3A_936 = arith.constant 9 : i32
    %swap3A_937 = arith.index_cast %swap3A_936 : i32 to index
    %swap3A_938 = arith.constant 48 : index
    %swap3A_939 = tpu.vector_load %arg9[%swap3A_937, %swap3A_938] {strides = array<i32>} : memref<11x128xf32, #tpu.memory_space<vmem>>, vector<1x16xf32>,
    %swap3A_940 = vector.shape_cast %swap3A_939 : vector<1x16xf32> to vector<16xf32>
    %swap3A_941 = vector.shape_cast %broadcast_in_dim3A_30 : vector<16xf32> to vector<1x16xf32>
    tpu.vector_store %arg9[%swap3A_937, %swap3A_938], %swap3A_941 {strides = array<i32>} : memref<11x128xf32, #tpu.memory_space<vmem>>, vector<1x16xf32>,
    %swap3A_942 = arith.constant 9 : i32
    %swap3A_943 = arith.index_cast %swap3A_942 : i32 to index
    %swap3A_944 = arith.constant 64 : index
    %swap3A_945 = tpu.vector_load %arg8[%swap3A_943, %swap3A_944] {strides = array<i32>} : memref<11x128xf32, #tpu.memory_space<vmem>>, vector<1x16xf32>,
    %swap3A_946 = vector.shape_cast %swap3A_945 : vector<1x16xf32> to vector<16xf32>
    %swap3A_947 = vector.shape_cast %broadcast_in_dim3A_30 : vector<16xf32> to vector<1x16xf32>
    tpu.vector_store %arg8[%swap3A_943, %swap3A_944], %swap3A_947 {strides = array<i32>} : memref<11x128xf32, #tpu.memory_space<vmem>>, vector<1x16xf32>,
    %swap3A_948 = arith.constant 9 : i32
    %swap3A_949 = arith.index_cast %swap3A_948 : i32 to index
    %swap3A_950 = arith.constant 64 : index
    %swap3A_951 = tpu.vector_load %arg9[%swap3A_949, %swap3A_950] {strides = array<i32>} : memref<11x128xf32, #tpu.memory_space<vmem>>, vector<1x16xf32>,
    %swap3A_952 = vector.shape_cast %swap3A_951 : vector<1x16xf32> to vector<16xf32>
    %swap3A_953 = vector.shape_cast %broadcast_in_dim3A_30 : vector<16xf32> to vector<1x16xf32>
    tpu.vector_store %arg9[%swap3A_949, %swap3A_950], %swap3A_953 {strides = array<i32>} : memref<11x128xf32, #tpu.memory_space<vmem>>, vector<1x16xf32>,
    %swap3A_954 = arith.constant 9 : i32
    %swap3A_955 = arith.index_cast %swap3A_954 : i32 to index
    %swap3A_956 = arith.constant 80 : index
    %swap3A_957 = tpu.vector_load %arg8[%swap3A_955, %swap3A_956] {strides = array<i32>} : memref<11x128xf32, #tpu.memory_space<vmem>>, vector<1x16xf32>,
    %swap3A_958 = vector.shape_cast %swap3A_957 : vector<1x16xf32> to vector<16xf32>
    %swap3A_959 = vector.shape_cast %broadcast_in_dim3A_30 : vector<16xf32> to vector<1x16xf32>
    tpu.vector_store %arg8[%swap3A_955, %swap3A_956], %swap3A_959 {strides = array<i32>} : memref<11x128xf32, #tpu.memory_space<vmem>>, vector<1x16xf32>,
    %swap3A_960 = arith.constant 9 : i32
    %swap3A_961 = arith.index_cast %swap3A_960 : i32 to index
    %swap3A_962 = arith.constant 80 : index
    %swap3A_963 = tpu.vector_load %arg9[%swap3A_961, %swap3A_962] {strides = array<i32>} : memref<11x128xf32, #tpu.memory_space<vmem>>, vector<1x16xf32>,
    %swap3A_964 = vector.shape_cast %swap3A_963 : vector<1x16xf32> to vector<16xf32>
    %swap3A_965 = vector.shape_cast %broadcast_in_dim3A_30 : vector<16xf32> to vector<1x16xf32>
    tpu.vector_store %arg9[%swap3A_961, %swap3A_962], %swap3A_965 {strides = array<i32>} : memref<11x128xf32, #tpu.memory_space<vmem>>, vector<1x16xf32>,
    %swap3A_966 = arith.constant 9 : i32
    %swap3A_967 = arith.index_cast %swap3A_966 : i32 to index
    %swap3A_968 = arith.constant 96 : index
    %swap3A_969 = tpu.vector_load %arg8[%swap3A_967, %swap3A_968] {strides = array<i32>} : memref<11x128xf32, #tpu.memory_space<vmem>>, vector<1x16xf32>,
    %swap3A_970 = vector.shape_cast %swap3A_969 : vector<1x16xf32> to vector<16xf32>
    %swap3A_971 = vector.shape_cast %broadcast_in_dim3A_30 : vector<16xf32> to vector<1x16xf32>
    tpu.vector_store %arg8[%swap3A_967, %swap3A_968], %swap3A_971 {strides = array<i32>} : memref<11x128xf32, #tpu.memory_space<vmem>>, vector<1x16xf32>,
    %swap3A_972 = arith.constant 9 : i32
    %swap3A_973 = arith.index_cast %swap3A_972 : i32 to index
    %swap3A_974 = arith.constant 96 : index
    %swap3A_975 = tpu.vector_load %arg9[%swap3A_973, %swap3A_974] {strides = array<i32>} : memref<11x128xf32, #tpu.memory_space<vmem>>, vector<1x16xf32>,
    %swap3A_976 = vector.shape_cast %swap3A_975 : vector<1x16xf32> to vector<16xf32>
    %swap3A_977 = vector.shape_cast %broadcast_in_dim3A_30 : vector<16xf32> to vector<1x16xf32>
    tpu.vector_store %arg9[%swap3A_973, %swap3A_974], %swap3A_977 {strides = array<i32>} : memref<11x128xf32, #tpu.memory_space<vmem>>, vector<1x16xf32>,
    %swap3A_978 = arith.constant 9 : i32
    %swap3A_979 = arith.index_cast %swap3A_978 : i32 to index
    %swap3A_980 = arith.constant 112 : index
    %swap3A_981 = tpu.vector_load %arg8[%swap3A_979, %swap3A_980] {strides = array<i32>} : memref<11x128xf32, #tpu.memory_space<vmem>>, vector<1x16xf32>,
    %swap3A_982 = vector.shape_cast %swap3A_981 : vector<1x16xf32> to vector<16xf32>
    %swap3A_983 = vector.shape_cast %broadcast_in_dim3A_30 : vector<16xf32> to vector<1x16xf32>
    tpu.vector_store %arg8[%swap3A_979, %swap3A_980], %swap3A_983 {strides = array<i32>} : memref<11x128xf32, #tpu.memory_space<vmem>>, vector<1x16xf32>,
    %swap3A_984 = arith.constant 9 : i32
    %swap3A_985 = arith.index_cast %swap3A_984 : i32 to index
    %swap3A_986 = arith.constant 112 : index
    %swap3A_987 = tpu.vector_load %arg9[%swap3A_985, %swap3A_986] {strides = array<i32>} : memref<11x128xf32, #tpu.memory_space<vmem>>, vector<1x16xf32>,
    %swap3A_988 = vector.shape_cast %swap3A_987 : vector<1x16xf32> to vector<16xf32>
    %swap3A_989 = vector.shape_cast %broadcast_in_dim3A_30 : vector<16xf32> to vector<1x16xf32>
    tpu.vector_store %arg9[%swap3A_985, %swap3A_986], %swap3A_989 {strides = array<i32>} : memref<11x128xf32, #tpu.memory_space<vmem>>, vector<1x16xf32>,
    %swap3A_990 = arith.constant 10 : i32
    %swap3A_991 = arith.index_cast %swap3A_990 : i32 to index
    %swap3A_992 = arith.constant 0 : index
    %swap3A_993 = tpu.vector_load %arg8[%swap3A_991, %swap3A_992] {strides = array<i32>} : memref<11x128xf32, #tpu.memory_space<vmem>>, vector<1x16xf32>,
    %swap3A_994 = vector.shape_cast %swap3A_993 : vector<1x16xf32> to vector<16xf32>
    %swap3A_995 = vector.shape_cast %scan3A_27#10 : vector<16xf32> to vector<1x16xf32>
    tpu.vector_store %arg8[%swap3A_991, %swap3A_992], %swap3A_995 {strides = array<i32>} : memref<11x128xf32, #tpu.memory_space<vmem>>, vector<1x16xf32>,
    %swap3A_996 = arith.constant 10 : i32
    %swap3A_997 = arith.index_cast %swap3A_996 : i32 to index
    %swap3A_998 = arith.constant 0 : index
    %swap3A_999 = tpu.vector_load %arg9[%swap3A_997, %swap3A_998] {strides = array<i32>} : memref<11x128xf32, #tpu.memory_space<vmem>>, vector<1x16xf32>,
    %swap3A_1000 = vector.shape_cast %swap3A_999 : vector<1x16xf32> to vector<16xf32>
    %swap3A_1001 = vector.shape_cast %scan3A_27#21 : vector<16xf32> to vector<1x16xf32>
    tpu.vector_store %arg9[%swap3A_997, %swap3A_998], %swap3A_1001 {strides = array<i32>} : memref<11x128xf32, #tpu.memory_space<vmem>>, vector<1x16xf32>,
    %swap3A_1002 = arith.constant 10 : i32
    %swap3A_1003 = arith.index_cast %swap3A_1002 : i32 to index
    %swap3A_1004 = arith.constant 16 : index
    %swap3A_1005 = tpu.vector_load %arg8[%swap3A_1003, %swap3A_1004] {strides = array<i32>} : memref<11x128xf32, #tpu.memory_space<vmem>>, vector<1x16xf32>,
    %swap3A_1006 = vector.shape_cast %swap3A_1005 : vector<1x16xf32> to vector<16xf32>
    %swap3A_1007 = vector.shape_cast %broadcast_in_dim3A_30 : vector<16xf32> to vector<1x16xf32>
    tpu.vector_store %arg8[%swap3A_1003, %swap3A_1004], %swap3A_1007 {strides = array<i32>} : memref<11x128xf32, #tpu.memory_space<vmem>>, vector<1x16xf32>,
    %swap3A_1008 = arith.constant 10 : i32
    %swap3A_1009 = arith.index_cast %swap3A_1008 : i32 to index
    %swap3A_1010 = arith.constant 16 : index
    %swap3A_1011 = tpu.vector_load %arg9[%swap3A_1009, %swap3A_1010] {strides = array<i32>} : memref<11x128xf32, #tpu.memory_space<vmem>>, vector<1x16xf32>,
    %swap3A_1012 = vector.shape_cast %swap3A_1011 : vector<1x16xf32> to vector<16xf32>
    %swap3A_1013 = vector.shape_cast %broadcast_in_dim3A_30 : vector<16xf32> to vector<1x16xf32>
    tpu.vector_store %arg9[%swap3A_1009, %swap3A_1010], %swap3A_1013 {strides = array<i32>} : memref<11x128xf32, #tpu.memory_space<vmem>>, vector<1x16xf32>,
    %swap3A_1014 = arith.constant 10 : i32
    %swap3A_1015 = arith.index_cast %swap3A_1014 : i32 to index
    %swap3A_1016 = arith.constant 32 : index
    %swap3A_1017 = tpu.vector_load %arg8[%swap3A_1015, %swap3A_1016] {strides = array<i32>} : memref<11x128xf32, #tpu.memory_space<vmem>>, vector<1x16xf32>,
    %swap3A_1018 = vector.shape_cast %swap3A_1017 : vector<1x16xf32> to vector<16xf32>
    %swap3A_1019 = vector.shape_cast %broadcast_in_dim3A_30 : vector<16xf32> to vector<1x16xf32>
    tpu.vector_store %arg8[%swap3A_1015, %swap3A_1016], %swap3A_1019 {strides = array<i32>} : memref<11x128xf32, #tpu.memory_space<vmem>>, vector<1x16xf32>,
    %swap3A_1020 = arith.constant 10 : i32
    %swap3A_1021 = arith.index_cast %swap3A_1020 : i32 to index
    %swap3A_1022 = arith.constant 32 : index
    %swap3A_1023 = tpu.vector_load %arg9[%swap3A_1021, %swap3A_1022] {strides = array<i32>} : memref<11x128xf32, #tpu.memory_space<vmem>>, vector<1x16xf32>,
    %swap3A_1024 = vector.shape_cast %swap3A_1023 : vector<1x16xf32> to vector<16xf32>
    %swap3A_1025 = vector.shape_cast %broadcast_in_dim3A_30 : vector<16xf32> to vector<1x16xf32>
    tpu.vector_store %arg9[%swap3A_1021, %swap3A_1022], %swap3A_1025 {strides = array<i32>} : memref<11x128xf32, #tpu.memory_space<vmem>>, vector<1x16xf32>,
    %swap3A_1026 = arith.constant 10 : i32
    %swap3A_1027 = arith.index_cast %swap3A_1026 : i32 to index
    %swap3A_1028 = arith.constant 48 : index
    %swap3A_1029 = tpu.vector_load %arg8[%swap3A_1027, %swap3A_1028] {strides = array<i32>} : memref<11x128xf32, #tpu.memory_space<vmem>>, vector<1x16xf32>,
    %swap3A_1030 = vector.shape_cast %swap3A_1029 : vector<1x16xf32> to vector<16xf32>
    %swap3A_1031 = vector.shape_cast %broadcast_in_dim3A_30 : vector<16xf32> to vector<1x16xf32>
    tpu.vector_store %arg8[%swap3A_1027, %swap3A_1028], %swap3A_1031 {strides = array<i32>} : memref<11x128xf32, #tpu.memory_space<vmem>>, vector<1x16xf32>,
    %swap3A_1032 = arith.constant 10 : i32
    %swap3A_1033 = arith.index_cast %swap3A_1032 : i32 to index
    %swap3A_1034 = arith.constant 48 : index
    %swap3A_1035 = tpu.vector_load %arg9[%swap3A_1033, %swap3A_1034] {strides = array<i32>} : memref<11x128xf32, #tpu.memory_space<vmem>>, vector<1x16xf32>,
    %swap3A_1036 = vector.shape_cast %swap3A_1035 : vector<1x16xf32> to vector<16xf32>
    %swap3A_1037 = vector.shape_cast %broadcast_in_dim3A_30 : vector<16xf32> to vector<1x16xf32>
    tpu.vector_store %arg9[%swap3A_1033, %swap3A_1034], %swap3A_1037 {strides = array<i32>} : memref<11x128xf32, #tpu.memory_space<vmem>>, vector<1x16xf32>,
    %swap3A_1038 = arith.constant 10 : i32
    %swap3A_1039 = arith.index_cast %swap3A_1038 : i32 to index
    %swap3A_1040 = arith.constant 64 : index
    %swap3A_1041 = tpu.vector_load %arg8[%swap3A_1039, %swap3A_1040] {strides = array<i32>} : memref<11x128xf32, #tpu.memory_space<vmem>>, vector<1x16xf32>,
    %swap3A_1042 = vector.shape_cast %swap3A_1041 : vector<1x16xf32> to vector<16xf32>
    %swap3A_1043 = vector.shape_cast %broadcast_in_dim3A_30 : vector<16xf32> to vector<1x16xf32>
    tpu.vector_store %arg8[%swap3A_1039, %swap3A_1040], %swap3A_1043 {strides = array<i32>} : memref<11x128xf32, #tpu.memory_space<vmem>>, vector<1x16xf32>,
    %swap3A_1044 = arith.constant 10 : i32
    %swap3A_1045 = arith.index_cast %swap3A_1044 : i32 to index
    %swap3A_1046 = arith.constant 64 : index
    %swap3A_1047 = tpu.vector_load %arg9[%swap3A_1045, %swap3A_1046] {strides = array<i32>} : memref<11x128xf32, #tpu.memory_space<vmem>>, vector<1x16xf32>,
    %swap3A_1048 = vector.shape_cast %swap3A_1047 : vector<1x16xf32> to vector<16xf32>
    %swap3A_1049 = vector.shape_cast %broadcast_in_dim3A_30 : vector<16xf32> to vector<1x16xf32>
    tpu.vector_store %arg9[%swap3A_1045, %swap3A_1046], %swap3A_1049 {strides = array<i32>} : memref<11x128xf32, #tpu.memory_space<vmem>>, vector<1x16xf32>,
    %swap3A_1050 = arith.constant 10 : i32
    %swap3A_1051 = arith.index_cast %swap3A_1050 : i32 to index
    %swap3A_1052 = arith.constant 80 : index
    %swap3A_1053 = tpu.vector_load %arg8[%swap3A_1051, %swap3A_1052] {strides = array<i32>} : memref<11x128xf32, #tpu.memory_space<vmem>>, vector<1x16xf32>,
    %swap3A_1054 = vector.shape_cast %swap3A_1053 : vector<1x16xf32> to vector<16xf32>
    %swap3A_1055 = vector.shape_cast %broadcast_in_dim3A_30 : vector<16xf32> to vector<1x16xf32>
    tpu.vector_store %arg8[%swap3A_1051, %swap3A_1052], %swap3A_1055 {strides = array<i32>} : memref<11x128xf32, #tpu.memory_space<vmem>>, vector<1x16xf32>,
    %swap3A_1056 = arith.constant 10 : i32
    %swap3A_1057 = arith.index_cast %swap3A_1056 : i32 to index
    %swap3A_1058 = arith.constant 80 : index
    %swap3A_1059 = tpu.vector_load %arg9[%swap3A_1057, %swap3A_1058] {strides = array<i32>} : memref<11x128xf32, #tpu.memory_space<vmem>>, vector<1x16xf32>,
    %swap3A_1060 = vector.shape_cast %swap3A_1059 : vector<1x16xf32> to vector<16xf32>
    %swap3A_1061 = vector.shape_cast %broadcast_in_dim3A_30 : vector<16xf32> to vector<1x16xf32>
    tpu.vector_store %arg9[%swap3A_1057, %swap3A_1058], %swap3A_1061 {strides = array<i32>} : memref<11x128xf32, #tpu.memory_space<vmem>>, vector<1x16xf32>,
    %swap3A_1062 = arith.constant 10 : i32
    %swap3A_1063 = arith.index_cast %swap3A_1062 : i32 to index
    %swap3A_1064 = arith.constant 96 : index
    %swap3A_1065 = tpu.vector_load %arg8[%swap3A_1063, %swap3A_1064] {strides = array<i32>} : memref<11x128xf32, #tpu.memory_space<vmem>>, vector<1x16xf32>,
    %swap3A_1066 = vector.shape_cast %swap3A_1065 : vector<1x16xf32> to vector<16xf32>
    %swap3A_1067 = vector.shape_cast %broadcast_in_dim3A_30 : vector<16xf32> to vector<1x16xf32>
    tpu.vector_store %arg8[%swap3A_1063, %swap3A_1064], %swap3A_1067 {strides = array<i32>} : memref<11x128xf32, #tpu.memory_space<vmem>>, vector<1x16xf32>,
    %swap3A_1068 = arith.constant 10 : i32
    %swap3A_1069 = arith.index_cast %swap3A_1068 : i32 to index
    %swap3A_1070 = arith.constant 96 : index
    %swap3A_1071 = tpu.vector_load %arg9[%swap3A_1069, %swap3A_1070] {strides = array<i32>} : memref<11x128xf32, #tpu.memory_space<vmem>>, vector<1x16xf32>,
    %swap3A_1072 = vector.shape_cast %swap3A_1071 : vector<1x16xf32> to vector<16xf32>
    %swap3A_1073 = vector.shape_cast %broadcast_in_dim3A_30 : vector<16xf32> to vector<1x16xf32>
    tpu.vector_store %arg9[%swap3A_1069, %swap3A_1070], %swap3A_1073 {strides = array<i32>} : memref<11x128xf32, #tpu.memory_space<vmem>>, vector<1x16xf32>,
    %swap3A_1074 = arith.constant 10 : i32
    %swap3A_1075 = arith.index_cast %swap3A_1074 : i32 to index
    %swap3A_1076 = arith.constant 112 : index
    %swap3A_1077 = tpu.vector_load %arg8[%swap3A_1075, %swap3A_1076] {strides = array<i32>} : memref<11x128xf32, #tpu.memory_space<vmem>>, vector<1x16xf32>,
    %swap3A_1078 = vector.shape_cast %swap3A_1077 : vector<1x16xf32> to vector<16xf32>
    %swap3A_1079 = vector.shape_cast %broadcast_in_dim3A_30 : vector<16xf32> to vector<1x16xf32>
    tpu.vector_store %arg8[%swap3A_1075, %swap3A_1076], %swap3A_1079 {strides = array<i32>} : memref<11x128xf32, #tpu.memory_space<vmem>>, vector<1x16xf32>,
    %swap3A_1080 = arith.constant 10 : i32
    %swap3A_1081 = arith.index_cast %swap3A_1080 : i32 to index
    %swap3A_1082 = arith.constant 112 : index
    %swap3A_1083 = tpu.vector_load %arg9[%swap3A_1081, %swap3A_1082] {strides = array<i32>} : memref<11x128xf32, #tpu.memory_space<vmem>>, vector<1x16xf32>,
    %swap3A_1084 = vector.shape_cast %swap3A_1083 : vector<1x16xf32> to vector<16xf32>
    %swap3A_1085 = vector.shape_cast %broadcast_in_dim3A_30 : vector<16xf32> to vector<1x16xf32>
    tpu.vector_store %arg9[%swap3A_1081, %swap3A_1082], %swap3A_1085 {strides = array<i32>} : memref<11x128xf32, #tpu.memory_space<vmem>>, vector<1x16xf32>,
    %mul3A_1086 = arith.constant 128 : i32
    %mul3A_1087 = arith.muli %add3A, %mul3A_1086 : i32
    "tpu.region"() ({
      %run_scoped3A = tpu.sem_alloc : memref<!tpu.dma_semaphore, #tpu.memory_space<semaphore_mem>>
      %dma_start3A = arith.constant 0 : i32
      %dma_start3A_1090 = tpu.memref_slice %arg4[%dma_start3A, %mul3A_1087] : memref<11x4096xf32, #tpu.memory_space<hbm>> -> memref<11x128xf32, #tpu.memory_space<hbm>>
      %dma_start3A_1091 = arith.constant 0 : i32
      %dma_start3A_1092 = tpu.memref_slice %arg4[%dma_start3A_1091, %mul3A_1087] : memref<11x4096xf32, #tpu.memory_space<hbm>> -> memref<11x128xf32, #tpu.memory_space<hbm>>
      tpu.enqueue_dma source(%arg8 : memref<11x128xf32, #tpu.memory_space<vmem>>) target(%dma_start3A_1092 : memref<11x128xf32, #tpu.memory_space<hbm>>) target_semaphore(%run_scoped3A : memref<!tpu.dma_semaphore, #tpu.memory_space<semaphore_mem>>)
      %dma_wait3A = arith.constant 0 : i32
      %dma_wait3A_1093 = tpu.memref_slice %arg4[%dma_wait3A, %mul3A_1087] : memref<11x4096xf32, #tpu.memory_space<hbm>> -> memref<11x128xf32, #tpu.memory_space<hbm>>
      %dma_wait3A_1094 = arith.constant 0 : i32
      %dma_wait3A_1095 = tpu.memref_slice %arg4[%dma_wait3A_1094, %mul3A_1087] : memref<11x4096xf32, #tpu.memory_space<hbm>> -> memref<11x128xf32, #tpu.memory_space<hbm>>
      tpu.wait_dma2 semaphore(%run_scoped3A : memref<!tpu.dma_semaphore, #tpu.memory_space<semaphore_mem>>) src(%arg8 : memref<11x128xf32, #tpu.memory_space<vmem>>) dst(%dma_wait3A_1095 : memref<11x128xf32, #tpu.memory_space<hbm>>)
      tpu.yield
    }) : () -> ()
    %mul3A_1088 = arith.constant 128 : i32
    %mul3A_1089 = arith.muli %add3A, %mul3A_1088 : i32
    "tpu.region"() ({
      %run_scoped3A = tpu.sem_alloc : memref<!tpu.dma_semaphore, #tpu.memory_space<semaphore_mem>>
      %dma_start3A = arith.constant 0 : i32
      %dma_start3A_1090 = tpu.memref_slice %arg5[%dma_start3A, %mul3A_1089] : memref<11x4096xf32, #tpu.memory_space<hbm>> -> memref<11x128xf32, #tpu.memory_space<hbm>>
      %dma_start3A_1091 = arith.constant 0 : i32
      %dma_start3A_1092 = tpu.memref_slice %arg5[%dma_start3A_1091, %mul3A_1089] : memref<11x4096xf32, #tpu.memory_space<hbm>> -> memref<11x128xf32, #tpu.memory_space<hbm>>
      tpu.enqueue_dma source(%arg9 : memref<11x128xf32, #tpu.memory_space<vmem>>) target(%dma_start3A_1092 : memref<11x128xf32, #tpu.memory_space<hbm>>) target_semaphore(%run_scoped3A : memref<!tpu.dma_semaphore, #tpu.memory_space<semaphore_mem>>)
      %dma_wait3A = arith.constant 0 : i32
      %dma_wait3A_1093 = tpu.memref_slice %arg5[%dma_wait3A, %mul3A_1089] : memref<11x4096xf32, #tpu.memory_space<hbm>> -> memref<11x128xf32, #tpu.memory_space<hbm>>
      %dma_wait3A_1094 = arith.constant 0 : i32
      %dma_wait3A_1095 = tpu.memref_slice %arg5[%dma_wait3A_1094, %mul3A_1089] : memref<11x4096xf32, #tpu.memory_space<hbm>> -> memref<11x128xf32, #tpu.memory_space<hbm>>
      tpu.wait_dma2 semaphore(%run_scoped3A : memref<!tpu.dma_semaphore, #tpu.memory_space<semaphore_mem>>) src(%arg9 : memref<11x128xf32, #tpu.memory_space<vmem>>) dst(%dma_wait3A_1095 : memref<11x128xf32, #tpu.memory_space<hbm>>)
      tpu.yield
    }) : () -> ()
    return
  }
}

module attributes {stable_mosaic.version = 14 : i64} {
  func.func @_logits_kernel(%arg0: i32, %arg1: memref<1x96x8x224xf32, #tpu.memory_space<vmem>>, %arg2: memref<11x96xf32, #tpu.memory_space<vmem>>, %arg3: memref<11x1792xf32, #tpu.memory_space<vmem>>) attributes {dimension_semantics = [#tpu.dimension_semantics<arbitrary>], iteration_bounds = array<i64: 56>, scalar_prefetch = 0 : i64, scratch_operands = 0 : i64, tpu.core_type = #tpu.core_type<tc>, window_params = [{transform_indices = @transform_0, window_bounds = array<i64: 1, 96, 8, 224>}, {pipeline_mode = #tpu.pipeline_mode<synchronous>, transform_indices = @transform_1, window_bounds = array<i64: 11, 96>}, {transform_indices = @transform_2, window_bounds = array<i64: 11, 1792>}]} {
    %get3A = arith.constant 0 : index
    %get3A_0 = arith.constant 0 : index
    %get3A_1 = arith.constant 0 : index
    %get3A_2 = arith.constant 0 : index
    %get3A_3 = vector.load %arg1[%get3A, %get3A_0, %get3A_1, %get3A_2] : memref<1x96x8x224xf32, #tpu.memory_space<vmem>>, vector<1x96x8x224xf32>
    %get3A_4 = vector.shape_cast %get3A_3 : vector<1x96x8x224xf32> to vector<96x8x224xf32>
    %reshape3A = vector.shape_cast %get3A_4 : vector<96x8x224xf32> to vector<96x1792xf32>
    %get3A_5 = arith.constant 0 : index
    %get3A_6 = arith.constant 0 : index
    %get3A_7 = vector.load %arg2[%get3A_5, %get3A_6] : memref<11x96xf32, #tpu.memory_space<vmem>>, vector<11x96xf32>
    %dot_general3A = arith.constant dense<0.000000e+00> : vector<11x1792xf32>
    %dot_general3A_8 = tpu.matmul %get3A_7, %reshape3A, %dot_general3A {dimension_numbers = #tpu.dot_dimension_numbers<[1], [0], [0], [1], [0, 0, 1, 1], [], []>, transpose_lhs_hint = false} : vector<11x96xf32>, vector<96x1792xf32>, vector<11x1792xf32> -> vector<11x1792xf32>
    %swap3A = arith.constant 0 : index
    %swap3A_9 = arith.constant 0 : index
    %swap3A_10 = vector.load %arg3[%swap3A, %swap3A_9] : memref<11x1792xf32, #tpu.memory_space<vmem>>, vector<11x1792xf32>
    tpu.vector_store %arg3[%swap3A, %swap3A_9], %dot_general3A_8 {strides = array<i32>} : memref<11x1792xf32, #tpu.memory_space<vmem>>, vector<11x1792xf32>,
    return
  }
  func.func @transform_0(%arg0: i32) -> (i32, i32, i32, i32) {
    %jit3A = arith.constant 28 : i32
    %div3A = arith.divsi %arg0, %jit3A : i32
    %sign3A = arith.constant 0 : i32
    %sign3A_0 = arith.cmpi sgt, %arg0, %sign3A : i32
    %sign3A_1 = arith.extui %sign3A_0 : i1 to i32
    %sign3A_2 = arith.constant 0 : i32
    %sign3A_3 = arith.cmpi slt, %arg0, %sign3A_2 : i32
    %sign3A_4 = arith.extui %sign3A_3 : i1 to i32
    %sign3A_5 = arith.subi %sign3A_1, %sign3A_4 : i32
    %sign3A_6 = arith.constant 0 : i32
    %sign3A_7 = arith.cmpi sgt, %jit3A, %sign3A_6 : i32
    %sign3A_8 = arith.extui %sign3A_7 : i1 to i32
    %sign3A_9 = arith.constant 0 : i32
    %sign3A_10 = arith.cmpi slt, %jit3A, %sign3A_9 : i32
    %sign3A_11 = arith.extui %sign3A_10 : i1 to i32
    %sign3A_12 = arith.subi %sign3A_8, %sign3A_11 : i32
    %ne3A = arith.cmpi ne, %sign3A_5, %sign3A_12 : i32
    %rem3A = arith.remsi %arg0, %jit3A : i32
    %ne3A_13 = arith.constant 0 : i32
    %ne3A_14 = arith.cmpi ne, %rem3A, %ne3A_13 : i32
    %and3A = arith.andi %ne3A, %ne3A_14 : i1
    %sub3A = arith.constant 1 : i32
    %sub3A_15 = arith.subi %div3A, %sub3A : i32
    %select_n3A = arith.select %and3A, %sub3A_15, %div3A : i32
    %jit3A_16 = arith.constant 28 : i32
    %eq3A = arith.constant 0 : i32
    %eq3A_17 = arith.cmpi eq, %jit3A_16, %eq3A : i32
    %jit3A_18 = arith.constant 1 : i32
    %select_n3A_19 = arith.select %eq3A_17, %jit3A_18, %jit3A_16 : i32
    %rem3A_20 = arith.remsi %arg0, %select_n3A_19 : i32
    %ne3A_21 = arith.constant 0 : i32
    %ne3A_22 = arith.cmpi ne, %rem3A_20, %ne3A_21 : i32
    %lt3A = arith.constant 0 : i32
    %lt3A_23 = arith.cmpi slt, %rem3A_20, %lt3A : i32
    %lt3A_24 = arith.constant 0 : i32
    %lt3A_25 = arith.cmpi slt, %select_n3A_19, %lt3A_24 : i32
    %ne3A_26 = arith.xori %lt3A_23, %lt3A_25 : i1
    %and3A_27 = arith.andi %ne3A_26, %ne3A_22 : i1
    %add3A = arith.addi %rem3A_20, %select_n3A_19 : i32
    %select_n3A_28 = arith.select %and3A_27, %add3A, %rem3A_20 : i32
    %c0_i32 = arith.constant 0 : i32
    %c0_i32_29 = arith.constant 0 : i32
    %c0_i32_30 = arith.constant 0 : i32
    return %select_n3A, %c0_i32, %select_n3A_28, %c0_i32_29 : i32, i32, i32, i32
  }
  func.func @transform_1(%arg0: i32) -> (i32, i32) {
    %c0_i32 = arith.constant 0 : i32
    %c0_i32_0 = arith.constant 0 : i32
    %c0_i32_1 = arith.constant 0 : i32
    return %c0_i32, %c0_i32_0 : i32, i32
  }
  func.func @transform_2(%arg0: i32) -> (i32, i32) {
    %c0_i32 = arith.constant 0 : i32
    %c0_i32_0 = arith.constant 0 : i32
    return %c0_i32, %arg0 : i32, i32
  }
}

module attributes {stable_mosaic.version = 14 : i64} {
  func.func @_expert_kernel(%arg0: i32, %arg1: memref<1x96x8x224xf32, #tpu.memory_space<vmem>>, %arg2: memref<11x1792xf32, #tpu.memory_space<vmem>>, %arg3: memref<11x384x96xbf16, #tpu.memory_space<vmem>>, %arg4: memref<11x96x384xbf16, #tpu.memory_space<vmem>>, %arg5: memref<11x4096xf32, #tpu.memory_space<vmem>>, %arg6: memref<11x4096xf32, #tpu.memory_space<vmem>>, %arg7: memref<1x96x8x224xf32, #tpu.memory_space<vmem>>, %arg8: memref<1x1xf32, #tpu.memory_space<vmem>>) attributes {dimension_semantics = [#tpu.dimension_semantics<arbitrary>], iteration_bounds = array<i64: 56>, scalar_prefetch = 0 : i64, scratch_operands = 0 : i64, tpu.core_type = #tpu.core_type<tc>, window_params = [{transform_indices = @transform_0, window_bounds = array<i64: 1, 96, 8, 224>}, {transform_indices = @transform_1, window_bounds = array<i64: 11, 1792>}, {pipeline_mode = #tpu.pipeline_mode<synchronous>, transform_indices = @transform_2, window_bounds = array<i64: 11, 384, 96>}, {pipeline_mode = #tpu.pipeline_mode<synchronous>, transform_indices = @transform_3, window_bounds = array<i64: 11, 96, 384>}, {pipeline_mode = #tpu.pipeline_mode<synchronous>, transform_indices = @transform_4, window_bounds = array<i64: 11, 4096>}, {pipeline_mode = #tpu.pipeline_mode<synchronous>, transform_indices = @transform_5, window_bounds = array<i64: 11, 4096>}, {transform_indices = @transform_6, window_bounds = array<i64: 1, 96, 8, 224>}, {pipeline_mode = #tpu.pipeline_mode<synchronous>, transform_indices = @transform_7, window_bounds = array<i64: 1, 1>}]} {
    %get3A = arith.constant 0 : index
    %get3A_0 = arith.constant 0 : index
    %get3A_1 = arith.constant 0 : index
    %get3A_2 = arith.constant 0 : index
    %get3A_3 = vector.load %arg1[%get3A, %get3A_0, %get3A_1, %get3A_2] : memref<1x96x8x224xf32, #tpu.memory_space<vmem>>, vector<1x96x8x224xf32>
    %get3A_4 = vector.shape_cast %get3A_3 : vector<1x96x8x224xf32> to vector<96x8x224xf32>
    %reshape3A = vector.shape_cast %get3A_4 : vector<96x8x224xf32> to vector<96x1792xf32>
    %get3A_5 = arith.constant 0 : index
    %get3A_6 = arith.constant 0 : index
    %get3A_7 = vector.load %arg2[%get3A_5, %get3A_6] : memref<11x1792xf32, #tpu.memory_space<vmem>>, vector<11x1792xf32>
    %convert_element_type3A = arith.truncf %reshape3A : vector<96x1792xf32> to vector<96x1792xbf16>
    %get3A_8 = arith.constant 0 : index
    %get3A_9 = arith.constant 0 : index
    %get3A_10 = arith.constant 0 : index
    %get3A_11 = vector.load %arg3[%get3A_8, %get3A_9, %get3A_10] : memref<11x384x96xbf16, #tpu.memory_space<vmem>>, vector<1x384x96xbf16>
    %get3A_12 = vector.shape_cast %get3A_11 : vector<1x384x96xbf16> to vector<384x96xbf16>
    %dot_general3A = arith.constant dense<0.000000e+00> : vector<384x1792xf32>
    %dot_general3A_13 = tpu.matmul %get3A_12, %convert_element_type3A, %dot_general3A {dimension_numbers = #tpu.dot_dimension_numbers<[1], [0], [0], [1], [0, 0, 1, 1], [], []>, transpose_lhs_hint = false} : vector<384x96xbf16>, vector<96x1792xbf16>, vector<384x1792xf32> -> vector<384x1792xf32>
    %convert_element_type3A_14 = arith.truncf %dot_general3A_13 : vector<384x1792xf32> to vector<384x1792xbf16>
    %mul3A = arith.constant 5.000000e-01 : bf16
    %mul3A_15 = vector.broadcast %mul3A : bf16 to vector<384x1792xbf16>
    %mul3A_16 = arith.mulf %convert_element_type3A_14, %mul3A_15 : vector<384x1792xbf16>
    %mul3A_17 = arith.constant 7.070310e-01 : bf16
    %mul3A_18 = vector.broadcast %mul3A_17 : bf16 to vector<384x1792xbf16>
    %mul3A_19 = arith.mulf %convert_element_type3A_14, %mul3A_18 : vector<384x1792xbf16>
    %erf3A = math.erf %mul3A_19 : vector<384x1792xbf16>
    %mul3A_20 = arith.mulf %mul3A_16, %erf3A : vector<384x1792xbf16>
    %add3A = arith.addf %mul3A_16, %mul3A_20 : vector<384x1792xbf16>
    %get3A_21 = arith.constant 0 : index
    %get3A_22 = arith.constant 0 : index
    %get3A_23 = arith.constant 0 : index
    %get3A_24 = vector.load %arg4[%get3A_21, %get3A_22, %get3A_23] : memref<11x96x384xbf16, #tpu.memory_space<vmem>>, vector<1x96x384xbf16>
    %get3A_25 = vector.shape_cast %get3A_24 : vector<1x96x384xbf16> to vector<96x384xbf16>
    %dot_general3A_26 = arith.constant dense<0.000000e+00> : vector<96x1792xf32>
    %dot_general3A_27 = tpu.matmul %get3A_25, %add3A, %dot_general3A_26 {dimension_numbers = #tpu.dot_dimension_numbers<[1], [0], [0], [1], [0, 0, 1, 1], [], []>, transpose_lhs_hint = false} : vector<96x384xbf16>, vector<384x1792xbf16>, vector<96x1792xf32> -> vector<96x1792xf32>
    %slice3A = vector.extract_strided_slice %get3A_7 {offsets = [0, 0], sizes = [1, 1792], strides = [1, 1]} : vector<11x1792xf32> to vector<1x1792xf32>
    %mul3A_28 = vector.broadcast %slice3A : vector<1x1792xf32> to vector<96x1792xf32>
    %mul3A_29 = arith.mulf %mul3A_28, %dot_general3A_27 : vector<96x1792xf32>
    %add3A_30 = arith.addf %reshape3A, %mul3A_29 : vector<96x1792xf32>
    %get3A_31 = arith.constant 1 : index
    %get3A_32 = arith.constant 0 : index
    %get3A_33 = arith.constant 0 : index
    %get3A_34 = vector.load %arg3[%get3A_31, %get3A_32, %get3A_33] : memref<11x384x96xbf16, #tpu.memory_space<vmem>>, vector<1x384x96xbf16>
    %get3A_35 = vector.shape_cast %get3A_34 : vector<1x384x96xbf16> to vector<384x96xbf16>
    %dot_general3A_36 = arith.constant dense<0.000000e+00> : vector<384x1792xf32>
    %dot_general3A_37 = tpu.matmul %get3A_35, %convert_element_type3A, %dot_general3A_36 {dimension_numbers = #tpu.dot_dimension_numbers<[1], [0], [0], [1], [0, 0, 1, 1], [], []>, transpose_lhs_hint = false} : vector<384x96xbf16>, vector<96x1792xbf16>, vector<384x1792xf32> -> vector<384x1792xf32>
    %convert_element_type3A_38 = arith.truncf %dot_general3A_37 : vector<384x1792xf32> to vector<384x1792xbf16>
    %mul3A_39 = arith.constant 5.000000e-01 : bf16
    %mul3A_40 = vector.broadcast %mul3A_39 : bf16 to vector<384x1792xbf16>
    %mul3A_41 = arith.mulf %convert_element_type3A_38, %mul3A_40 : vector<384x1792xbf16>
    %mul3A_42 = arith.constant 7.070310e-01 : bf16
    %mul3A_43 = vector.broadcast %mul3A_42 : bf16 to vector<384x1792xbf16>
    %mul3A_44 = arith.mulf %convert_element_type3A_38, %mul3A_43 : vector<384x1792xbf16>
    %erf3A_45 = math.erf %mul3A_44 : vector<384x1792xbf16>
    %mul3A_46 = arith.mulf %mul3A_41, %erf3A_45 : vector<384x1792xbf16>
    %add3A_47 = arith.addf %mul3A_41, %mul3A_46 : vector<384x1792xbf16>
    %get3A_48 = arith.constant 1 : index
    %get3A_49 = arith.constant 0 : index
    %get3A_50 = arith.constant 0 : index
    %get3A_51 = vector.load %arg4[%get3A_48, %get3A_49, %get3A_50] : memref<11x96x384xbf16, #tpu.memory_space<vmem>>, vector<1x96x384xbf16>
    %get3A_52 = vector.shape_cast %get3A_51 : vector<1x96x384xbf16> to vector<96x384xbf16>
    %dot_general3A_53 = arith.constant dense<0.000000e+00> : vector<96x1792xf32>
    %dot_general3A_54 = tpu.matmul %get3A_52, %add3A_47, %dot_general3A_53 {dimension_numbers = #tpu.dot_dimension_numbers<[1], [0], [0], [1], [0, 0, 1, 1], [], []>, transpose_lhs_hint = false} : vector<96x384xbf16>, vector<384x1792xbf16>, vector<96x1792xf32> -> vector<96x1792xf32>
    %slice3A_55 = vector.extract_strided_slice %get3A_7 {offsets = [1, 0], sizes = [1, 1792], strides = [1, 1]} : vector<11x1792xf32> to vector<1x1792xf32>
    %mul3A_56 = vector.broadcast %slice3A_55 : vector<1x1792xf32> to vector<96x1792xf32>
    %mul3A_57 = arith.mulf %mul3A_56, %dot_general3A_54 : vector<96x1792xf32>
    %add3A_58 = arith.addf %add3A_30, %mul3A_57 : vector<96x1792xf32>
    %get3A_59 = arith.constant 2 : index
    %get3A_60 = arith.constant 0 : index
    %get3A_61 = arith.constant 0 : index
    %get3A_62 = vector.load %arg3[%get3A_59, %get3A_60, %get3A_61] : memref<11x384x96xbf16, #tpu.memory_space<vmem>>, vector<1x384x96xbf16>
    %get3A_63 = vector.shape_cast %get3A_62 : vector<1x384x96xbf16> to vector<384x96xbf16>
    %dot_general3A_64 = arith.constant dense<0.000000e+00> : vector<384x1792xf32>
    %dot_general3A_65 = tpu.matmul %get3A_63, %convert_element_type3A, %dot_general3A_64 {dimension_numbers = #tpu.dot_dimension_numbers<[1], [0], [0], [1], [0, 0, 1, 1], [], []>, transpose_lhs_hint = false} : vector<384x96xbf16>, vector<96x1792xbf16>, vector<384x1792xf32> -> vector<384x1792xf32>
    %convert_element_type3A_66 = arith.truncf %dot_general3A_65 : vector<384x1792xf32> to vector<384x1792xbf16>
    %mul3A_67 = arith.constant 5.000000e-01 : bf16
    %mul3A_68 = vector.broadcast %mul3A_67 : bf16 to vector<384x1792xbf16>
    %mul3A_69 = arith.mulf %convert_element_type3A_66, %mul3A_68 : vector<384x1792xbf16>
    %mul3A_70 = arith.constant 7.070310e-01 : bf16
    %mul3A_71 = vector.broadcast %mul3A_70 : bf16 to vector<384x1792xbf16>
    %mul3A_72 = arith.mulf %convert_element_type3A_66, %mul3A_71 : vector<384x1792xbf16>
    %erf3A_73 = math.erf %mul3A_72 : vector<384x1792xbf16>
    %mul3A_74 = arith.mulf %mul3A_69, %erf3A_73 : vector<384x1792xbf16>
    %add3A_75 = arith.addf %mul3A_69, %mul3A_74 : vector<384x1792xbf16>
    %get3A_76 = arith.constant 2 : index
    %get3A_77 = arith.constant 0 : index
    %get3A_78 = arith.constant 0 : index
    %get3A_79 = vector.load %arg4[%get3A_76, %get3A_77, %get3A_78] : memref<11x96x384xbf16, #tpu.memory_space<vmem>>, vector<1x96x384xbf16>
    %get3A_80 = vector.shape_cast %get3A_79 : vector<1x96x384xbf16> to vector<96x384xbf16>
    %dot_general3A_81 = arith.constant dense<0.000000e+00> : vector<96x1792xf32>
    %dot_general3A_82 = tpu.matmul %get3A_80, %add3A_75, %dot_general3A_81 {dimension_numbers = #tpu.dot_dimension_numbers<[1], [0], [0], [1], [0, 0, 1, 1], [], []>, transpose_lhs_hint = false} : vector<96x384xbf16>, vector<384x1792xbf16>, vector<96x1792xf32> -> vector<96x1792xf32>
    %slice3A_83 = vector.extract_strided_slice %get3A_7 {offsets = [2, 0], sizes = [1, 1792], strides = [1, 1]} : vector<11x1792xf32> to vector<1x1792xf32>
    %mul3A_84 = vector.broadcast %slice3A_83 : vector<1x1792xf32> to vector<96x1792xf32>
    %mul3A_85 = arith.mulf %mul3A_84, %dot_general3A_82 : vector<96x1792xf32>
    %add3A_86 = arith.addf %add3A_58, %mul3A_85 : vector<96x1792xf32>
    %get3A_87 = arith.constant 3 : index
    %get3A_88 = arith.constant 0 : index
    %get3A_89 = arith.constant 0 : index
    %get3A_90 = vector.load %arg3[%get3A_87, %get3A_88, %get3A_89] : memref<11x384x96xbf16, #tpu.memory_space<vmem>>, vector<1x384x96xbf16>
    %get3A_91 = vector.shape_cast %get3A_90 : vector<1x384x96xbf16> to vector<384x96xbf16>
    %dot_general3A_92 = arith.constant dense<0.000000e+00> : vector<384x1792xf32>
    %dot_general3A_93 = tpu.matmul %get3A_91, %convert_element_type3A, %dot_general3A_92 {dimension_numbers = #tpu.dot_dimension_numbers<[1], [0], [0], [1], [0, 0, 1, 1], [], []>, transpose_lhs_hint = false} : vector<384x96xbf16>, vector<96x1792xbf16>, vector<384x1792xf32> -> vector<384x1792xf32>
    %convert_element_type3A_94 = arith.truncf %dot_general3A_93 : vector<384x1792xf32> to vector<384x1792xbf16>
    %mul3A_95 = arith.constant 5.000000e-01 : bf16
    %mul3A_96 = vector.broadcast %mul3A_95 : bf16 to vector<384x1792xbf16>
    %mul3A_97 = arith.mulf %convert_element_type3A_94, %mul3A_96 : vector<384x1792xbf16>
    %mul3A_98 = arith.constant 7.070310e-01 : bf16
    %mul3A_99 = vector.broadcast %mul3A_98 : bf16 to vector<384x1792xbf16>
    %mul3A_100 = arith.mulf %convert_element_type3A_94, %mul3A_99 : vector<384x1792xbf16>
    %erf3A_101 = math.erf %mul3A_100 : vector<384x1792xbf16>
    %mul3A_102 = arith.mulf %mul3A_97, %erf3A_101 : vector<384x1792xbf16>
    %add3A_103 = arith.addf %mul3A_97, %mul3A_102 : vector<384x1792xbf16>
    %get3A_104 = arith.constant 3 : index
    %get3A_105 = arith.constant 0 : index
    %get3A_106 = arith.constant 0 : index
    %get3A_107 = vector.load %arg4[%get3A_104, %get3A_105, %get3A_106] : memref<11x96x384xbf16, #tpu.memory_space<vmem>>, vector<1x96x384xbf16>
    %get3A_108 = vector.shape_cast %get3A_107 : vector<1x96x384xbf16> to vector<96x384xbf16>
    %dot_general3A_109 = arith.constant dense<0.000000e+00> : vector<96x1792xf32>
    %dot_general3A_110 = tpu.matmul %get3A_108, %add3A_103, %dot_general3A_109 {dimension_numbers = #tpu.dot_dimension_numbers<[1], [0], [0], [1], [0, 0, 1, 1], [], []>, transpose_lhs_hint = false} : vector<96x384xbf16>, vector<384x1792xbf16>, vector<96x1792xf32> -> vector<96x1792xf32>
    %slice3A_111 = vector.extract_strided_slice %get3A_7 {offsets = [3, 0], sizes = [1, 1792], strides = [1, 1]} : vector<11x1792xf32> to vector<1x1792xf32>
    %mul3A_112 = vector.broadcast %slice3A_111 : vector<1x1792xf32> to vector<96x1792xf32>
    %mul3A_113 = arith.mulf %mul3A_112, %dot_general3A_110 : vector<96x1792xf32>
    %add3A_114 = arith.addf %add3A_86, %mul3A_113 : vector<96x1792xf32>
    %get3A_115 = arith.constant 4 : index
    %get3A_116 = arith.constant 0 : index
    %get3A_117 = arith.constant 0 : index
    %get3A_118 = vector.load %arg3[%get3A_115, %get3A_116, %get3A_117] : memref<11x384x96xbf16, #tpu.memory_space<vmem>>, vector<1x384x96xbf16>
    %get3A_119 = vector.shape_cast %get3A_118 : vector<1x384x96xbf16> to vector<384x96xbf16>
    %dot_general3A_120 = arith.constant dense<0.000000e+00> : vector<384x1792xf32>
    %dot_general3A_121 = tpu.matmul %get3A_119, %convert_element_type3A, %dot_general3A_120 {dimension_numbers = #tpu.dot_dimension_numbers<[1], [0], [0], [1], [0, 0, 1, 1], [], []>, transpose_lhs_hint = false} : vector<384x96xbf16>, vector<96x1792xbf16>, vector<384x1792xf32> -> vector<384x1792xf32>
    %convert_element_type3A_122 = arith.truncf %dot_general3A_121 : vector<384x1792xf32> to vector<384x1792xbf16>
    %mul3A_123 = arith.constant 5.000000e-01 : bf16
    %mul3A_124 = vector.broadcast %mul3A_123 : bf16 to vector<384x1792xbf16>
    %mul3A_125 = arith.mulf %convert_element_type3A_122, %mul3A_124 : vector<384x1792xbf16>
    %mul3A_126 = arith.constant 7.070310e-01 : bf16
    %mul3A_127 = vector.broadcast %mul3A_126 : bf16 to vector<384x1792xbf16>
    %mul3A_128 = arith.mulf %convert_element_type3A_122, %mul3A_127 : vector<384x1792xbf16>
    %erf3A_129 = math.erf %mul3A_128 : vector<384x1792xbf16>
    %mul3A_130 = arith.mulf %mul3A_125, %erf3A_129 : vector<384x1792xbf16>
    %add3A_131 = arith.addf %mul3A_125, %mul3A_130 : vector<384x1792xbf16>
    %get3A_132 = arith.constant 4 : index
    %get3A_133 = arith.constant 0 : index
    %get3A_134 = arith.constant 0 : index
    %get3A_135 = vector.load %arg4[%get3A_132, %get3A_133, %get3A_134] : memref<11x96x384xbf16, #tpu.memory_space<vmem>>, vector<1x96x384xbf16>
    %get3A_136 = vector.shape_cast %get3A_135 : vector<1x96x384xbf16> to vector<96x384xbf16>
    %dot_general3A_137 = arith.constant dense<0.000000e+00> : vector<96x1792xf32>
    %dot_general3A_138 = tpu.matmul %get3A_136, %add3A_131, %dot_general3A_137 {dimension_numbers = #tpu.dot_dimension_numbers<[1], [0], [0], [1], [0, 0, 1, 1], [], []>, transpose_lhs_hint = false} : vector<96x384xbf16>, vector<384x1792xbf16>, vector<96x1792xf32> -> vector<96x1792xf32>
    %slice3A_139 = vector.extract_strided_slice %get3A_7 {offsets = [4, 0], sizes = [1, 1792], strides = [1, 1]} : vector<11x1792xf32> to vector<1x1792xf32>
    %mul3A_140 = vector.broadcast %slice3A_139 : vector<1x1792xf32> to vector<96x1792xf32>
    %mul3A_141 = arith.mulf %mul3A_140, %dot_general3A_138 : vector<96x1792xf32>
    %add3A_142 = arith.addf %add3A_114, %mul3A_141 : vector<96x1792xf32>
    %get3A_143 = arith.constant 5 : index
    %get3A_144 = arith.constant 0 : index
    %get3A_145 = arith.constant 0 : index
    %get3A_146 = vector.load %arg3[%get3A_143, %get3A_144, %get3A_145] : memref<11x384x96xbf16, #tpu.memory_space<vmem>>, vector<1x384x96xbf16>
    %get3A_147 = vector.shape_cast %get3A_146 : vector<1x384x96xbf16> to vector<384x96xbf16>
    %dot_general3A_148 = arith.constant dense<0.000000e+00> : vector<384x1792xf32>
    %dot_general3A_149 = tpu.matmul %get3A_147, %convert_element_type3A, %dot_general3A_148 {dimension_numbers = #tpu.dot_dimension_numbers<[1], [0], [0], [1], [0, 0, 1, 1], [], []>, transpose_lhs_hint = false} : vector<384x96xbf16>, vector<96x1792xbf16>, vector<384x1792xf32> -> vector<384x1792xf32>
    %convert_element_type3A_150 = arith.truncf %dot_general3A_149 : vector<384x1792xf32> to vector<384x1792xbf16>
    %mul3A_151 = arith.constant 5.000000e-01 : bf16
    %mul3A_152 = vector.broadcast %mul3A_151 : bf16 to vector<384x1792xbf16>
    %mul3A_153 = arith.mulf %convert_element_type3A_150, %mul3A_152 : vector<384x1792xbf16>
    %mul3A_154 = arith.constant 7.070310e-01 : bf16
    %mul3A_155 = vector.broadcast %mul3A_154 : bf16 to vector<384x1792xbf16>
    %mul3A_156 = arith.mulf %convert_element_type3A_150, %mul3A_155 : vector<384x1792xbf16>
    %erf3A_157 = math.erf %mul3A_156 : vector<384x1792xbf16>
    %mul3A_158 = arith.mulf %mul3A_153, %erf3A_157 : vector<384x1792xbf16>
    %add3A_159 = arith.addf %mul3A_153, %mul3A_158 : vector<384x1792xbf16>
    %get3A_160 = arith.constant 5 : index
    %get3A_161 = arith.constant 0 : index
    %get3A_162 = arith.constant 0 : index
    %get3A_163 = vector.load %arg4[%get3A_160, %get3A_161, %get3A_162] : memref<11x96x384xbf16, #tpu.memory_space<vmem>>, vector<1x96x384xbf16>
    %get3A_164 = vector.shape_cast %get3A_163 : vector<1x96x384xbf16> to vector<96x384xbf16>
    %dot_general3A_165 = arith.constant dense<0.000000e+00> : vector<96x1792xf32>
    %dot_general3A_166 = tpu.matmul %get3A_164, %add3A_159, %dot_general3A_165 {dimension_numbers = #tpu.dot_dimension_numbers<[1], [0], [0], [1], [0, 0, 1, 1], [], []>, transpose_lhs_hint = false} : vector<96x384xbf16>, vector<384x1792xbf16>, vector<96x1792xf32> -> vector<96x1792xf32>
    %slice3A_167 = vector.extract_strided_slice %get3A_7 {offsets = [5, 0], sizes = [1, 1792], strides = [1, 1]} : vector<11x1792xf32> to vector<1x1792xf32>
    %mul3A_168 = vector.broadcast %slice3A_167 : vector<1x1792xf32> to vector<96x1792xf32>
    %mul3A_169 = arith.mulf %mul3A_168, %dot_general3A_166 : vector<96x1792xf32>
    %add3A_170 = arith.addf %add3A_142, %mul3A_169 : vector<96x1792xf32>
    %get3A_171 = arith.constant 6 : index
    %get3A_172 = arith.constant 0 : index
    %get3A_173 = arith.constant 0 : index
    %get3A_174 = vector.load %arg3[%get3A_171, %get3A_172, %get3A_173] : memref<11x384x96xbf16, #tpu.memory_space<vmem>>, vector<1x384x96xbf16>
    %get3A_175 = vector.shape_cast %get3A_174 : vector<1x384x96xbf16> to vector<384x96xbf16>
    %dot_general3A_176 = arith.constant dense<0.000000e+00> : vector<384x1792xf32>
    %dot_general3A_177 = tpu.matmul %get3A_175, %convert_element_type3A, %dot_general3A_176 {dimension_numbers = #tpu.dot_dimension_numbers<[1], [0], [0], [1], [0, 0, 1, 1], [], []>, transpose_lhs_hint = false} : vector<384x96xbf16>, vector<96x1792xbf16>, vector<384x1792xf32> -> vector<384x1792xf32>
    %convert_element_type3A_178 = arith.truncf %dot_general3A_177 : vector<384x1792xf32> to vector<384x1792xbf16>
    %mul3A_179 = arith.constant 5.000000e-01 : bf16
    %mul3A_180 = vector.broadcast %mul3A_179 : bf16 to vector<384x1792xbf16>
    %mul3A_181 = arith.mulf %convert_element_type3A_178, %mul3A_180 : vector<384x1792xbf16>
    %mul3A_182 = arith.constant 7.070310e-01 : bf16
    %mul3A_183 = vector.broadcast %mul3A_182 : bf16 to vector<384x1792xbf16>
    %mul3A_184 = arith.mulf %convert_element_type3A_178, %mul3A_183 : vector<384x1792xbf16>
    %erf3A_185 = math.erf %mul3A_184 : vector<384x1792xbf16>
    %mul3A_186 = arith.mulf %mul3A_181, %erf3A_185 : vector<384x1792xbf16>
    %add3A_187 = arith.addf %mul3A_181, %mul3A_186 : vector<384x1792xbf16>
    %get3A_188 = arith.constant 6 : index
    %get3A_189 = arith.constant 0 : index
    %get3A_190 = arith.constant 0 : index
    %get3A_191 = vector.load %arg4[%get3A_188, %get3A_189, %get3A_190] : memref<11x96x384xbf16, #tpu.memory_space<vmem>>, vector<1x96x384xbf16>
    %get3A_192 = vector.shape_cast %get3A_191 : vector<1x96x384xbf16> to vector<96x384xbf16>
    %dot_general3A_193 = arith.constant dense<0.000000e+00> : vector<96x1792xf32>
    %dot_general3A_194 = tpu.matmul %get3A_192, %add3A_187, %dot_general3A_193 {dimension_numbers = #tpu.dot_dimension_numbers<[1], [0], [0], [1], [0, 0, 1, 1], [], []>, transpose_lhs_hint = false} : vector<96x384xbf16>, vector<384x1792xbf16>, vector<96x1792xf32> -> vector<96x1792xf32>
    %slice3A_195 = vector.extract_strided_slice %get3A_7 {offsets = [6, 0], sizes = [1, 1792], strides = [1, 1]} : vector<11x1792xf32> to vector<1x1792xf32>
    %mul3A_196 = vector.broadcast %slice3A_195 : vector<1x1792xf32> to vector<96x1792xf32>
    %mul3A_197 = arith.mulf %mul3A_196, %dot_general3A_194 : vector<96x1792xf32>
    %add3A_198 = arith.addf %add3A_170, %mul3A_197 : vector<96x1792xf32>
    %get3A_199 = arith.constant 7 : index
    %get3A_200 = arith.constant 0 : index
    %get3A_201 = arith.constant 0 : index
    %get3A_202 = vector.load %arg3[%get3A_199, %get3A_200, %get3A_201] : memref<11x384x96xbf16, #tpu.memory_space<vmem>>, vector<1x384x96xbf16>
    %get3A_203 = vector.shape_cast %get3A_202 : vector<1x384x96xbf16> to vector<384x96xbf16>
    %dot_general3A_204 = arith.constant dense<0.000000e+00> : vector<384x1792xf32>
    %dot_general3A_205 = tpu.matmul %get3A_203, %convert_element_type3A, %dot_general3A_204 {dimension_numbers = #tpu.dot_dimension_numbers<[1], [0], [0], [1], [0, 0, 1, 1], [], []>, transpose_lhs_hint = false} : vector<384x96xbf16>, vector<96x1792xbf16>, vector<384x1792xf32> -> vector<384x1792xf32>
    %convert_element_type3A_206 = arith.truncf %dot_general3A_205 : vector<384x1792xf32> to vector<384x1792xbf16>
    %mul3A_207 = arith.constant 5.000000e-01 : bf16
    %mul3A_208 = vector.broadcast %mul3A_207 : bf16 to vector<384x1792xbf16>
    %mul3A_209 = arith.mulf %convert_element_type3A_206, %mul3A_208 : vector<384x1792xbf16>
    %mul3A_210 = arith.constant 7.070310e-01 : bf16
    %mul3A_211 = vector.broadcast %mul3A_210 : bf16 to vector<384x1792xbf16>
    %mul3A_212 = arith.mulf %convert_element_type3A_206, %mul3A_211 : vector<384x1792xbf16>
    %erf3A_213 = math.erf %mul3A_212 : vector<384x1792xbf16>
    %mul3A_214 = arith.mulf %mul3A_209, %erf3A_213 : vector<384x1792xbf16>
    %add3A_215 = arith.addf %mul3A_209, %mul3A_214 : vector<384x1792xbf16>
    %get3A_216 = arith.constant 7 : index
    %get3A_217 = arith.constant 0 : index
    %get3A_218 = arith.constant 0 : index
    %get3A_219 = vector.load %arg4[%get3A_216, %get3A_217, %get3A_218] : memref<11x96x384xbf16, #tpu.memory_space<vmem>>, vector<1x96x384xbf16>
    %get3A_220 = vector.shape_cast %get3A_219 : vector<1x96x384xbf16> to vector<96x384xbf16>
    %dot_general3A_221 = arith.constant dense<0.000000e+00> : vector<96x1792xf32>
    %dot_general3A_222 = tpu.matmul %get3A_220, %add3A_215, %dot_general3A_221 {dimension_numbers = #tpu.dot_dimension_numbers<[1], [0], [0], [1], [0, 0, 1, 1], [], []>, transpose_lhs_hint = false} : vector<96x384xbf16>, vector<384x1792xbf16>, vector<96x1792xf32> -> vector<96x1792xf32>
    %slice3A_223 = vector.extract_strided_slice %get3A_7 {offsets = [7, 0], sizes = [1, 1792], strides = [1, 1]} : vector<11x1792xf32> to vector<1x1792xf32>
    %mul3A_224 = vector.broadcast %slice3A_223 : vector<1x1792xf32> to vector<96x1792xf32>
    %mul3A_225 = arith.mulf %mul3A_224, %dot_general3A_222 : vector<96x1792xf32>
    %add3A_226 = arith.addf %add3A_198, %mul3A_225 : vector<96x1792xf32>
    %get3A_227 = arith.constant 8 : index
    %get3A_228 = arith.constant 0 : index
    %get3A_229 = arith.constant 0 : index
    %get3A_230 = vector.load %arg3[%get3A_227, %get3A_228, %get3A_229] : memref<11x384x96xbf16, #tpu.memory_space<vmem>>, vector<1x384x96xbf16>
    %get3A_231 = vector.shape_cast %get3A_230 : vector<1x384x96xbf16> to vector<384x96xbf16>
    %dot_general3A_232 = arith.constant dense<0.000000e+00> : vector<384x1792xf32>
    %dot_general3A_233 = tpu.matmul %get3A_231, %convert_element_type3A, %dot_general3A_232 {dimension_numbers = #tpu.dot_dimension_numbers<[1], [0], [0], [1], [0, 0, 1, 1], [], []>, transpose_lhs_hint = false} : vector<384x96xbf16>, vector<96x1792xbf16>, vector<384x1792xf32> -> vector<384x1792xf32>
    %convert_element_type3A_234 = arith.truncf %dot_general3A_233 : vector<384x1792xf32> to vector<384x1792xbf16>
    %mul3A_235 = arith.constant 5.000000e-01 : bf16
    %mul3A_236 = vector.broadcast %mul3A_235 : bf16 to vector<384x1792xbf16>
    %mul3A_237 = arith.mulf %convert_element_type3A_234, %mul3A_236 : vector<384x1792xbf16>
    %mul3A_238 = arith.constant 7.070310e-01 : bf16
    %mul3A_239 = vector.broadcast %mul3A_238 : bf16 to vector<384x1792xbf16>
    %mul3A_240 = arith.mulf %convert_element_type3A_234, %mul3A_239 : vector<384x1792xbf16>
    %erf3A_241 = math.erf %mul3A_240 : vector<384x1792xbf16>
    %mul3A_242 = arith.mulf %mul3A_237, %erf3A_241 : vector<384x1792xbf16>
    %add3A_243 = arith.addf %mul3A_237, %mul3A_242 : vector<384x1792xbf16>
    %get3A_244 = arith.constant 8 : index
    %get3A_245 = arith.constant 0 : index
    %get3A_246 = arith.constant 0 : index
    %get3A_247 = vector.load %arg4[%get3A_244, %get3A_245, %get3A_246] : memref<11x96x384xbf16, #tpu.memory_space<vmem>>, vector<1x96x384xbf16>
    %get3A_248 = vector.shape_cast %get3A_247 : vector<1x96x384xbf16> to vector<96x384xbf16>
    %dot_general3A_249 = arith.constant dense<0.000000e+00> : vector<96x1792xf32>
    %dot_general3A_250 = tpu.matmul %get3A_248, %add3A_243, %dot_general3A_249 {dimension_numbers = #tpu.dot_dimension_numbers<[1], [0], [0], [1], [0, 0, 1, 1], [], []>, transpose_lhs_hint = false} : vector<96x384xbf16>, vector<384x1792xbf16>, vector<96x1792xf32> -> vector<96x1792xf32>
    %slice3A_251 = vector.extract_strided_slice %get3A_7 {offsets = [8, 0], sizes = [1, 1792], strides = [1, 1]} : vector<11x1792xf32> to vector<1x1792xf32>
    %mul3A_252 = vector.broadcast %slice3A_251 : vector<1x1792xf32> to vector<96x1792xf32>
    %mul3A_253 = arith.mulf %mul3A_252, %dot_general3A_250 : vector<96x1792xf32>
    %add3A_254 = arith.addf %add3A_226, %mul3A_253 : vector<96x1792xf32>
    %get3A_255 = arith.constant 9 : index
    %get3A_256 = arith.constant 0 : index
    %get3A_257 = arith.constant 0 : index
    %get3A_258 = vector.load %arg3[%get3A_255, %get3A_256, %get3A_257] : memref<11x384x96xbf16, #tpu.memory_space<vmem>>, vector<1x384x96xbf16>
    %get3A_259 = vector.shape_cast %get3A_258 : vector<1x384x96xbf16> to vector<384x96xbf16>
    %dot_general3A_260 = arith.constant dense<0.000000e+00> : vector<384x1792xf32>
    %dot_general3A_261 = tpu.matmul %get3A_259, %convert_element_type3A, %dot_general3A_260 {dimension_numbers = #tpu.dot_dimension_numbers<[1], [0], [0], [1], [0, 0, 1, 1], [], []>, transpose_lhs_hint = false} : vector<384x96xbf16>, vector<96x1792xbf16>, vector<384x1792xf32> -> vector<384x1792xf32>
    %convert_element_type3A_262 = arith.truncf %dot_general3A_261 : vector<384x1792xf32> to vector<384x1792xbf16>
    %mul3A_263 = arith.constant 5.000000e-01 : bf16
    %mul3A_264 = vector.broadcast %mul3A_263 : bf16 to vector<384x1792xbf16>
    %mul3A_265 = arith.mulf %convert_element_type3A_262, %mul3A_264 : vector<384x1792xbf16>
    %mul3A_266 = arith.constant 7.070310e-01 : bf16
    %mul3A_267 = vector.broadcast %mul3A_266 : bf16 to vector<384x1792xbf16>
    %mul3A_268 = arith.mulf %convert_element_type3A_262, %mul3A_267 : vector<384x1792xbf16>
    %erf3A_269 = math.erf %mul3A_268 : vector<384x1792xbf16>
    %mul3A_270 = arith.mulf %mul3A_265, %erf3A_269 : vector<384x1792xbf16>
    %add3A_271 = arith.addf %mul3A_265, %mul3A_270 : vector<384x1792xbf16>
    %get3A_272 = arith.constant 9 : index
    %get3A_273 = arith.constant 0 : index
    %get3A_274 = arith.constant 0 : index
    %get3A_275 = vector.load %arg4[%get3A_272, %get3A_273, %get3A_274] : memref<11x96x384xbf16, #tpu.memory_space<vmem>>, vector<1x96x384xbf16>
    %get3A_276 = vector.shape_cast %get3A_275 : vector<1x96x384xbf16> to vector<96x384xbf16>
    %dot_general3A_277 = arith.constant dense<0.000000e+00> : vector<96x1792xf32>
    %dot_general3A_278 = tpu.matmul %get3A_276, %add3A_271, %dot_general3A_277 {dimension_numbers = #tpu.dot_dimension_numbers<[1], [0], [0], [1], [0, 0, 1, 1], [], []>, transpose_lhs_hint = false} : vector<96x384xbf16>, vector<384x1792xbf16>, vector<96x1792xf32> -> vector<96x1792xf32>
    %slice3A_279 = vector.extract_strided_slice %get3A_7 {offsets = [9, 0], sizes = [1, 1792], strides = [1, 1]} : vector<11x1792xf32> to vector<1x1792xf32>
    %mul3A_280 = vector.broadcast %slice3A_279 : vector<1x1792xf32> to vector<96x1792xf32>
    %mul3A_281 = arith.mulf %mul3A_280, %dot_general3A_278 : vector<96x1792xf32>
    %add3A_282 = arith.addf %add3A_254, %mul3A_281 : vector<96x1792xf32>
    %get3A_283 = arith.constant 10 : index
    %get3A_284 = arith.constant 0 : index
    %get3A_285 = arith.constant 0 : index
    %get3A_286 = vector.load %arg3[%get3A_283, %get3A_284, %get3A_285] : memref<11x384x96xbf16, #tpu.memory_space<vmem>>, vector<1x384x96xbf16>
    %get3A_287 = vector.shape_cast %get3A_286 : vector<1x384x96xbf16> to vector<384x96xbf16>
    %dot_general3A_288 = arith.constant dense<0.000000e+00> : vector<384x1792xf32>
    %dot_general3A_289 = tpu.matmul %get3A_287, %convert_element_type3A, %dot_general3A_288 {dimension_numbers = #tpu.dot_dimension_numbers<[1], [0], [0], [1], [0, 0, 1, 1], [], []>, transpose_lhs_hint = false} : vector<384x96xbf16>, vector<96x1792xbf16>, vector<384x1792xf32> -> vector<384x1792xf32>
    %convert_element_type3A_290 = arith.truncf %dot_general3A_289 : vector<384x1792xf32> to vector<384x1792xbf16>
    %mul3A_291 = arith.constant 5.000000e-01 : bf16
    %mul3A_292 = vector.broadcast %mul3A_291 : bf16 to vector<384x1792xbf16>
    %mul3A_293 = arith.mulf %convert_element_type3A_290, %mul3A_292 : vector<384x1792xbf16>
    %mul3A_294 = arith.constant 7.070310e-01 : bf16
    %mul3A_295 = vector.broadcast %mul3A_294 : bf16 to vector<384x1792xbf16>
    %mul3A_296 = arith.mulf %convert_element_type3A_290, %mul3A_295 : vector<384x1792xbf16>
    %erf3A_297 = math.erf %mul3A_296 : vector<384x1792xbf16>
    %mul3A_298 = arith.mulf %mul3A_293, %erf3A_297 : vector<384x1792xbf16>
    %add3A_299 = arith.addf %mul3A_293, %mul3A_298 : vector<384x1792xbf16>
    %get3A_300 = arith.constant 10 : index
    %get3A_301 = arith.constant 0 : index
    %get3A_302 = arith.constant 0 : index
    %get3A_303 = vector.load %arg4[%get3A_300, %get3A_301, %get3A_302] : memref<11x96x384xbf16, #tpu.memory_space<vmem>>, vector<1x96x384xbf16>
    %get3A_304 = vector.shape_cast %get3A_303 : vector<1x96x384xbf16> to vector<96x384xbf16>
    %dot_general3A_305 = arith.constant dense<0.000000e+00> : vector<96x1792xf32>
    %dot_general3A_306 = tpu.matmul %get3A_304, %add3A_299, %dot_general3A_305 {dimension_numbers = #tpu.dot_dimension_numbers<[1], [0], [0], [1], [0, 0, 1, 1], [], []>, transpose_lhs_hint = false} : vector<96x384xbf16>, vector<384x1792xbf16>, vector<96x1792xf32> -> vector<96x1792xf32>
    %slice3A_307 = vector.extract_strided_slice %get3A_7 {offsets = [10, 0], sizes = [1, 1792], strides = [1, 1]} : vector<11x1792xf32> to vector<1x1792xf32>
    %mul3A_308 = vector.broadcast %slice3A_307 : vector<1x1792xf32> to vector<96x1792xf32>
    %mul3A_309 = arith.mulf %mul3A_308, %dot_general3A_306 : vector<96x1792xf32>
    %add3A_310 = arith.addf %add3A_282, %mul3A_309 : vector<96x1792xf32>
    %reshape3A_311 = vector.shape_cast %add3A_310 : vector<96x1792xf32> to vector<96x8x224xf32>
    %swap3A = arith.constant 0 : index
    %swap3A_312 = arith.constant 0 : index
    %swap3A_313 = arith.constant 0 : index
    %swap3A_314 = arith.constant 0 : index
    %swap3A_315 = vector.load %arg7[%swap3A, %swap3A_312, %swap3A_313, %swap3A_314] : memref<1x96x8x224xf32, #tpu.memory_space<vmem>>, vector<1x96x8x224xf32>
    %swap3A_316 = vector.shape_cast %swap3A_315 : vector<1x96x8x224xf32> to vector<96x8x224xf32>
    %swap3A_317 = vector.shape_cast %reshape3A_311 : vector<96x8x224xf32> to vector<1x96x8x224xf32>
    tpu.vector_store %arg7[%swap3A, %swap3A_312, %swap3A_313, %swap3A_314], %swap3A_317 {strides = array<i32>} : memref<1x96x8x224xf32, #tpu.memory_space<vmem>>, vector<1x96x8x224xf32>,
    %eq3A = arith.constant 55 : i32
    %eq3A_318 = arith.cmpi eq, %arg0, %eq3A : i32
    %convert_element_type3A_319 = arith.extui %eq3A_318 : i1 to i32
    %cond3A = arith.constant 0 : i32
    %cond3A_320 = arith.cmpi ne, %convert_element_type3A_319, %cond3A : i32
    scf.if %cond3A_320 {
      %get3A_321 = arith.constant 0 : index
      %get3A_322 = arith.constant 0 : index
      %get3A_323 = vector.load %arg5[%get3A_321, %get3A_322] : memref<11x4096xf32, #tpu.memory_space<vmem>>, vector<11x4096xf32>
      %reduce_sum3A = arith.constant dense<0.000000e+00> : vector<11xf32>
      %reduce_sum3A_324 = vector.multi_reduction <add>, %get3A_323, %reduce_sum3A [1] : vector<11x4096xf32> to vector<11xf32>
      %broadcast_in_dim3A = vector.shape_cast %reduce_sum3A_324 : vector<11xf32> to vector<11x1xf32>
      %mul3A_325 = arith.constant 9.96492326E-6 : f32
      %mul3A_326 = vector.broadcast %mul3A_325 : f32 to vector<11x1xf32>
      %mul3A_327 = arith.mulf %broadcast_in_dim3A, %mul3A_326 : vector<11x1xf32>
      %get3A_328 = arith.constant 0 : index
      %get3A_329 = arith.constant 0 : index
      %get3A_330 = vector.load %arg6[%get3A_328, %get3A_329] : memref<11x4096xf32, #tpu.memory_space<vmem>>, vector<11x4096xf32>
      %reduce_sum3A_331 = arith.constant dense<0.000000e+00> : vector<11xf32>
      %reduce_sum3A_332 = vector.multi_reduction <add>, %get3A_330, %reduce_sum3A_331 [1] : vector<11x4096xf32> to vector<11xf32>
      %broadcast_in_dim3A_333 = vector.shape_cast %reduce_sum3A_332 : vector<11xf32> to vector<11x1xf32>
      %mul3A_334 = arith.constant 9.96492326E-6 : f32
      %mul3A_335 = vector.broadcast %mul3A_334 : f32 to vector<11x1xf32>
      %mul3A_336 = arith.mulf %broadcast_in_dim3A_333, %mul3A_335 : vector<11x1xf32>
      %mul3A_337 = arith.mulf %mul3A_327, %mul3A_336 : vector<11x1xf32>
      %reduce_sum3A_338 = vector.shape_cast %mul3A_337 : vector<11x1xf32> to vector<1x11x1xf32>
      %reduce_sum3A_339 = arith.constant dense<0.000000e+00> : vector<1xf32>
      %reduce_sum3A_340 = vector.multi_reduction <add>, %reduce_sum3A_338, %reduce_sum3A_339 [1, 2] : vector<1x11x1xf32> to vector<1xf32>
      %reduce_sum3A_341 = vector.shape_cast %reduce_sum3A_340 : vector<1xf32> to vector<1x1x1xf32>
      %reduce_sum3A_342 = vector.extract %reduce_sum3A_341[0, 0, 0] : f32 from vector<1x1x1xf32>
      %broadcast_in_dim3A_343 = vector.broadcast %reduce_sum3A_342 : f32 to vector<1x1xf32>
      %mul3A_344 = arith.constant 1.100000e+01 : f32
      %mul3A_345 = vector.broadcast %mul3A_344 : f32 to vector<1x1xf32>
      %mul3A_346 = arith.mulf %mul3A_345, %broadcast_in_dim3A_343 : vector<1x1xf32>
      %swap3A_347 = arith.constant 0 : index
      %swap3A_348 = arith.constant 0 : index
      %swap3A_349 = vector.load %arg8[%swap3A_347, %swap3A_348] : memref<1x1xf32, #tpu.memory_space<vmem>>, vector<1x1xf32>
      tpu.vector_store %arg8[%swap3A_347, %swap3A_348], %mul3A_346 {strides = array<i32>} : memref<1x1xf32, #tpu.memory_space<vmem>>, vector<1x1xf32>,
    } else {
    }
    return
  }
  func.func @transform_0(%arg0: i32) -> (i32, i32, i32, i32) {
    %jit3A = arith.constant 28 : i32
    %div3A = arith.divsi %arg0, %jit3A : i32
    %sign3A = arith.constant 0 : i32
    %sign3A_0 = arith.cmpi sgt, %arg0, %sign3A : i32
    %sign3A_1 = arith.extui %sign3A_0 : i1 to i32
    %sign3A_2 = arith.constant 0 : i32
    %sign3A_3 = arith.cmpi slt, %arg0, %sign3A_2 : i32
    %sign3A_4 = arith.extui %sign3A_3 : i1 to i32
    %sign3A_5 = arith.subi %sign3A_1, %sign3A_4 : i32
    %sign3A_6 = arith.constant 0 : i32
    %sign3A_7 = arith.cmpi sgt, %jit3A, %sign3A_6 : i32
    %sign3A_8 = arith.extui %sign3A_7 : i1 to i32
    %sign3A_9 = arith.constant 0 : i32
    %sign3A_10 = arith.cmpi slt, %jit3A, %sign3A_9 : i32
    %sign3A_11 = arith.extui %sign3A_10 : i1 to i32
    %sign3A_12 = arith.subi %sign3A_8, %sign3A_11 : i32
    %ne3A = arith.cmpi ne, %sign3A_5, %sign3A_12 : i32
    %rem3A = arith.remsi %arg0, %jit3A : i32
    %ne3A_13 = arith.constant 0 : i32
    %ne3A_14 = arith.cmpi ne, %rem3A, %ne3A_13 : i32
    %and3A = arith.andi %ne3A, %ne3A_14 : i1
    %sub3A = arith.constant 1 : i32
    %sub3A_15 = arith.subi %div3A, %sub3A : i32
    %select_n3A = arith.select %and3A, %sub3A_15, %div3A : i32
    %jit3A_16 = arith.constant 28 : i32
    %eq3A = arith.constant 0 : i32
    %eq3A_17 = arith.cmpi eq, %jit3A_16, %eq3A : i32
    %jit3A_18 = arith.constant 1 : i32
    %select_n3A_19 = arith.select %eq3A_17, %jit3A_18, %jit3A_16 : i32
    %rem3A_20 = arith.remsi %arg0, %select_n3A_19 : i32
    %ne3A_21 = arith.constant 0 : i32
    %ne3A_22 = arith.cmpi ne, %rem3A_20, %ne3A_21 : i32
    %lt3A = arith.constant 0 : i32
    %lt3A_23 = arith.cmpi slt, %rem3A_20, %lt3A : i32
    %lt3A_24 = arith.constant 0 : i32
    %lt3A_25 = arith.cmpi slt, %select_n3A_19, %lt3A_24 : i32
    %ne3A_26 = arith.xori %lt3A_23, %lt3A_25 : i1
    %and3A_27 = arith.andi %ne3A_26, %ne3A_22 : i1
    %add3A = arith.addi %rem3A_20, %select_n3A_19 : i32
    %select_n3A_28 = arith.select %and3A_27, %add3A, %rem3A_20 : i32
    %c0_i32 = arith.constant 0 : i32
    %c0_i32_29 = arith.constant 0 : i32
    %c0_i32_30 = arith.constant 0 : i32
    return %select_n3A, %c0_i32, %select_n3A_28, %c0_i32_29 : i32, i32, i32, i32
  }
  func.func @transform_1(%arg0: i32) -> (i32, i32) {
    %c0_i32 = arith.constant 0 : i32
    %c0_i32_0 = arith.constant 0 : i32
    return %c0_i32, %arg0 : i32, i32
  }
  func.func @transform_2(%arg0: i32) -> (i32, i32, i32) {
    %c0_i32 = arith.constant 0 : i32
    %c0_i32_0 = arith.constant 0 : i32
    %c0_i32_1 = arith.constant 0 : i32
    %c0_i32_2 = arith.constant 0 : i32
    return %c0_i32, %c0_i32_0, %c0_i32_1 : i32, i32, i32
  }
  func.func @transform_3(%arg0: i32) -> (i32, i32, i32) {
    %c0_i32 = arith.constant 0 : i32
    %c0_i32_0 = arith.constant 0 : i32
    %c0_i32_1 = arith.constant 0 : i32
    %c0_i32_2 = arith.constant 0 : i32
    return %c0_i32, %c0_i32_0, %c0_i32_1 : i32, i32, i32
  }
  func.func @transform_4(%arg0: i32) -> (i32, i32) {
    %c0_i32 = arith.constant 0 : i32
    %c0_i32_0 = arith.constant 0 : i32
    %c0_i32_1 = arith.constant 0 : i32
    return %c0_i32, %c0_i32_0 : i32, i32
  }
  func.func @transform_5(%arg0: i32) -> (i32, i32) {
    %c0_i32 = arith.constant 0 : i32
    %c0_i32_0 = arith.constant 0 : i32
    %c0_i32_1 = arith.constant 0 : i32
    return %c0_i32, %c0_i32_0 : i32, i32
  }
  func.func @transform_6(%arg0: i32) -> (i32, i32, i32, i32) {
    %jit3A = arith.constant 28 : i32
    %div3A = arith.divsi %arg0, %jit3A : i32
    %sign3A = arith.constant 0 : i32
    %sign3A_0 = arith.cmpi sgt, %arg0, %sign3A : i32
    %sign3A_1 = arith.extui %sign3A_0 : i1 to i32
    %sign3A_2 = arith.constant 0 : i32
    %sign3A_3 = arith.cmpi slt, %arg0, %sign3A_2 : i32
    %sign3A_4 = arith.extui %sign3A_3 : i1 to i32
    %sign3A_5 = arith.subi %sign3A_1, %sign3A_4 : i32
    %sign3A_6 = arith.constant 0 : i32
    %sign3A_7 = arith.cmpi sgt, %jit3A, %sign3A_6 : i32
    %sign3A_8 = arith.extui %sign3A_7 : i1 to i32
    %sign3A_9 = arith.constant 0 : i32
    %sign3A_10 = arith.cmpi slt, %jit3A, %sign3A_9 : i32
    %sign3A_11 = arith.extui %sign3A_10 : i1 to i32
    %sign3A_12 = arith.subi %sign3A_8, %sign3A_11 : i32
    %ne3A = arith.cmpi ne, %sign3A_5, %sign3A_12 : i32
    %rem3A = arith.remsi %arg0, %jit3A : i32
    %ne3A_13 = arith.constant 0 : i32
    %ne3A_14 = arith.cmpi ne, %rem3A, %ne3A_13 : i32
    %and3A = arith.andi %ne3A, %ne3A_14 : i1
    %sub3A = arith.constant 1 : i32
    %sub3A_15 = arith.subi %div3A, %sub3A : i32
    %select_n3A = arith.select %and3A, %sub3A_15, %div3A : i32
    %jit3A_16 = arith.constant 28 : i32
    %eq3A = arith.constant 0 : i32
    %eq3A_17 = arith.cmpi eq, %jit3A_16, %eq3A : i32
    %jit3A_18 = arith.constant 1 : i32
    %select_n3A_19 = arith.select %eq3A_17, %jit3A_18, %jit3A_16 : i32
    %rem3A_20 = arith.remsi %arg0, %select_n3A_19 : i32
    %ne3A_21 = arith.constant 0 : i32
    %ne3A_22 = arith.cmpi ne, %rem3A_20, %ne3A_21 : i32
    %lt3A = arith.constant 0 : i32
    %lt3A_23 = arith.cmpi slt, %rem3A_20, %lt3A : i32
    %lt3A_24 = arith.constant 0 : i32
    %lt3A_25 = arith.cmpi slt, %select_n3A_19, %lt3A_24 : i32
    %ne3A_26 = arith.xori %lt3A_23, %lt3A_25 : i1
    %and3A_27 = arith.andi %ne3A_26, %ne3A_22 : i1
    %add3A = arith.addi %rem3A_20, %select_n3A_19 : i32
    %select_n3A_28 = arith.select %and3A_27, %add3A, %rem3A_20 : i32
    %c0_i32 = arith.constant 0 : i32
    %c0_i32_29 = arith.constant 0 : i32
    %c0_i32_30 = arith.constant 0 : i32
    return %select_n3A, %c0_i32, %select_n3A_28, %c0_i32_29 : i32, i32, i32, i32
  }
  func.func @transform_7(%arg0: i32) -> (i32, i32) {
    %c0_i32 = arith.constant 0 : i32
    %c0_i32_0 = arith.constant 0 : i32
    %c0_i32_1 = arith.constant 0 : i32
    return %c0_i32, %c0_i32_0 : i32, i32
  }
}

</mosaic_0001>

<sc_bundles>
// kernel: kernel.5.cloned.1.call-start
scs
__scs_entry_jumppad:
0x0: {  	(pc) =	sbr.rel $0x88, $3  }
0x1: {  	(tag) =	ssettag $0x0;
	lr =	simm.s32 $0x1  }
0x2: {  	[smem:$0x3F9D] =	sst lr;
	_ =	strace $0xD0000000  }
0x3: {  	_ = 	snop  }
0x4: {  	_ = 	snop  }
0x5: {  	_ = 	snop  }
0x6: {  	_ = 	snop  }
0x7: {  	_ = 	snop  }
__scs_overlays_trampoline_lowered:
0x8: {  	[smem:$0x3FAC] =	sst s0  }
0x9: {  	[smem:$0x3FAD] =	sst s1  }
0xa: {  	[smem:$0x3FAE] =	sst s2  }
0xb: {  	[smem:$0x3FAF] =	sst s3  }
0xc: {  	[smem:$0x3FB0] =	sst s4  }
0xd: {  	[smem:$0x3FB1] =	sst s5  }
0xe: {  	[smem:$0x3FB2] =	sst s6  }
0xf: {  	[smem:$0x3FB3] =	sst s7  }
0x10: {  	[smem:$0x3FB4] =	sst s8  }
0x11: {  	[smem:$0x3FB5] =	sst s9;
	s0 =	simm.s32 @!p0 $0x0  }
0x12: {  	s1 =	sld [smem:$0x3F9B];
	s0 =	simm.s32 @p0 $0x1  }
0x13: {  	[smem:$0x3FB6] =	sst s0;
	s0 =	simm.s32 @!p1 $0x0  }
0x14: {  	s2 =	sld [smem:$0x3F9A];
	s0 =	simm.s32 @p1 $0x1  }
0x15: {  	[smem:$0x3FB7] =	sst s0;
	s0 =	simm.s32 @!p2 $0x0  }
0x16: {  	s3 =	sld [smem:$0x3FDB];
	s0 =	simm.s32 @p2 $0x1  }
0x17: {  	s4 =	simm.s32 $0x1BF5;
	[smem:$0x3FB9] =	sst s0  }
0x18: {  	s0 =	sld [smem:$0x3F9C];
	_ =	swait.ge [sflag:s4], $0x0  }
0x19: {  	s7 =	sld [smem:$0x3F9D]  }
0x1a: {  	s8 =	sadd.s32 $0xFFFFE003, lr  }
0x1b: {  	s9 =	sadd.s32 $0xFFFFFEF7, lr;
	s5 =	simm.s32 $0xFFFFFFFF;
	p2 =	slt.u32 s8, $0xFFFFF086  }
0x1c: {  	p1 =	slt.u32 s9, $0xF7A;
	s5 =	simm.s32 @!p2 $0x0  }
0x1d: {  	s5 =	simm.s32 @p1 $0x1;
	p0 =	seq.s32 s7, s2  }
0x1e: {  	s7 =	smul.u32 @!p0 $0xF7A, s2;
	p2 =	seq.s32 @!p0 s5, $0x0  }
0x1f: {  	s9 =	smul.u32 $0xF7A, s1;
	s8 =	simm.s32 @!p0 $0x1BF5;
	p2 =	por !p2, p0  }
0x20: {  	[sflag:s8] =	ssyncset.s32 @!p0 $0xFFFFF086;
	s6 =	sadd.s32 @!p0 s3, s7;
	s7 =	simm.s32 @!p0 $0x108  }
0x21: {  	s3 =	sadd.s32 s3, s9;
	s6 =	sadd.s32 @!p0 $0x88, s6;
	s7 =	simm.s32 @p2 $0x1082  }
0x22: {  	[simem:s7], [sflag:s8] =	dma.local @!p0 [hbm:s6], $0xF7A  }
0x23: {  	s9 =	sor.u32 $0xD0000000, s2;
	s6 =	simm.s32 $0x108;
	_ =	swait.ge @!p0 [sflag:s8], $0x0  }
0x24: {  	s3 =	sadd.s32 $0x88, s3;
	s6 =	simm.s32 @!p1 $0x1082;
	[sflag:s4] =	ssyncset.s32 $0xFFFFF086  }
0x25: {  	[simem:s6], [sflag:s4] =	dma.local [hbm:s3], $0xF7A  }
0x26: {  	[smem:$0x3F9D] =	sst s1;
	(tag) =	ssettag s2;
	_ =	strace s9  }
0x27: {  	s1 =	sld [smem:$0x3FAD]  }
0x28: {  	s2 =	sld [smem:$0x3FAE]  }
0x29: {  	s4 =	sld [smem:$0x3FB0]  }
0x2a: {  	p0 =	seq.s32 s5, $0x0;
	s5 =	sld [smem:$0x3FB1]  }
0x2b: {  	s6 =	sld [smem:$0x3FB2]  }
0x2c: {  	s7 =	sld [smem:$0x3FB3]  }
0x2d: {  	s3 =	simm.s32 $0x108;
	s8 =	sld [smem:$0x3FB4]  }
0x2e: {  	s3 =	simm.s32 @!p0 $0x1082;
	s9 =	sld [smem:$0x3FB5]  }
0x2f: {  	lr =	sadd.s32 s0, s3;
	s0 =	sld [smem:$0x3FAC]  }
0x30: {  	s3 =	sld [smem:$0x3FAF]  }
0x31: {  	[smem:$0x3FB8] =	sst s10  }
0x32: {  	s10 =	sld [smem:$0x3FB6];
	_ =	sdelay $0x3  }
0x33: {  	p0 =	seq.s32 s10, $0x1;
	s10 =	sld [smem:$0x3FB8];
	_ =	sdelay $0x3  }
0x34: {  	[smem:$0x3FB8] =	sst s10  }
0x35: {  	s10 =	sld [smem:$0x3FB7];
	_ =	sdelay $0x3  }
0x36: {  	p1 =	seq.s32 s10, $0x1;
	s10 =	sld [smem:$0x3FB8];
	_ =	sdelay $0x3  }
0x37: {  	[smem:$0x3FB8] =	sst s10  }
0x38: {  	s10 =	sld [smem:$0x3FB9]  }
0x39: {  	_ = 	snop;
	(pc) =	sbr.ind lr, $3  }
0x3a: {  	_ = 	snop  }
0x3b: {  	_ = 	snop  }
0x3c: {  	p2 =	seq.s32 s10, $0x1;
	s10 =	sld [smem:$0x3FB8]  }
0x3d: {  	_ =	shalt  }
0x3e: {  	_ =	shalt  }
0x3f: {  	_ =	shalt  }
0x40: {  	_ =	shalt  }
0x41: {  	_ =	shalt  }
0x42: {  	_ =	shalt  }
0x43: {  	_ =	shalt  }
0x44: {  	_ =	shalt  }
0x45: {  	_ =	shalt  }
0x46: {  	_ =	shalt  }
0x47: {  	_ =	shalt  }
0x48: {  	_ =	shalt  }
0x49: {  	_ =	shalt  }
0x4a: {  	_ =	shalt  }
0x4b: {  	_ =	shalt  }
0x4c: {  	_ =	shalt  }
0x4d: {  	_ =	shalt  }
0x4e: {  	_ =	shalt  }
0x4f: {  	_ =	shalt  }
0x50: {  	_ =	shalt  }
0x51: {  	_ =	shalt  }
0x52: {  	_ =	shalt  }
0x53: {  	_ =	shalt  }
0x54: {  	_ =	shalt  }
0x55: {  	_ =	shalt  }
0x56: {  	_ =	shalt  }
0x57: {  	_ =	shalt  }
0x58: {  	_ =	shalt  }
0x59: {  	_ =	shalt  }
0x5a: {  	_ =	shalt  }
0x5b: {  	_ =	shalt  }
0x5c: {  	_ =	shalt  }
0x5d: {  	_ =	shalt  }
0x5e: {  	_ =	shalt  }
0x5f: {  	_ =	shalt  }
0x60: {  	_ =	shalt  }
0x61: {  	_ =	shalt  }
0x62: {  	_ =	shalt  }
0x63: {  	_ =	shalt  }
0x64: {  	_ =	shalt  }
0x65: {  	_ =	shalt  }
0x66: {  	_ =	shalt  }
0x67: {  	_ =	shalt  }
0x68: {  	_ =	shalt  }
0x69: {  	_ =	shalt  }
0x6a: {  	_ =	shalt  }
0x6b: {  	_ =	shalt  }
0x6c: {  	_ =	shalt  }
0x6d: {  	_ =	shalt  }
0x6e: {  	_ =	shalt  }
0x6f: {  	_ =	shalt  }
0x70: {  	_ =	shalt  }
0x71: {  	_ =	shalt  }
0x72: {  	_ =	shalt  }
0x73: {  	_ =	shalt  }
0x74: {  	_ =	shalt  }
0x75: {  	_ =	shalt  }
0x76: {  	_ =	shalt  }
0x77: {  	_ =	shalt  }
0x78: {  	_ =	shalt  }
0x79: {  	_ =	shalt  }
0x7a: {  	_ =	shalt  }
0x7b: {  	_ =	shalt  }
0x7c: {  	_ =	shalt  }
0x7d: {  	_ =	shalt  }
0x7e: {  	_ =	shalt  }
0x7f: {  	_ =	shalt  }
0x80: {  	_ =	shalt  }
0x81: {  	_ =	shalt  }
0x82: {  	_ =	shalt  }
0x83: {  	_ =	shalt  }
0x84: {  	_ =	shalt  }
0x85: {  	_ =	shalt  }
0x86: {  	_ =	shalt  }
0x87: {  	_ =	shalt  }
.Lfunc_end0:
.L_simem_size_0:
called_computation_lowered:
.L_overlay_start_0:
0x88: {  	s2 =	sld [smem:$0x3FD9]  }
0x89: {  	s3 =	sld [smem:$0x3FFE];
	_ =	sdelay $0x1  }
0x8a: {  	s1 =	srdreg.scid  }
0x8b: {  	s0 =	sand.u32 $0x1, s1  }
0x8c: {  	s14 =	sshll.u32 s0, $0xA;
	s2 =	sadd.s32 s3, s2  }
0x8d: {  	s2 =	sadd.s32 s2, s14  }
0x8e: {  	[smem:$0x3FC4] =	sst s2  }
0x8f: {  	_ = 	snop  }
0x90: {  	s2 =	sld [smem:$0x3FD0];
	_ =	sdelay $0x2  }
0x91: {  	s15 =	simm.s32 $0xA;
	s4 =	simm.s32 $0x10  }
0x92: {  	[smem:s4], [sflag:s15] =	dma.local [hbm:s2], $0x1  }
0x93: {  	_ =	swait.eq [sflag:s15], $0x1  }
0x94: {  	[sflag:s15] =	ssyncset.done $0x0  }
0x95: {  	[sflag:s15] =	ssyncadd.s32 $0xFFFFFFFF  }
0x96: {  	s16 =	sld [smem:$0x10];
	(tm) =	ssettm $0x1  }
0x97: {  	s17 =	sld [smem:$0x3FFB];
	_ =	sdelay $0x3  }
0x98: {  	_ =	strace s17  }
0x99: {  	s3 =	sld [smem:$0x3FFC];
	_ =	sdelay $0x3  }
0x9a: {  	_ =	strace s3  }
0x9b: {  	s3 =	sld [smem:$0x3FFD];
	_ =	sdelay $0x3  }
0x9c: {  	_ =	strace s3  }
0x9d: {  	_ =	strace $0x8FFFFFFF  }
0x9e: {  	s18 =	sld [smem:$0x3FDB];
	_ =	sdelay $0x1  }
0x9f: {  	s19 =	simm.s32 $_scs_section_size  }
0xa0: {  	s5 =	simm.s32 $_size__tile_overlayer_lowered;
	s6 =	simm.s32 $_tile_overlayer_lowered  }
0xa1: {  	s22 =	simm.s32 $0x1BFF;
	s21 =	sshll.u32 s6, $0x1;
	s3 =	sadd.s32 s19, s18  }
0xa2: {  	s7 =	simm.s32 $0x0;
	s20 =	sshll.u32 s5, $0x1;
	s5 =	sadd.s32 s21, s3  }
0xa3: {  	[timem:s7], [sflag:s22] =	dma.local [hbm:s5], s20  }
0xa4: {  	_ =	swait.ge [sflag:s22], s20  }
0xa5: {  	s4 =	ssub.s32 $0x0, s20;
	[sflag:s22] =	ssyncset.done $0x0  }
0xa6: {  	[sflag:s22] =	ssyncadd.s32 s4;
	_ =	sdelay $0x1  }
0xa7: {  	s23 =	simm.s32 $0x1B8B  }
0xa8: {  	_ =	swait.ge [sflag:s23], $0x1  }
0xa9: {  	[sflag:s23] =	ssyncset.done $0x0  }
0xaa: {  	s25 =	simm.s32 $0x1B8E;
	s24 =	sld [smem:$0x3FFE];
	[sflag:s23] =	ssyncadd.s32 $0xFFFFFFFF  }
0xab: {  	s26 =	simm.s32 $execute0_lowered;
	[smem:$0x3FD2] =	sst s25  }
0xac: {  	s5 =	sshll.u32 s26, $0x1;
	_ =	strace $0x80000046;
	[dreg:$0x1] =	wrdreg $0xFFFFFFFF  }
0xad: {  	s28 =	simm.s32 $_size_execute0_lowered;
	s3 =	sadd.s32 s3, s5;
	[dreg:$0x0] =	wrdreg $0x0  }
0xae: {  	s5 =	sshll.u32 s28, $0x1;
	[dreg:$0x2] =	wrdreg s3  }
0xaf: {  	[dreg:$0x3] =	wrdreg s5  }
0xb0: {  	[dreg:$0x4] =	wrdreg $0xC0  }
0xb1: {  	_ =	task [dreg:s7], $0x5FFFF  }
0xb2: {  	[dreg:$0x1] =	wrdreg $0xFFFFFFFF  }
0xb3: {  	[dreg:$0x0] =	wrdreg $0x60  }
0xb4: {  	[dreg:$0x2] =	wrdreg s16  }
0xb5: {  	[dreg:$0x3] =	wrdreg s24  }
0xb6: {  	[dreg:$0x4] =	wrdreg $0x9  }
0xb7: {  	_ =	task.clear_ibuf [dreg:s7], $0x5FFFF;
	_ =	strace $0x90000046  }
0xb8: {  	s29 =	simm.s32 $0x9;
	_ =	strace $0x80000048  }
0xb9: {  	_ =	swait.ge [sflag:s29], $0x1  }
0xba: {  	[sflag:s29] =	ssyncadd.s32 $0xFFFFFFFF  }
0xbb: {  	_ =	strace $0x90000048  }
0xbc: {  	_ =	sfence  }
0xbd: {  	s30 =	sld [smem:$0x0];
	_ =	sdelay $0x2  }
0xbe: {  	s31 =	sshll.u32 s1, $0xD;
	s1 =	sshrl.u32 s1, $0x2  }
0xbf: {  	s3 =	sand.u32 $0x4000, s31;
	s1 =	sadd.s32 s1, s30  }
0xc0: {  	s0 =	sor.u32 s3, s0;
	s1 =	sshll.u32 s1, $0x11  }
0xc1: {  	s0 =	sor.u32 s1, s0  }
0xc2: {  	s0 =	sadd.s32 $0x8F2B, s0  }
0xc3: {  	[sflag:s0] =	ssyncadd.remote.s32 $0x1  }
0xc4: {  	_ =	sfence.sel $0xFFFF  }
0xc5: {  	[dreg:$0x0] =	wrdreg $0xFFFFFFFF;
	(pc) =	sbr.abs _section_cstart, $3  }
0xc6: {  	[dreg:$0x1] =	wrdreg $0xFFFFFFFF  }
0xc7: {  	_ =	task.clear_ibuf [dreg:s7], $0x2FFFF;
	_ =	strace $0x9FFFFFFF  }
0xc8: {  	(tm) =	ssettm $0x7FFFFFFF  }
0xc9: {  	_ =	shalt  }
tec
execute0_lowered:
.L_overlay_start_1:
0x0: {  	(tag) =	ssettag $0x1  }
0x1: {  	s1 =	srdreg.scid;
	s3 =	rddreg [dreg:$0x0]  }
0x2: {  	s0 =	stileid.u32;
	s5 =	rddreg [dreg:$0x1];
	s2 =	simm.s32 $0x0  }
0x3: {  	s12 =	simm.s32 $0x19000;
	s14 =	simm.s32 $0x19400;
	s15 =	simm.s32 $0x19800  }
0x4: {  	s17 =	simm.s32 $0x19C00;
	s18 =	simm.s32 $0x0;
	s4 =	sand.u32 $0x1, s1  }
0x5: {  	s29 =	sshll.u32 s0, $0x1;
	s1 =	rddreg [dreg:$0x2];
	s11 =	smul.u32 $0x1900, s0  }
0x6: {  	[smem:$0x7FF] =	sst s2;
	s6 =	sor.u32 s4, s29;
	s30 =	smul.u32 $0xC80, s4  }
0x7: {  	s9 =	ssub.s32 $0x2, s4;
	s7 =	smul.u32 $0xC80, s6;
	s6 =	sshll.u32 s6, $0x7  }
0x8: {  	_ =	strace $0x80000047;
	s10 =	sshrl.u32 s9, $0x1;
	s6 =	sadd.s32 s6, s5  }
0x9: {  	s9 =	ssub.s32 s9, s10;
	s31 =	sadd.s32 s30, s11;
	s10 =	simm.s32 $0x1  }
0xa: {  	s11 =	simm.s32 $0xC800;
	s8 =	sadd.s32 s7, s5;
	s3 =	sadd.s32 s3, s7  }
0xb: {  	s5 =	sadd.s32 $0x33800, s6;
	s6 =	sadd.s32 $0x35800, s6;
	s7 =	smax.u32 s9, $0x1  }
0xc: {  	[dreg:$0x3] =	wrdreg s31;
	s9 =	simm.s32 $0xC8000;
	s4 =	sadd.s32 $0x1800, s8  }
0xd: {  	vm0 =	vmxor vm0, vm0;
	v0 =	vimm.s32 $0x0;
	v1 =	vimm.f32 $0.0e+00;
	s8 =	simm.s32 $0x6400;
	s13 =	sadd.s32 $0x1000, s5;
	s16 =	sadd.s32 $0x1000, s6  }
.LBB2_1:
0xe: {  	v2 =	vimm.f32 $0.0e+00  }
0xf: {  	v4 =	vimm.f32 $0.0e+00;
	v6 =	vimm.f32 $0.0e+00;
	v8 =	vimm.f32 $0.0e+00  }
0x10: {  	v10 =	vimm.f32 $0.0e+00;
	v12 =	vimm.f32 $0.0e+00;
	v14 =	vimm.f32 $0.0e+00  }
0x11: {  	v16 =	vimm.f32 $0.0e+00;
	v18 =	vimm.f32 $0.0e+00;
	v19 =	vimm.f32 $0.0e+00  }
0x12: {  	[tilespmem:s2], [sflag:$0x1] =	stream.strided.gather [hbm4b:s3+s8], $0xC800, s9, s8, $0x38;
	v21 =	vimm.f32 $0.0e+00;
	v3 =	vimm.f32 $0.0e+00;
	v5 =	vimm.f32 $0.0e+00;
	[tilespmem:$0x1A000] =	vst v63  }
0x13: {  	v7 =	vimm.f32 $0.0e+00;
	v9 =	vimm.f32 $0.0e+00;
	v11 =	vimm.f32 $0.0e+00;
	_ =	swait.ge [sflag:s10], $0xC800  }
0x14: {  	v13 =	vimm.f32 $0.0e+00;
	v15 =	vimm.f32 $0.0e+00;
	v17 =	vimm.f32 $0.0e+00;
	s19 =	simm.s32 $0x0;
	[sflag:s10] =	ssyncset.done $0x0  }
0x15: {  	s20 =	simm.s32 $0x0;
	s21 =	simm.s32 $0x0;
	v20 =	vimm.f32 $0.0e+00;
	v22 =	vimm.f32 $0.0e+00;
	v23 =	vimm.f32 $0.0e+00;
	[sflag:s10] =	ssyncadd.s32 $0xFFFF3800  }
.LBB2_2:
0x16: {  	s22 =	sand.u32 $0x70, s21;
	s23 =	sand.u32 $0x7C00, s20  }
0x17: {  	s22 =	sor.u32 s22, s23  }
0x18: {  	v24 =	vld [tilespmem:s22+$0x0]  }
0x19: {  	v25 =	vld [tilespmem:s22+$0x80]  }
0x1a: {  	v26 =	vld [tilespmem:s22+$0x100]  }
0x1b: {  	s29 =	sand.u32 $0x7, s19;
	v27 =	vld [tilespmem:s22+$0x180]  }
0x1c: {  	s23 =	sshll.u32 s29, $0x4;
	v28 =	vld [tilespmem:s22+$0x200]  }
0x1d: {  	s23 =	sadd.s32 s23, s20;
	v29 =	vld [tilespmem:s22+$0x280]  }
0x1e: {  	v30 =	vld [tilespmem:s22+$0x300];
	s23 =	sor.u32 $0x380, s23;
	v31 =	vmax.f32 v24, v25  }
0x1f: {  	v32 =	vld [tilespmem:s23+$0x0];
	v31 =	vmax.f32 v31, v26  }
0x20: {  	v33 =	vld [tilespmem:s22+$0x6400];
	v31 =	vmax.f32 v31, v27  }
0x21: {  	v34 =	vld [tilespmem:s22+$0x6480];
	v31 =	vmax.f32 v31, v28  }
0x22: {  	v35 =	vld [tilespmem:s22+$0x6500];
	v31 =	vmax.f32 v31, v29  }
0x23: {  	v31 =	vmax.f32 v31, v30  }
0x24: {  	v31 =	vmax.f32 v31, v32  }
0x25: {  	v31 =	vmax.f32 v31, v33  }
0x26: {  	v31 =	vmax.f32 v31, v34  }
0x27: {  	v31 =	vmax.f32 v31, v35  }
0x28: {  	v24 =	vsub.f32 v24, v31  }
0x29: {  	v25 =	vsub.f32 v25, v31  }
0x2a: {  	v24 =	vmul.f32 $1.442695020e+00, v24  }
0x2b: {  	v26 =	vsub.f32 v26, v31;
	v25 =	vmul.f32 $1.442695020e+00, v25  }
0x2c: {  	(erf) = vpow2.f32 v24  }
0x2d: {  	v36 =	vsub.f32 v27, v31;
	v63 =	vmul.f32 $1.442695020e+00, v26;
	(erf) = vpow2.f32 v25;
	_ =	sdelay $0x1  }
0x2e: {  	v38 =	vsub.f32 v28, v31;
	v37 =	vmul.f32 $1.442695020e+00, v36;
	(erf) = vpow2.f32 v63;
	_ =	sdelay $0x1  }
0x2f: {  	v40 =	vsub.f32 v29, v31;
	v39 =	vmul.f32 $1.442695020e+00, v38;
	(erf) = vpow2.f32 v37;
	_ =	sdelay $0x1  }
0x30: {  	v42 =	vsub.f32 v30, v31;
	v41 =	vmul.f32 $1.442695020e+00, v40;
	(erf) = vpow2.f32 v39;
	_ =	sdelay $0x1  }
0x31: {  	v45 =	vsub.f32 v32, v31;
	v44 =	vmul.f32 $1.442695020e+00, v42;
	v43 =	vpop (erf);
	(erf) = vpow2.f32 v41  }
0x32: {  	v47 =	vsub.f32 v33, v31;
	v46 =	vpop (erf)  }
0x33: {  	v48 =	vmul.f32 $1.442695020e+00, v45;
	(erf) = vpow2.f32 v44;
	v49 =	vadd.f32 v46, v43  }
0x34: {  	v51 =	vsub.f32 v34, v31;
	v50 =	vpop (erf)  }
0x35: {  	v28 =	vmul.f32 $1.442695020e+00, v47;
	(erf) = vpow2.f32 v48;
	v25 =	vadd.f32 v49, v50  }
0x36: {  	v53 =	vsub.f32 v35, v31;
	v52 =	vpop (erf)  }
0x37: {  	v24 =	vmul.f32 $1.442695020e+00, v51;
	(erf) = vpow2.f32 v28;
	v25 =	vadd.f32 v25, v52  }
0x38: {  	v54 =	vpop (erf)  }
0x39: {  	v55 =	vmul.f32 $1.442695020e+00, v53;
	(erf) = vpow2.f32 v24;
	v25 =	vadd.f32 v25, v54  }
0x3a: {  	v56 =	vpop (erf)  }
0x3b: {  	(erf) = vpow2.f32 v55;
	v57 =	vadd.f32 v25, v56  }
0x3c: {  	v58 =	vpop (erf)  }
0x3d: {  	v24 =	vadd.f32 v57, v58  }
0x3e: {  	v36 =	vpop (erf)  }
0x3f: {  	v24 =	vadd.f32 v24, v36  }
0x40: {  	v37 =	vpop (erf)  }
0x41: {  	v24 =	vadd.f32 v24, v37  }
0x42: {  	v38 =	vpop (erf)  }
0x43: {  	v24 =	vadd.f32 v24, v38  }
0x44: {  	v39 =	vpop (erf)  }
0x45: {  	v24 =	vadd.f32 v24, v39;
	_ =	sdelay $0x1  }
0x46: {  	(erf) = vrcp.f32 v24;
	_ =	sdelay $0x8  }
0x47: {  	v24 =	vpop (erf)  }
0x48: {  	v34 =	vmul.f32 v24, v43;
	v33 =	vmul.f32 v24, v46  }
0x49: {  	v32 =	vmul.f32 v24, v50;
	v31 =	vmul.f32 v24, v52  }
0x4a: {  	v30 =	vmul.f32 v24, v54;
	v29 =	vmul.f32 v24, v56  }
0x4b: {  	v28 =	vmul.f32 v24, v58;
	v27 =	vmul.f32 v24, v36  }
0x4c: {  	v26 =	vmul.f32 v24, v37;
	v25 =	vmul.f32 v24, v38;
	vm1 =	vge.f32 v34, v33  }
0x4d: {  	v24 =	vmul.f32 v24, v39;
	vm3 =	vge.f32 v34, v32;
	vm2 =	vmneg vm1  }
0x4e: {  	v59 =	vsel vm1, $0x1, v0;
	vm1 =	vmneg vm3;
	v61 =	vsel vm3, $0x1, v0  }
0x4f: {  	vm3 =	vge.f32 v34, v30;
	v60 =	vsel vm2, $0x1, v0;
	v62 =	vsel vm1, $0x1, v0  }
0x50: {  	vm1 =	vge.f32 v34, v31;
	v40 =	vsel vm3, $0x1, v0;
	v35 =	vadd.s32 v62, v60  }
0x51: {  	vm2 =	vmneg vm1;
	v63 =	vsel vm1, $0x1, v0;
	vm1 =	vmneg vm3  }
0x52: {  	vm3 =	vge.f32 v34, v27;
	v47 =	vsel vm2, $0x1, v0;
	v48 =	vsel vm1, $0x1, v0  }
0x53: {  	vm1 =	vge.f32 v34, v29;
	v43 =	vsel vm3, $0x1, v0;
	v35 =	vadd.s32 v47, v35  }
0x54: {  	vm2 =	vmneg vm1;
	v49 =	vsel vm1, $0x1, v0;
	vm1 =	vge.f32 v34, v28  }
0x55: {  	v35 =	vadd.s32 v48, v35;
	v41 =	vsel vm2, $0x1, v0;
	vm2 =	vmneg vm1  }
0x56: {  	v50 =	vsel vm1, $0x1, v0;
	vm1 =	vmneg vm3;
	v35 =	vadd.s32 v41, v35  }
0x57: {  	v42 =	vsel vm2, $0x1, v0;
	v51 =	vsel vm1, $0x1, v0;
	vm1 =	vge.f32 v34, v26  }
0x58: {  	v35 =	vadd.s32 v42, v35;
	vm2 =	vmneg vm1;
	v52 =	vsel vm1, $0x1, v0  }
0x59: {  	vm1 =	vge.f32 v34, v25;
	v35 =	vadd.s32 v51, v35;
	v44 =	vsel vm2, $0x1, v0  }
0x5a: {  	vm3 =	vge.f32 v34, v24;
	vm2 =	vmneg vm1;
	v35 =	vadd.s32 v44, v35  }
0x5b: {  	v44 =	vsel vm1, $0x1, v0;
	v45 =	vsel vm2, $0x1, v0;
	vm1 =	vmneg vm3  }
0x5c: {  	v35 =	vadd.s32 v45, v35;
	v53 =	vsel vm1, $0x1, v0;
	vm1 =	vge.f32 v33, v32  }
0x5d: {  	v46 =	vsel vm3, $0x1, v0;
	v35 =	vadd.s32 v53, v35;
	vm2 =	vmneg vm1  }
0x5e: {  	v54 =	vsel vm1, $0x1, v0;
	vm1 =	vge.f32 v33, v31;
	v47 =	vsel vm2, $0x1, v0  }
0x5f: {  	v37 =	vadd.s32 v54, v61;
	vm2 =	vmneg vm1;
	v55 =	vsel vm1, $0x1, v0  }
0x60: {  	vm1 =	vge.f32 v33, v30;
	vm12 =	vlt.u32 v35, $0x6;
	v36 =	vadd.s32 v47, v59  }
0x61: {  	v56 =	vsel vm2, $0x1, v0;
	v38 =	vadd.s32 v55, v63;
	vm2 =	vmneg vm1  }
0x62: {  	v57 =	vsel vm1, $0x1, v0;
	vm1 =	vge.f32 v33, v29;
	v36 =	vadd.s32 v56, v36  }
0x63: {  	v58 =	vsel vm2, $0x1, v0;
	v40 =	vadd.s32 v57, v40;
	vm2 =	vmneg vm1  }
0x64: {  	v59 =	vsel vm1, $0x1, v0;
	vm1 =	vge.f32 v33, v28;
	v36 =	vadd.s32 v58, v36  }
0x65: {  	v60 =	vsel vm2, $0x1, v0;
	v39 =	vadd.s32 v59, v49;
	vm2 =	vmneg vm1  }
0x66: {  	v61 =	vsel vm1, $0x1, v0;
	vm1 =	vge.f32 v33, v27;
	v36 =	vadd.s32 v60, v36  }
0x67: {  	v62 =	vsel vm2, $0x1, v0;
	v41 =	vadd.s32 v61, v50;
	vm2 =	vmneg vm1  }
0x68: {  	v63 =	vsel vm1, $0x1, v0;
	vm1 =	vge.f32 v33, v26;
	v36 =	vadd.s32 v62, v36  }
0x69: {  	v48 =	vsel vm2, $0x1, v0;
	v43 =	vadd.s32 v63, v43;
	vm2 =	vmneg vm1  }
0x6a: {  	v49 =	vsel vm1, $0x1, v0;
	vm1 =	vge.f32 v33, v25;
	v36 =	vadd.s32 v48, v36  }
0x6b: {  	v50 =	vsel vm2, $0x1, v0;
	v42 =	vadd.s32 v49, v52;
	vm2 =	vmneg vm1  }
0x6c: {  	v51 =	vsel vm1, $0x1, v0;
	vm1 =	vge.f32 v33, v24;
	v36 =	vadd.s32 v50, v36  }
0x6d: {  	v52 =	vsel vm2, $0x1, v0;
	v44 =	vadd.s32 v51, v44;
	vm2 =	vmneg vm1  }
0x6e: {  	v53 =	vsel vm1, $0x1, v0;
	vm1 =	vge.f32 v32, v31;
	v36 =	vadd.s32 v52, v36  }
0x6f: {  	v54 =	vsel vm2, $0x1, v0;
	v45 =	vadd.s32 v53, v46;
	vm2 =	vmneg vm1  }
0x70: {  	v55 =	vsel vm1, $0x1, v0;
	vm1 =	vge.f32 v32, v30;
	v36 =	vadd.s32 v54, v36  }
0x71: {  	v56 =	vsel vm2, $0x1, v0;
	v38 =	vadd.s32 v55, v38;
	vm2 =	vmneg vm1  }
0x72: {  	v57 =	vsel vm1, $0x1, v0;
	vm1 =	vge.f32 v32, v29;
	v37 =	vadd.s32 v56, v37  }
0x73: {  	v58 =	vsel vm2, $0x1, v0;
	v40 =	vadd.s32 v57, v40;
	vm2 =	vmneg vm1  }
0x74: {  	v59 =	vsel vm1, $0x1, v0;
	vm1 =	vge.f32 v32, v28;
	vm11 =	vlt.u32 v36, $0x6  }
0x75: {  	v37 =	vadd.s32 v58, v37;
	v60 =	vsel vm2, $0x1, v0;
	v39 =	vadd.s32 v59, v39  }
0x76: {  	vm2 =	vmneg vm1;
	v61 =	vsel vm1, $0x1, v0;
	vm1 =	vge.f32 v32, v27  }
0x77: {  	v37 =	vadd.s32 v60, v37;
	v62 =	vsel vm2, $0x1, v0;
	v41 =	vadd.s32 v61, v41  }
0x78: {  	vm2 =	vmneg vm1;
	v63 =	vsel vm1, $0x1, v0;
	vm1 =	vge.f32 v32, v26  }
0x79: {  	v37 =	vadd.s32 v62, v37;
	v48 =	vsel vm2, $0x1, v0;
	v43 =	vadd.s32 v63, v43  }
0x7a: {  	vm2 =	vmneg vm1;
	v49 =	vsel vm1, $0x1, v0;
	vm1 =	vge.f32 v32, v25  }
0x7b: {  	v37 =	vadd.s32 v48, v37;
	v50 =	vsel vm2, $0x1, v0;
	v42 =	vadd.s32 v49, v42  }
0x7c: {  	vm2 =	vmneg vm1;
	v51 =	vsel vm1, $0x1, v0;
	vm1 =	vge.f32 v32, v24  }
0x7d: {  	v37 =	vadd.s32 v50, v37;
	v52 =	vsel vm2, $0x1, v0;
	v44 =	vadd.s32 v51, v44  }
0x7e: {  	vm2 =	vmneg vm1;
	v53 =	vsel vm1, $0x1, v0;
	vm1 =	vge.f32 v31, v30  }
0x7f: {  	v37 =	vadd.s32 v52, v37;
	v54 =	vsel vm2, $0x1, v0;
	v45 =	vadd.s32 v53, v45  }
0x80: {  	vm2 =	vmneg vm1;
	v55 =	vsel vm1, $0x1, v0;
	vm1 =	vge.f32 v31, v29  }
0x81: {  	v37 =	vadd.s32 v54, v37;
	v56 =	vsel vm2, $0x1, v0;
	v40 =	vadd.s32 v55, v40  }
0x82: {  	vm2 =	vmneg vm1;
	v57 =	vsel vm1, $0x1, v0;
	vm1 =	vge.f32 v31, v28  }
0x83: {  	v38 =	vadd.s32 v56, v38;
	v58 =	vsel vm2, $0x1, v0;
	v39 =	vadd.s32 v57, v39  }
0x84: {  	vm2 =	vmneg vm1;
	v59 =	vsel vm1, $0x1, v0;
	vm1 =	vge.f32 v31, v27  }
0x85: {  	vm8 =	vlt.u32 v37, $0x6;
	v38 =	vadd.s32 v58, v38;
	v60 =	vsel vm2, $0x1, v0  }
0x86: {  	v41 =	vadd.s32 v59, v41;
	vm2 =	vmneg vm1;
	v61 =	vsel vm1, $0x1, v0  }
0x87: {  	vm1 =	vge.f32 v31, v26;
	v38 =	vadd.s32 v60, v38;
	v62 =	vsel vm2, $0x1, v0  }
0x88: {  	v43 =	vadd.s32 v61, v43;
	vm2 =	vmneg vm1;
	v63 =	vsel vm1, $0x1, v0  }
0x89: {  	vm1 =	vge.f32 v31, v25;
	v38 =	vadd.s32 v62, v38;
	v48 =	vsel vm2, $0x1, v0  }
0x8a: {  	v42 =	vadd.s32 v63, v42;
	vm2 =	vmneg vm1;
	v49 =	vsel vm1, $0x1, v0  }
0x8b: {  	vm1 =	vge.f32 v31, v24;
	v38 =	vadd.s32 v48, v38;
	v50 =	vsel vm2, $0x1, v0  }
0x8c: {  	v44 =	vadd.s32 v49, v44;
	vm2 =	vmneg vm1;
	v51 =	vsel vm1, $0x1, v0  }
0x8d: {  	vm1 =	vge.f32 v30, v29;
	v38 =	vadd.s32 v50, v38;
	v52 =	vsel vm2, $0x1, v0  }
0x8e: {  	v45 =	vadd.s32 v51, v45;
	vm2 =	vmneg vm1;
	v53 =	vsel vm1, $0x1, v0  }
0x8f: {  	vm1 =	vge.f32 v30, v28;
	v38 =	vadd.s32 v52, v38;
	v54 =	vsel vm2, $0x1, v0  }
0x90: {  	v39 =	vadd.s32 v53, v39;
	vm2 =	vmneg vm1;
	v55 =	vsel vm1, $0x1, v0  }
0x91: {  	vm1 =	vge.f32 v30, v27;
	v40 =	vadd.s32 v54, v40;
	v56 =	vsel vm2, $0x1, v0  }
0x92: {  	v41 =	vadd.s32 v55, v41;
	vm2 =	vmneg vm1;
	v57 =	vsel vm1, $0x1, v0  }
0x93: {  	vm1 =	vge.f32 v30, v26;
	vm10 =	vlt.u32 v38, $0x6;
	v40 =	vadd.s32 v56, v40  }
0x94: {  	v58 =	vsel vm2, $0x1, v0;
	v43 =	vadd.s32 v57, v43;
	vm2 =	vmneg vm1  }
0x95: {  	v59 =	vsel vm1, $0x1, v0;
	vm1 =	vge.f32 v30, v25;
	v40 =	vadd.s32 v58, v40  }
0x96: {  	v60 =	vsel vm2, $0x1, v0;
	v42 =	vadd.s32 v59, v42;
	vm2 =	vmneg vm1  }
0x97: {  	v61 =	vsel vm1, $0x1, v0;
	vm1 =	vge.f32 v30, v24;
	v40 =	vadd.s32 v60, v40  }
0x98: {  	v62 =	vsel vm2, $0x1, v0;
	v44 =	vadd.s32 v61, v44;
	vm2 =	vmneg vm1  }
0x99: {  	v63 =	vsel vm1, $0x1, v0;
	vm1 =	vge.f32 v29, v28;
	v40 =	vadd.s32 v62, v40  }
0x9a: {  	v48 =	vsel vm2, $0x1, v0;
	v45 =	vadd.s32 v63, v45;
	vm2 =	vmneg vm1  }
0x9b: {  	v49 =	vsel vm1, $0x1, v0;
	vm1 =	vge.f32 v29, v27;
	v40 =	vadd.s32 v48, v40  }
0x9c: {  	v50 =	vsel vm2, $0x1, v0;
	v41 =	vadd.s32 v49, v41;
	vm2 =	vmneg vm1  }
0x9d: {  	v51 =	vsel vm1, $0x1, v0;
	vm1 =	vge.f32 v29, v26;
	v39 =	vadd.s32 v50, v39  }
0x9e: {  	v52 =	vsel vm2, $0x1, v0;
	v43 =	vadd.s32 v51, v43;
	vm2 =	vmneg vm1  }
0x9f: {  	v53 =	vsel vm1, $0x1, v0;
	vm1 =	vge.f32 v29, v25;
	vm9 =	vlt.u32 v40, $0x6  }
0xa0: {  	v39 =	vadd.s32 v52, v39;
	v54 =	vsel vm2, $0x1, v0;
	v42 =	vadd.s32 v53, v42  }
0xa1: {  	vm2 =	vmneg vm1;
	v55 =	vsel vm1, $0x1, v0;
	vm1 =	vge.f32 v29, v24  }
0xa2: {  	v40 =	vnsel vm9, $0x0, v30;
	v39 =	vadd.s32 v54, v39;
	v56 =	vsel vm2, $0x1, v0  }
0xa3: {  	v44 =	vadd.s32 v55, v44;
	vm2 =	vmneg vm1;
	v57 =	vsel vm1, $0x1, v0  }
0xa4: {  	vm1 =	vge.f32 v28, v27;
	v55 =	vnsel vm12, $0x0, v34;
	v39 =	vadd.s32 v56, v39  }
0xa5: {  	v58 =	vsel vm2, $0x1, v0;
	v45 =	vadd.s32 v57, v45;
	vm2 =	vmneg vm1  }
0xa6: {  	v59 =	vsel vm1, $0x1, v0;
	vm1 =	vge.f32 v28, v26;
	v56 =	vnsel vm11, $0x0, v33  }
0xa7: {  	v39 =	vadd.s32 v58, v39;
	v60 =	vsel vm2, $0x1, v0;
	v43 =	vadd.s32 v59, v43  }
0xa8: {  	vm2 =	vmneg vm1;
	v61 =	vsel vm1, $0x1, v0;
	vm1 =	vge.f32 v28, v25  }
0xa9: {  	v36 =	vadd.f32 v56, v55;
	v59 =	vnsel vm8, $0x0, v32;
	v41 =	vadd.s32 v60, v41  }
0xaa: {  	v62 =	vsel vm2, $0x1, v0;
	v42 =	vadd.s32 v61, v42;
	vm2 =	vmneg vm1  }
0xab: {  	v63 =	vsel vm1, $0x1, v0;
	vm1 =	vge.f32 v28, v24;
	vm6 =	vlt.u32 v39, $0x6  }
0xac: {  	v41 =	vadd.s32 v62, v41;
	v48 =	vsel vm2, $0x1, v0;
	v44 =	vadd.s32 v63, v44  }
0xad: {  	vm2 =	vmneg vm1;
	v49 =	vsel vm1, $0x1, v0;
	vm1 =	vge.f32 v27, v26  }
0xae: {  	v36 =	vadd.f32 v36, v59;
	v62 =	vnsel vm10, $0x0, v31;
	v39 =	vnsel vm6, $0x0, v29  }
0xaf: {  	v41 =	vadd.s32 v48, v41;
	v50 =	vsel vm2, $0x1, v0;
	v45 =	vadd.s32 v49, v45  }
0xb0: {  	vm2 =	vmneg vm1;
	v51 =	vsel vm1, $0x1, v0;
	vm1 =	vge.f32 v27, v25  }
0xb1: {  	v41 =	vadd.s32 v50, v41;
	v52 =	vsel vm2, $0x1, v0;
	v42 =	vadd.s32 v51, v42  }
0xb2: {  	vm2 =	vmneg vm1;
	v53 =	vsel vm1, $0x1, v0;
	vm1 =	vge.f32 v27, v24  }
0xb3: {  	v36 =	vadd.f32 v36, v62;
	v43 =	vadd.s32 v52, v43;
	v54 =	vadd.s32 v53, v44  }
0xb4: {  	v57 =	vsel vm2, $0x1, v0;
	v60 =	vsel vm1, $0x1, v0;
	vm1 =	vmneg vm1  }
0xb5: {  	vm7 =	vlt.u32 v41, $0x6;
	v58 =	vadd.s32 v57, v43;
	v61 =	vadd.s32 v60, v45  }
0xb6: {  	v63 =	vsel vm1, $0x1, v0;
	vm1 =	vge.f32 v26, v25;
	v36 =	vadd.f32 v36, v40  }
0xb7: {  	v48 =	vnsel vm7, $0x0, v28;
	v45 =	vsel vm1, $0x1, v0;
	vm1 =	vmneg vm1  }
0xb8: {  	v37 =	vadd.s32 v63, v58;
	v35 =	vadd.s32 v45, v54;
	v46 =	vsel vm1, $0x1, v0  }
0xb9: {  	v36 =	vadd.f32 v36, v39;
	vm1 =	vge.f32 v26, v24;
	vm5 =	vlt.u32 v37, $0x6  }
0xba: {  	v47 =	vadd.s32 v46, v42;
	vm2 =	vmneg vm1;
	v50 =	vnsel vm5, $0x0, v27  }
0xbb: {  	v36 =	vadd.f32 v36, v48;
	v49 =	vsel vm2, $0x1, v0;
	vm2 =	vge.f32 v25, v24  }
0xbc: {  	v51 =	vsel vm1, $0x1, v0;
	v37 =	vadd.s32 v49, v47;
	vm3 =	vmneg vm2  }
0xbd: {  	v36 =	vadd.f32 v36, v50;
	v52 =	vsel vm3, $0x1, v0;
	vm3 =	vlt.u32 v37, $0x6  }
0xbe: {  	v53 =	vadd.s32 v51, v61;
	v35 =	vadd.s32 v52, v35;
	v54 =	vnsel vm3, $0x0, v26  }
0xbf: {  	v55 =	vsel vm2, $0x1, v0;
	vm2 =	vlt.u32 v35, $0x6;
	v56 =	vadd.f32 v36, v54  }
0xc0: {  	v57 =	vadd.s32 v55, v53;
	v58 =	vnsel vm2, $0x0, v25  }
0xc1: {  	vm1 =	vlt.u32 v57, $0x6;
	v35 =	vadd.f32 v56, v58  }
0xc2: {  	v36 =	vnsel vm1, $0x0, v24  }
0xc3: {  	v35 =	vadd.f32 v35, v36  }
0xc4: {  	s24 =	rddreg [dreg:$0x3]  }
0xc5: {  	s24 =	sadd.s32 s21, s24;
	(erf) = vrcp.f32 v35  }
0xc6: {  	vm4 =	vmmov vm0;
	p0 =	slt.u32 s24, $0x18800  }
0xc7: {  	vm4 =	vmneg @p0 vm4  }
0xc8: {  	vm14 =	vmand vm4, vm10  }
0xc9: {  	vm13 =	vmand vm4, vm8;
	vm15 =	vmand vm4, vm9;
	v44 =	vsel vm14, $0x3F800000, v1  }
0xca: {  	v16 =	vadd.f32 v44, v16;
	v42 =	vsel vm13, $0x3F800000, v1;
	vm13 =	vmand vm4, vm7  }
0xcb: {  	vm14 =	vmand vm4, vm5;
	v18 =	vadd.f32 v42, v18;
	v47 =	vsel vm15, $0x3F800000, v1  }
0xcc: {  	v14 =	vadd.f32 v47, v14;
	v55 =	vsel vm14, $0x3F800000, v1;
	vm15 =	vmand vm4, vm3  }
0xcd: {  	v52 =	vsel vm13, $0x3F800000, v1;
	v8 =	vadd.f32 v55, v8;
	v58 =	vsel vm15, $0x3F800000, v1  }
0xce: {  	v10 =	vadd.f32 v52, v10;
	v6 =	vadd.f32 v58, v6;
	v35 =	vpop (erf)  }
0xcf: {  	v59 =	vmul.f32 v35, v34;
	v34 =	vpsel !p0, $0x0, v34;
	v61 =	vmul.f32 v35, v33  }
0xd0: {  	v33 =	vpsel !p0, $0x0, v33;
	v40 =	vmul.f32 v35, v32;
	v32 =	vpsel !p0, $0x0, v32  }
0xd1: {  	v41 =	vmul.f32 v35, v31;
	v31 =	vpsel !p0, $0x0, v31;
	v45 =	vmul.f32 v35, v30  }
0xd2: {  	v30 =	vpsel !p0, $0x0, v30;
	v48 =	vmul.f32 v35, v29;
	v29 =	vpsel !p0, $0x0, v29  }
0xd3: {  	v49 =	vmul.f32 v35, v28;
	v28 =	vpsel !p0, $0x0, v28;
	v53 =	vmul.f32 v35, v27  }
0xd4: {  	v27 =	vpsel !p0, $0x0, v27;
	v56 =	vmul.f32 v35, v26;
	v26 =	vpsel !p0, $0x0, v26  }
0xd5: {  	v57 =	vmul.f32 v35, v25;
	v23 =	vadd.f32 v34, v23;
	v22 =	vadd.f32 v33, v22  }
0xd6: {  	v25 =	vpsel !p0, $0x0, v25;
	v20 =	vadd.f32 v32, v20;
	v17 =	vadd.f32 v31, v17  }
0xd7: {  	v15 =	vadd.f32 v30, v15;
	v13 =	vadd.f32 v29, v13;
	v36 =	vnsel vm12, $0x0, v59  }
0xd8: {  	v11 =	vadd.f32 v28, v11;
	v9 =	vadd.f32 v27, v9;
	v62 =	vnsel vm11, $0x0, v61;
	[tilespmem:s22+$0xC800] =	vst v36  }
0xd9: {  	v7 =	vadd.f32 v26, v7;
	v5 =	vadd.f32 v25, v5;
	v33 =	vnsel vm8, $0x0, v40;
	[tilespmem:s22+$0xC880] =	vst v62  }
0xda: {  	vm12 =	vmand vm4, vm12;
	v43 =	vnsel vm10, $0x0, v41;
	v46 =	vnsel vm9, $0x0, v45;
	[tilespmem:s22+$0xC900] =	vst v33  }
0xdb: {  	v30 =	vnsel vm6, $0x0, v48;
	v51 =	vnsel vm7, $0x0, v49;
	v54 =	vnsel vm5, $0x0, v53;
	[tilespmem:s22+$0xC980] =	vst v43  }
0xdc: {  	v27 =	vnsel vm3, $0x0, v56;
	v59 =	vnsel vm2, $0x0, v57;
	vm2 =	vmand vm4, vm2;
	[tilespmem:s22+$0xCA00] =	vst v46  }
0xdd: {  	v61 =	vmul.f32 v35, v24;
	v24 =	vpsel !p0, $0x0, v24;
	p0 =	sne.s32 s21, $0xC70;
	v60 =	vsel vm12, $0x3F800000, v1;
	[tilespmem:s22+$0xCA80] =	vst v30  }
.Ltmp0:
0xde: {  	vm12 =	vmand vm4, vm11;
	[tilespmem:s22+$0xCB00] =	vst v51;
	v3 =	vadd.f32 v24, v3;
	v21 =	vadd.f32 v60, v21;
	(pc) =	sbr.rel @p0 .LBB2_2-.Ltmp0, $4  }
0xdf: {  	s30 =	sadd.s32 $0x6400, s22;
	v63 =	vsel vm12, $0x3F800000, v1;
	vm12 =	vmand vm4, vm6;
	[tilespmem:s23+$0xC800] =	vst v54;
	v60 =	vsel vm2, $0x3F800000, v1  }
0xe0: {  	s31 =	sadd.s32 $0x6480, s22;
	vm2 =	vmand vm4, vm1;
	v62 =	vnsel vm1, $0x0, v61;
	v19 =	vadd.f32 v63, v19;
	[tilespmem:s30+$0xC800] =	vst v27  }
0xe1: {  	s22 =	sadd.s32 $0x6500, s22;
	v50 =	vsel vm12, $0x3F800000, v1;
	v4 =	vadd.f32 v60, v4;
	v63 =	vsel vm2, $0x3F800000, v1;
	[tilespmem:s31+$0xC800] =	vst v59  }
0xe2: {  	s19 =	sadd.s32 $0x1, s19;
	s20 =	sadd.s32 $0x80, s20;
	s21 =	sadd.s32 $0x10, s21;
	v12 =	vadd.f32 v50, v12;
	v2 =	vadd.f32 v63, v2;
	[tilespmem:s22+$0xC800] =	vst v62  }
0xe3: {  	[hbm4b:s4+s8] =	stream.strided.scatter [tilespmem:s11], [sflag:$0x1], $0xC800, s9, s8, $0x38;
	[tilespmem:$0x1A000] =	vst v63  }
0xe4: {  	_ =	swait.ge [sflag:s10], $0xC800  }
0xe5: {  	[sflag:s10] =	ssyncset.done $0x0  }
0xe6: {  	[sflag:s10] =	ssyncadd.s32 $0xFFFF3800  }
0xe7: {  	[tilespmem:$0x19000] =	vst v23  }
0xe8: {  	[tilespmem:$0x19800] =	vst v21  }
0xe9: {  	[tilespmem:$0x19010] =	vst v1  }
0xea: {  	[tilespmem:$0x19810] =	vst v1  }
0xeb: {  	[tilespmem:$0x19020] =	vst v1  }
0xec: {  	[tilespmem:$0x19820] =	vst v1  }
0xed: {  	[tilespmem:$0x19030] =	vst v1  }
0xee: {  	[tilespmem:$0x19830] =	vst v1  }
0xef: {  	[tilespmem:$0x19040] =	vst v1  }
0xf0: {  	[tilespmem:$0x19840] =	vst v1  }
0xf1: {  	[tilespmem:$0x19050] =	vst v1  }
0xf2: {  	[tilespmem:$0x19850] =	vst v1  }
0xf3: {  	[tilespmem:$0x19060] =	vst v1  }
0xf4: {  	[tilespmem:$0x19860] =	vst v1  }
0xf5: {  	[tilespmem:$0x19070] =	vst v1  }
0xf6: {  	[tilespmem:$0x19870] =	vst v1  }
0xf7: {  	[tilespmem:$0x19080] =	vst v22  }
0xf8: {  	[tilespmem:$0x19880] =	vst v19  }
0xf9: {  	[tilespmem:$0x19090] =	vst v1  }
0xfa: {  	[tilespmem:$0x19890] =	vst v1  }
0xfb: {  	[tilespmem:$0x190A0] =	vst v1  }
0xfc: {  	[tilespmem:$0x198A0] =	vst v1  }
0xfd: {  	[tilespmem:$0x190B0] =	vst v1  }
0xfe: {  	[tilespmem:$0x198B0] =	vst v1  }
0xff: {  	[tilespmem:$0x190C0] =	vst v1  }
0x100: {  	[tilespmem:$0x198C0] =	vst v1  }
0x101: {  	[tilespmem:$0x190D0] =	vst v1  }
0x102: {  	[tilespmem:$0x198D0] =	vst v1  }
0x103: {  	[tilespmem:$0x190E0] =	vst v1  }
0x104: {  	[tilespmem:$0x198E0] =	vst v1  }
0x105: {  	[tilespmem:$0x190F0] =	vst v1  }
0x106: {  	[tilespmem:$0x198F0] =	vst v1  }
0x107: {  	[tilespmem:$0x19100] =	vst v20  }
0x108: {  	[tilespmem:$0x19900] =	vst v18  }
0x109: {  	[tilespmem:$0x19110] =	vst v1  }
0x10a: {  	[tilespmem:$0x19910] =	vst v1  }
0x10b: {  	[tilespmem:$0x19120] =	vst v1  }
0x10c: {  	[tilespmem:$0x19920] =	vst v1  }
0x10d: {  	[tilespmem:$0x19130] =	vst v1  }
0x10e: {  	[tilespmem:$0x19930] =	vst v1  }
0x10f: {  	[tilespmem:$0x19140] =	vst v1  }
0x110: {  	[tilespmem:$0x19940] =	vst v1  }
0x111: {  	[tilespmem:$0x19150] =	vst v1  }
0x112: {  	[tilespmem:$0x19950] =	vst v1  }
0x113: {  	[tilespmem:$0x19160] =	vst v1  }
0x114: {  	[tilespmem:$0x19960] =	vst v1  }
0x115: {  	[tilespmem:$0x19170] =	vst v1  }
0x116: {  	[tilespmem:$0x19970] =	vst v1  }
0x117: {  	[tilespmem:$0x19180] =	vst v17  }
0x118: {  	[tilespmem:$0x19980] =	vst v16  }
0x119: {  	[tilespmem:$0x19190] =	vst v1  }
0x11a: {  	[tilespmem:$0x19990] =	vst v1  }
0x11b: {  	[tilespmem:$0x191A0] =	vst v1  }
0x11c: {  	[tilespmem:$0x199A0] =	vst v1  }
0x11d: {  	[tilespmem:$0x191B0] =	vst v1  }
0x11e: {  	[tilespmem:$0x199B0] =	vst v1  }
0x11f: {  	[tilespmem:$0x191C0] =	vst v1  }
0x120: {  	[tilespmem:$0x199C0] =	vst v1  }
0x121: {  	[tilespmem:$0x191D0] =	vst v1  }
0x122: {  	[tilespmem:$0x199D0] =	vst v1  }
0x123: {  	[tilespmem:$0x191E0] =	vst v1  }
0x124: {  	[tilespmem:$0x199E0] =	vst v1  }
0x125: {  	[tilespmem:$0x191F0] =	vst v1  }
0x126: {  	[tilespmem:$0x199F0] =	vst v1  }
0x127: {  	[tilespmem:$0x19200] =	vst v15  }
0x128: {  	[tilespmem:$0x19A00] =	vst v14  }
0x129: {  	[tilespmem:$0x19210] =	vst v1  }
0x12a: {  	[tilespmem:$0x19A10] =	vst v1  }
0x12b: {  	[tilespmem:$0x19220] =	vst v1  }
0x12c: {  	[tilespmem:$0x19A20] =	vst v1  }
0x12d: {  	[tilespmem:$0x19230] =	vst v1  }
0x12e: {  	[tilespmem:$0x19A30] =	vst v1  }
0x12f: {  	[tilespmem:$0x19240] =	vst v1  }
0x130: {  	[tilespmem:$0x19A40] =	vst v1  }
0x131: {  	[tilespmem:$0x19250] =	vst v1  }
0x132: {  	[tilespmem:$0x19A50] =	vst v1  }
0x133: {  	[tilespmem:$0x19260] =	vst v1  }
0x134: {  	[tilespmem:$0x19A60] =	vst v1  }
0x135: {  	[tilespmem:$0x19270] =	vst v1  }
0x136: {  	[tilespmem:$0x19A70] =	vst v1  }
0x137: {  	[tilespmem:$0x19280] =	vst v13  }
0x138: {  	[tilespmem:$0x19A80] =	vst v12  }
0x139: {  	[tilespmem:$0x19290] =	vst v1  }
0x13a: {  	[tilespmem:$0x19A90] =	vst v1  }
0x13b: {  	[tilespmem:$0x192A0] =	vst v1  }
0x13c: {  	[tilespmem:$0x19AA0] =	vst v1  }
0x13d: {  	[tilespmem:$0x192B0] =	vst v1  }
0x13e: {  	[tilespmem:$0x19AB0] =	vst v1  }
0x13f: {  	[tilespmem:$0x192C0] =	vst v1  }
0x140: {  	[tilespmem:$0x19AC0] =	vst v1  }
0x141: {  	[tilespmem:$0x192D0] =	vst v1  }
0x142: {  	[tilespmem:$0x19AD0] =	vst v1  }
0x143: {  	[tilespmem:$0x192E0] =	vst v1  }
0x144: {  	[tilespmem:$0x19AE0] =	vst v1  }
0x145: {  	[tilespmem:$0x192F0] =	vst v1  }
0x146: {  	[tilespmem:$0x19AF0] =	vst v1  }
0x147: {  	[tilespmem:$0x19300] =	vst v11  }
0x148: {  	[tilespmem:$0x19B00] =	vst v10  }
0x149: {  	[tilespmem:$0x19310] =	vst v1  }
0x14a: {  	[tilespmem:$0x19B10] =	vst v1  }
0x14b: {  	[tilespmem:$0x19320] =	vst v1  }
0x14c: {  	[tilespmem:$0x19B20] =	vst v1  }
0x14d: {  	[tilespmem:$0x19330] =	vst v1  }
0x14e: {  	[tilespmem:$0x19B30] =	vst v1  }
0x14f: {  	[tilespmem:$0x19340] =	vst v1  }
0x150: {  	[tilespmem:$0x19B40] =	vst v1  }
0x151: {  	[tilespmem:$0x19350] =	vst v1  }
0x152: {  	[tilespmem:$0x19B50] =	vst v1  }
0x153: {  	[tilespmem:$0x19360] =	vst v1  }
0x154: {  	[tilespmem:$0x19B60] =	vst v1  }
0x155: {  	[tilespmem:$0x19370] =	vst v1  }
0x156: {  	[tilespmem:$0x19B70] =	vst v1  }
0x157: {  	[tilespmem:$0x19380] =	vst v9  }
0x158: {  	[tilespmem:$0x19B80] =	vst v8  }
0x159: {  	[tilespmem:$0x19390] =	vst v1  }
0x15a: {  	[tilespmem:$0x19B90] =	vst v1  }
0x15b: {  	[tilespmem:$0x193A0] =	vst v1  }
0x15c: {  	[tilespmem:$0x19BA0] =	vst v1  }
0x15d: {  	[tilespmem:$0x193B0] =	vst v1  }
0x15e: {  	[tilespmem:$0x19BB0] =	vst v1  }
0x15f: {  	[tilespmem:$0x193C0] =	vst v1  }
0x160: {  	[tilespmem:$0x19BC0] =	vst v1  }
0x161: {  	[tilespmem:$0x193D0] =	vst v1  }
0x162: {  	[tilespmem:$0x19BD0] =	vst v1  }
0x163: {  	[tilespmem:$0x193E0] =	vst v1  }
0x164: {  	[tilespmem:$0x19BE0] =	vst v1  }
0x165: {  	[tilespmem:$0x193F0] =	vst v1  }
0x166: {  	[tilespmem:$0x19BF0] =	vst v1  }
0x167: {  	[tilespmem:$0x19400] =	vst v7  }
0x168: {  	[tilespmem:$0x19C00] =	vst v6  }
0x169: {  	[tilespmem:$0x19410] =	vst v1  }
0x16a: {  	[tilespmem:$0x19C10] =	vst v1  }
0x16b: {  	[tilespmem:$0x19420] =	vst v1  }
0x16c: {  	[tilespmem:$0x19C20] =	vst v1  }
0x16d: {  	[tilespmem:$0x19430] =	vst v1  }
0x16e: {  	[tilespmem:$0x19C30] =	vst v1  }
0x16f: {  	[tilespmem:$0x19440] =	vst v1  }
0x170: {  	[tilespmem:$0x19C40] =	vst v1  }
0x171: {  	[tilespmem:$0x19450] =	vst v1  }
0x172: {  	[tilespmem:$0x19C50] =	vst v1  }
0x173: {  	[tilespmem:$0x19460] =	vst v1  }
0x174: {  	[tilespmem:$0x19C60] =	vst v1  }
0x175: {  	[tilespmem:$0x19470] =	vst v1  }
0x176: {  	[tilespmem:$0x19C70] =	vst v1  }
0x177: {  	[tilespmem:$0x19480] =	vst v5  }
0x178: {  	[tilespmem:$0x19C80] =	vst v4  }
0x179: {  	[tilespmem:$0x19490] =	vst v1  }
0x17a: {  	[tilespmem:$0x19C90] =	vst v1  }
0x17b: {  	[tilespmem:$0x194A0] =	vst v1  }
0x17c: {  	[tilespmem:$0x19CA0] =	vst v1  }
0x17d: {  	[tilespmem:$0x194B0] =	vst v1  }
0x17e: {  	[tilespmem:$0x19CB0] =	vst v1  }
0x17f: {  	[tilespmem:$0x194C0] =	vst v1  }
0x180: {  	[tilespmem:$0x19CC0] =	vst v1  }
0x181: {  	[tilespmem:$0x194D0] =	vst v1  }
0x182: {  	[tilespmem:$0x19CD0] =	vst v1  }
0x183: {  	[tilespmem:$0x194E0] =	vst v1  }
0x184: {  	[tilespmem:$0x19CE0] =	vst v1  }
0x185: {  	[tilespmem:$0x194F0] =	vst v1  }
0x186: {  	[tilespmem:$0x19CF0] =	vst v1  }
0x187: {  	[tilespmem:$0x19500] =	vst v3  }
0x188: {  	[tilespmem:$0x19D00] =	vst v2  }
0x189: {  	[tilespmem:$0x19510] =	vst v1  }
0x18a: {  	[tilespmem:$0x19D10] =	vst v1  }
0x18b: {  	[tilespmem:$0x19520] =	vst v1  }
0x18c: {  	[tilespmem:$0x19D20] =	vst v1  }
0x18d: {  	[tilespmem:$0x19530] =	vst v1  }
0x18e: {  	[tilespmem:$0x19D30] =	vst v1  }
0x18f: {  	[tilespmem:$0x19540] =	vst v1  }
0x190: {  	[tilespmem:$0x19D40] =	vst v1  }
0x191: {  	[tilespmem:$0x19550] =	vst v1  }
0x192: {  	[tilespmem:$0x19D50] =	vst v1  }
0x193: {  	[tilespmem:$0x19560] =	vst v1  }
0x194: {  	[tilespmem:$0x19D60] =	vst v1  }
0x195: {  	[tilespmem:$0x19570] =	vst v1  }
0x196: {  	[tilespmem:$0x19D70] =	vst v1  }
0x197: {  	[hbm4b:s5+s2] =	stream.linear.scatter [tilespmem:s12], [sflag:$0x1], $0x400, $0x38;
	[tilespmem:$0x1A000] =	vst v63  }
0x198: {  	_ = 	snop  }
0x199: {  	[hbm4b:s13+s2] =	stream.linear.scatter [tilespmem:s14], [sflag:$0x1], $0x180, $0x38;
	[tilespmem:$0x1A000] =	vst v63  }
0x19a: {  	_ =	swait.ge [sflag:s10], $0x580  }
0x19b: {  	s18 =	sadd.s32 $0x1, s18;
	[sflag:s10] =	ssyncset.done $0x0  }
0x19c: {  	p0 =	sne.s32 s18, s7;
	[sflag:s10] =	ssyncadd.s32 $0xFFFFFA80  }
0x19d: {  	[hbm4b:s6+s2] =	stream.linear.scatter [tilespmem:s15], [sflag:$0x1], $0x400, $0x38;
	[tilespmem:$0x1A000] =	vst v63  }
.Ltmp1:
0x19e: {  	_ = 	snop;
	(pc) =	sbr.rel @p0 .LBB2_1-.Ltmp1, $4  }
0x19f: {  	[hbm4b:s16+s2] =	stream.linear.scatter [tilespmem:s17], [sflag:$0x1], $0x180, $0x38;
	[tilespmem:$0x1A000] =	vst v63  }
0x1a0: {  	_ =	swait.ge [sflag:s10], $0x580  }
0x1a1: {  	[sflag:s10] =	ssyncset.done $0x0  }
0x1a2: {  	[sflag:s10] =	ssyncadd.s32 $0xFFFFFA80  }
0x1a3: {  	_ =	sfence.sel $0x180000  }
0x1a4: {  	[bflag:$0x0] =	sbarrier.arrive $0xFFFF  }
0x1a5: {  	p0 =	sne.s32 s0, $0x0;
	_ =	strace $0x90000047  }
0x1a6: {  	s0 =	sadd.s32 @!p0 $0x100000, s1;
	[bflag:$0x2] =	sbarrier.arrive $0xFFFF  }
0x1a7: {  	[sflag:s0] =	ssyncadd.tile.s32 @!p0 $0x1;
	_ =	shalt  }
.Lfunc_end2:
_tile_overlayer_lowered:
.L_overlay_start_2:
0x1a8: {  	(tag) =	ssettag $0x2  }
0x1a9: {  	s0 =	rddreg [dreg:$0x0];
	s2 =	stileid.u32  }
0x1aa: {  	s1 =	rddreg [dreg:$0x1];
	p0 =	sne.s32 s2, $0x0  }
0x1ab: {  	s3 =	rddreg [dreg:$0x2];
	[bflag:$0x3] =	sbarrier.arrive $0xFFFF;
	s2 =	simm.s32 @!p0 $0x1C01  }
0x1ac: {  	[timem:s3], [sflag:s2] =	dma.local @!p0 [hbm:s0], s1  }
0x1ad: {  	s0 =	simm.s32 @!p0 $0x1  }
0x1ae: {  	_ =	swait.ge @!p0 [sflag:s0], s1  }
0x1af: {  	s1 =	ssub.s32 @!p0 $0x0, s1;
	[sflag:s0] =	ssyncset.done @!p0 $0x0  }
0x1b0: {  	[sflag:s0] =	ssyncadd.s32 @!p0 s1  }
0x1b1: {  	[bflag:$0x3] =	sbarrier.arrive $0xFFFF  }
0x1b2: {  	_ =	shalt  }

</sc_bundles>
